<compile_context>
chip_gen: v7x
topology: tpu7x:2x2x1
jax: 0.10.2.dev20260603
libtpu: 0.0.44.dev20260713+nightly
codegen_flags: <defaults>
</compile_context>

<pallas_src>
import functools

import jax
import jax.numpy as jnp
from jax import lax
from jax.experimental import pallas as pl
from jax.experimental.pallas import tpu as pltpu
from jax.experimental.pallas import tpu_sc as plsc

N_NODES = 10000
N_EDGES = 320000
VOCAB = 128
HIDDEN = 64
N_CLASSES = 20
N_DOCS = 64

NC = 2
NS = 16
NTILES = NC * NS
CH = 128
NCH = 80
CHUNKS = N_EDGES // CH
TAIL_NCH = CHUNKS - (NTILES - 1) * NCH
PADN = 10112
RPT = PADN // NS

BLK = 2000
NBLK = N_NODES // BLK

_mesh = plsc.VectorSubcoreMesh(
    core_axis_name="c", subcore_axis_name="s", num_cores=NC, num_subcores=NS)
_sc_params = pltpu.CompilerParams(use_tc_tiling_on_sc=False)
_sc_params_nl = pltpu.CompilerParams(use_tc_tiling_on_sc=False,
                                     needs_layout_passes=False)



DEGR = 640
DEG_RPT = DEGR // NS


@functools.partial(
    pl.kernel,
    out_type=jax.ShapeDtypeStruct((NC, DEGR, 16), jnp.float32),
    mesh=_mesh,
    compiler_params=_sc_params_nl,
    scratch_types=[
        pltpu.VMEM((NCH, CH), jnp.int32),
        pltpu.VMEM((5, CH), jnp.int32),
        pltpu.VMEM((DEGR, 16), jnp.float32),
        pltpu.VMEM_SHARED((DEGR, 16), jnp.float32),
    ],
)
def _sc_degree(dsts_hbm, zeros_hbm, ids_hbm, out_hbm, dst_v, ids_v, deg_l, acc):
    c = lax.axis_index("c")
    s = lax.axis_index("s")
    wid = c * NS + s

    @pl.when(wid < NTILES - 1)
    def _():
        pltpu.sync_copy(dsts_hbm.at[pl.ds(wid * NCH, NCH)], dst_v)

    @pl.when(wid == NTILES - 1)
    def _():
        pltpu.sync_copy(dsts_hbm.at[pl.ds((NTILES - 1) * NCH, TAIL_NCH)],
                        dst_v.at[pl.ds(0, TAIL_NCH)])

    pltpu.sync_copy(ids_hbm, ids_v)
    pltpu.sync_copy(zeros_hbm.at[pl.ds(s * DEG_RPT, DEG_RPT)],
                    acc.at[pl.ds(s * DEG_RPT, DEG_RPT)])
    pltpu.sync_copy(zeros_hbm, deg_l)
    ones = jnp.ones((16,), jnp.float32)

    def step(i, carry):
        j = i // 8
        col = (i % 8) * 16
        idx = dst_v[j, pl.ds(col, 16)]
        plsc.addupdate_scatter(deg_l, [idx >> 4, idx & 15], ones)
        return carry

    lax.fori_loop(0, jnp.where(wid == NTILES - 1, TAIL_NCH * 8, NCH * 8),
                  step, 0)
    plsc.subcore_barrier()
    for k in range(DEGR // CH):
        pltpu.sync_copy(deg_l.at[pl.ds(k * CH, CH)], acc.at[ids_v.at[k]],
                        add=True)
    plsc.subcore_barrier()
    pltpu.sync_copy(acc.at[pl.ds(s * DEG_RPT, DEG_RPT)],
                    out_hbm.at[c, pl.ds(s * DEG_RPT, DEG_RPT)])


def _make_propagate(depth):
    @functools.partial(
        pl.kernel,
        out_type=jax.ShapeDtypeStruct((NC, PADN, HIDDEN), jnp.float32),
        mesh=_mesh,
        compiler_params=_sc_params,
        scratch_types=[
            pltpu.VMEM((NCH, CH), jnp.int32),
            pltpu.VMEM((NCH, CH), jnp.int32),
            [pltpu.VMEM((CH, HIDDEN), jnp.float32)] * depth,
            pltpu.VMEM_SHARED((PADN, HIDDEN), jnp.float32),
            [pltpu.SemaphoreType.DMA] * depth,
            [pltpu.SemaphoreType.DMA] * depth,
        ],
    )
    def prop(g_hbm, srcs_hbm, dsts_hbm, out_hbm,
             src_v, dst_v, rows, acc, gsems, ssems):
        c = lax.axis_index("c")
        s = lax.axis_index("s")

        def zrow(i, carry):
            col = (i % 4) * 16
            rows[0][i // 4, pl.ds(col, 16)] = jnp.zeros((16,), jnp.float32)
            return carry

        lax.fori_loop(0, CH * 4, zrow, 0)
        for k in range(5):
            n = CH if k < 4 else RPT - 4 * CH
            pltpu.sync_copy(rows[0].at[pl.ds(0, n)],
                            acc.at[pl.ds(s * RPT + k * CH, n)])
        plsc.subcore_barrier()

        def chunk(i, carry):
            j = i * depth
            g = [pltpu.async_copy(g_hbm.at[src_v.at[j + k]], rows[k], gsems[k])
                 for k in range(depth)]
            sc = []
            for k in range(depth):
                g[k].wait()
                sc.append(pltpu.async_copy(rows[k], acc.at[dst_v.at[j + k]],
                                           ssems[k], add=True))
            for k in range(depth):
                sc[k].wait()
            return carry

        wid = c * NS + s

        @pl.when(wid < NTILES - 1)
        def _():
            pltpu.sync_copy(srcs_hbm.at[pl.ds(wid * NCH, NCH)], src_v)
            pltpu.sync_copy(dsts_hbm.at[pl.ds(wid * NCH, NCH)], dst_v)

        @pl.when(wid == NTILES - 1)
        def _():
            pltpu.sync_copy(srcs_hbm.at[pl.ds((NTILES - 1) * NCH, TAIL_NCH)],
                            src_v.at[pl.ds(0, TAIL_NCH)])
            pltpu.sync_copy(dsts_hbm.at[pl.ds((NTILES - 1) * NCH, TAIL_NCH)],
                            dst_v.at[pl.ds(0, TAIL_NCH)])

        lax.fori_loop(0, jnp.where(wid == NTILES - 1, TAIL_NCH // depth,
                                   NCH // depth),
                      chunk, 0)
        plsc.subcore_barrier()
        pltpu.sync_copy(acc.at[pl.ds(s * RPT, RPT)],
                        out_hbm.at[c, pl.ds(s * RPT, RPT)])

    return prop


_sc_propagate = _make_propagate(5)



def _tc1_body(x_ref, w1_ref, d0_ref, d1_ref, dinv_ref, g1_ref):
    deg = d0_ref[...] + d1_ref[...] + 1.0
    dinv = lax.rsqrt(deg)
    dinv_ref[...] = dinv
    h = jnp.dot(x_ref[...], w1_ref[...], preferred_element_type=jnp.float32)
    g1_ref[...] = h * dinv


def _tc2_body(p0_ref, p1_ref, g1_ref, dinv_ref, b1_ref, w2_ref, g2_ref):
    dinv = dinv_ref[...]
    pre = dinv * (p0_ref[...] + p1_ref[...] + g1_ref[...]) + b1_ref[...]
    out1 = jnp.maximum(pre, 0.0)
    g2_ref[...] = jnp.dot(out1, w2_ref[...],
                          preferred_element_type=jnp.float32) * dinv


def _tc3_body(q0_ref, q1_ref, g2_ref, dinv_ref, b2_ref, batch_ref,
              wc_ref, bc_ref, out_ref, acc_ref):
    i = pl.program_id(0)

    @pl.when(i == 0)
    def _():
        acc_ref[...] = jnp.zeros_like(acc_ref)

    dinv = dinv_ref[...]
    pre = dinv * (q0_ref[...] + q1_ref[...] + g2_ref[...]) + b2_ref[...]
    h = jnp.maximum(pre, 0.0)
    hx = jnp.concatenate([h, jnp.ones((BLK, 1), jnp.float32)], axis=1)
    docs = lax.broadcasted_iota(jnp.int32, (N_DOCS, 1), 0).astype(jnp.float32)
    onehot_t = (docs == batch_ref[0]).astype(jnp.float32)
    acc_ref[...] += jnp.dot(onehot_t, hx,
                            preferred_element_type=jnp.float32)

    @pl.when(i == NBLK - 1)
    def _():
        sums = acc_ref[:, :HIDDEN]
        counts = acc_ref[:, HIDDEN:HIDDEN + 1]
        pooled = sums / jnp.maximum(counts, 1.0)
        logits = jnp.dot(pooled, wc_ref[...],
                         preferred_element_type=jnp.float32) + bc_ref[...]
        m = jnp.max(logits, axis=1, keepdims=True)
        lse = jnp.log(jnp.sum(jnp.exp(logits - m), axis=1, keepdims=True)) + m
        out_ref[...] = logits - lse


_tc1 = pl.pallas_call(
    _tc1_body,
    grid=(NBLK,),
    in_specs=[
        pl.BlockSpec((BLK, VOCAB), lambda i: (i, 0)),
        pl.BlockSpec((VOCAB, HIDDEN), lambda i: (0, 0)),
        pl.BlockSpec((BLK, 1), lambda i: (i, 0)),
        pl.BlockSpec((BLK, 1), lambda i: (i, 0)),
    ],
    out_specs=[
        pl.BlockSpec((BLK, 1), lambda i: (i, 0)),
        pl.BlockSpec((BLK, HIDDEN), lambda i: (i, 0)),
    ],
    out_shape=[
        jax.ShapeDtypeStruct((N_NODES, 1), jnp.float32),
        jax.ShapeDtypeStruct((N_NODES, HIDDEN), jnp.float32),
    ],
)

_tc2 = pl.pallas_call(
    _tc2_body,
    grid=(NBLK,),
    in_specs=[
        pl.BlockSpec((BLK, HIDDEN), lambda i: (i, 0)),
        pl.BlockSpec((BLK, HIDDEN), lambda i: (i, 0)),
        pl.BlockSpec((BLK, HIDDEN), lambda i: (i, 0)),
        pl.BlockSpec((BLK, 1), lambda i: (i, 0)),
        pl.BlockSpec((1, HIDDEN), lambda i: (0, 0)),
        pl.BlockSpec((HIDDEN, HIDDEN), lambda i: (0, 0)),
    ],
    out_specs=pl.BlockSpec((BLK, HIDDEN), lambda i: (i, 0)),
    out_shape=jax.ShapeDtypeStruct((N_NODES, HIDDEN), jnp.float32),
)

_tc3 = pl.pallas_call(
    _tc3_body,
    grid=(NBLK,),
    in_specs=[
        pl.BlockSpec((BLK, HIDDEN), lambda i: (i, 0)),
        pl.BlockSpec((BLK, HIDDEN), lambda i: (i, 0)),
        pl.BlockSpec((BLK, HIDDEN), lambda i: (i, 0)),
        pl.BlockSpec((BLK, 1), lambda i: (i, 0)),
        pl.BlockSpec((1, HIDDEN), lambda i: (0, 0)),
        pl.BlockSpec((1, 1, BLK), lambda i: (i, 0, 0)),
        pl.BlockSpec((HIDDEN, N_CLASSES), lambda i: (0, 0)),
        pl.BlockSpec((1, N_CLASSES), lambda i: (0, 0)),
    ],
    out_specs=pl.BlockSpec((N_DOCS, N_CLASSES), lambda i: (0, 0)),
    out_shape=jax.ShapeDtypeStruct((N_DOCS, N_CLASSES), jnp.float32),
    scratch_shapes=[pltpu.VMEM((N_DOCS, HIDDEN + 1), jnp.float32)],
)



def kernel(x, edge_index, batch, W1, b1, W2, b2, Wc, bc):
    src_p = edge_index[0].astype(jnp.int32).reshape(CHUNKS, CH)
    dst_p = edge_index[1].astype(jnp.int32).reshape(CHUNKS, CH)

    zerosd = jnp.zeros((DEGR, 16), jnp.float32)
    ids = jnp.arange(DEGR, dtype=jnp.int32).reshape(5, CH)

    degw = _sc_degree(dst_p, zerosd, ids)
    d0 = degw[0].reshape(DEGR * 16)[:N_NODES, None]
    d1 = degw[1].reshape(DEGR * 16)[:N_NODES, None]

    dinv, g1 = _tc1(x, W1, d0, d1)

    P = _sc_propagate(g1, src_p, dst_p)
    g2 = _tc2(P[0, :N_NODES], P[1, :N_NODES], g1, dinv,
              b1.reshape(1, HIDDEN), W2)

    Q = _sc_propagate(g2, src_p, dst_p)
    out = _tc3(Q[0, :N_NODES], Q[1, :N_NODES], g2, dinv,
               b2.reshape(1, HIDDEN),
               batch.astype(jnp.float32).reshape(NBLK, 1, BLK),
               Wc, bc.reshape(1, N_CLASSES))
    return out

# --- scband reference (transcript-rebuilt; emitter-appended) ---
"""Pipeline reference for scband-document-gcn-81836306858614 (READ-ONLY COPY).

The authoritative reference and input builder live on the scoring server;
editing this copy changes nothing except your own understanding.
"""

import jax, jax.numpy as jnp
import numpy as np

N_NODES = 10000
N_EDGES = 320000
VOCAB = 128
HIDDEN = 64
N_CLASSES = 20
N_DOCS = 64


def _xavier(key, shape):
    fan_in, fan_out = shape[0], shape[1]
    limit = float(np.sqrt(6.0 / (fan_in + fan_out)))
    return jax.random.uniform(key, shape, dtype=jnp.float32, minval=-limit, maxval=limit)


def setup_inputs(seed: int = 0) -> dict:
    key = jax.random.key(seed)
    k_x, k_e, k_b, k_w1, k_w2, k_wc = jax.random.split(key, 6)
    x = jax.random.normal(k_x, (N_NODES, VOCAB), dtype=jnp.float32)
    edge_index = jax.random.randint(k_e, (2, N_EDGES), 0, N_NODES, dtype=jnp.int64 if jax.config.jax_enable_x64 else jnp.int32)
    batch = jnp.sort(jax.random.randint(k_b, (N_NODES,), 0, N_DOCS, dtype=jnp.int32))
    W1 = _xavier(k_w1, (VOCAB, HIDDEN))
    b1 = jnp.zeros((HIDDEN,), dtype=jnp.float32)
    W2 = _xavier(k_w2, (HIDDEN, HIDDEN))
    b2 = jnp.zeros((HIDDEN,), dtype=jnp.float32)
    Wc = _xavier(k_wc, (HIDDEN, N_CLASSES))
    bc = jnp.zeros((N_CLASSES,), dtype=jnp.float32)
    return {"x": x, "edge_index": edge_index, "batch": batch, "W1": W1, "b1": b1, "W2": W2, "b2": b2, "Wc": Wc, "bc": bc}


def _gcn_conv(x, src, dst, norm, W, b):
    h = x @ W
    msg = jnp.take(h, src, axis=0) * norm[:, None]
    out = jnp.zeros((x.shape[0], W.shape[1]), dtype=x.dtype).at[dst].add(msg)
    return out + b


def _loops_and_norm(edge_index, num_nodes):
    loop = jnp.arange(num_nodes, dtype=edge_index.dtype)
    src = jnp.concatenate([edge_index[0], loop])
    dst = jnp.concatenate([edge_index[1], loop])
    deg = jnp.zeros((num_nodes,), dtype=jnp.float32).at[dst].add(1.0)
    dinv = jnp.where(deg > 0, deg ** -0.5, 0.0)
    norm = dinv[src] * dinv[dst]
    return src, dst, norm


def reference(x, edge_index, batch, W1, b1, W2, b2, Wc, bc):
    src, dst, norm = _loops_and_norm(edge_index, x.shape[0])
    h = _gcn_conv(x, src, dst, norm, W1, b1)
    h = jax.nn.relu(h)
    # dropout: identity in eval mode
    h = _gcn_conv(h, src, dst, norm, W2, b2)
    h = jax.nn.relu(h)
    # global mean pool over documents
    sums = jax.ops.segment_sum(h, batch, num_segments=N_DOCS)
    counts = jax.ops.segment_sum(jnp.ones((h.shape[0],), dtype=jnp.float32), batch, num_segments=N_DOCS)
    pooled = sums / jnp.maximum(counts, 1.0)[:, None]
    logits = pooled @ Wc + bc
    return jax.nn.log_softmax(logits, axis=1)

if __name__ == "__main__":
    import jax
    _d = setup_inputs()
    print(jax.jit(kernel)(*tuple(_d.values())))

</pallas_src>

<mosaic_0001>
#map = affine_map<(d0, d1) -> (0, 0)>
#map1 = affine_map<(d0, d1) -> (0, 0, 0)>
module attributes {stable_mosaic.version = 14 : i64} {
  func.func @_sc_degree(%arg0: i32, %arg1: i32, %arg2: memref<2500x128xi32, #tpu.memory_space<hbm>>, %arg3: memref<640x16xf32, #tpu.memory_space<hbm>>, %arg4: memref<5x128xi32, #tpu.memory_space<hbm>>, %arg5: memref<2x640x16xf32, #tpu.memory_space<hbm>>, %arg6: memref<80x128xi32, #tpu.memory_space<vmem>>, %arg7: memref<5x128xi32, #tpu.memory_space<vmem>>, %arg8: memref<640x16xf32, #tpu.memory_space<vmem>>, %arg9: memref<640x16xf32, #tpu.memory_space<vmem_shared>>) attributes {dimension_semantics = [#tpu.dimension_semantics<core_parallel>, #tpu.dimension_semantics<subcore_parallel>], iteration_bounds = array<i64: 2, 16>, scalar_prefetch = 0 : i64, scratch_operands = 4 : i64, tpu.core_type = #tpu.core_type<sc_vector_subcore>, window_params = [{transform_indices = #map}, {transform_indices = #map}, {transform_indices = #map}, {transform_indices = #map1}]} {
    %mul3A = arith.constant 16 : i32
    %mul3A_0 = arith.muli %arg0, %mul3A : i32
    %add3A = arith.addi %mul3A_0, %arg1 : i32
    %lt3A = arith.constant 31 : i32
    %lt3A_1 = arith.cmpi slt, %add3A, %lt3A : i32
    %convert_element_type3A = arith.extui %lt3A_1 : i1 to i32
    %cond3A = arith.constant 0 : i32
    %cond3A_2 = arith.cmpi ne, %convert_element_type3A, %cond3A : i32
    scf.if %cond3A_2 {
      %mul3A_33 = arith.constant 80 : i32
      %mul3A_34 = arith.muli %add3A, %mul3A_33 : i32
      "tpu.region"() ({
        %run_scoped3A_35 = tpu.sem_alloc : memref<!tpu.dma_semaphore, #tpu.memory_space<semaphore_mem>>
        %dma_start3A = arith.constant 0 : i32
        %dma_start3A_36 = tpu.memref_slice %arg2[%mul3A_34, %dma_start3A] : memref<2500x128xi32, #tpu.memory_space<hbm>> -> memref<80x128xi32, #tpu.memory_space<hbm>>
        %dma_start3A_37 = arith.constant 0 : i32
        %dma_start3A_38 = tpu.memref_slice %arg2[%mul3A_34, %dma_start3A_37] : memref<2500x128xi32, #tpu.memory_space<hbm>> -> memref<80x128xi32, #tpu.memory_space<hbm>>
        tpu.enqueue_dma source(%dma_start3A_38 : memref<80x128xi32, #tpu.memory_space<hbm>>) target(%arg6 : memref<80x128xi32, #tpu.memory_space<vmem>>) target_semaphore(%run_scoped3A_35 : memref<!tpu.dma_semaphore, #tpu.memory_space<semaphore_mem>>)
        %dma_wait3A = arith.constant 0 : i32
        %dma_wait3A_39 = tpu.memref_slice %arg2[%mul3A_34, %dma_wait3A] : memref<2500x128xi32, #tpu.memory_space<hbm>> -> memref<80x128xi32, #tpu.memory_space<hbm>>
        %dma_wait3A_40 = arith.constant 0 : i32
        %dma_wait3A_41 = tpu.memref_slice %arg2[%mul3A_34, %dma_wait3A_40] : memref<2500x128xi32, #tpu.memory_space<hbm>> -> memref<80x128xi32, #tpu.memory_space<hbm>>
        tpu.wait_dma2 semaphore(%run_scoped3A_35 : memref<!tpu.dma_semaphore, #tpu.memory_space<semaphore_mem>>) src(%dma_wait3A_41 : memref<80x128xi32, #tpu.memory_space<hbm>>) dst(%arg6 : memref<80x128xi32, #tpu.memory_space<vmem>>)
        tpu.yield
      }) : () -> ()
    } else {
    }
    %eq3A = arith.constant 31 : i32
    %eq3A_3 = arith.cmpi eq, %add3A, %eq3A : i32
    %convert_element_type3A_4 = arith.extui %eq3A_3 : i1 to i32
    %cond3A_5 = arith.constant 0 : i32
    %cond3A_6 = arith.cmpi ne, %convert_element_type3A_4, %cond3A_5 : i32
    scf.if %cond3A_6 {
      "tpu.region"() ({
        %run_scoped3A_33 = tpu.sem_alloc : memref<!tpu.dma_semaphore, #tpu.memory_space<semaphore_mem>>
        %dma_start3A = arith.constant 0 : i32
        %dma_start3A_34 = arith.constant 0 : i32
        %dma_start3A_35 = tpu.memref_slice %arg6[%dma_start3A, %dma_start3A_34] : memref<80x128xi32, #tpu.memory_space<vmem>> -> memref<20x128xi32, #tpu.memory_space<vmem>>
        %dma_start3A_36 = arith.constant 2480 : i32
        %dma_start3A_37 = arith.constant 0 : i32
        %dma_start3A_38 = tpu.memref_slice %arg2[%dma_start3A_36, %dma_start3A_37] : memref<2500x128xi32, #tpu.memory_space<hbm>> -> memref<20x128xi32, #tpu.memory_space<hbm>>
        %dma_start3A_39 = arith.constant 0 : i32
        %dma_start3A_40 = arith.constant 0 : i32
        %dma_start3A_41 = tpu.memref_slice %arg6[%dma_start3A_39, %dma_start3A_40] : memref<80x128xi32, #tpu.memory_space<vmem>> -> memref<20x128xi32, #tpu.memory_space<vmem>>
        %dma_start3A_42 = arith.constant 2480 : i32
        %dma_start3A_43 = arith.constant 0 : i32
        %dma_start3A_44 = tpu.memref_slice %arg2[%dma_start3A_42, %dma_start3A_43] : memref<2500x128xi32, #tpu.memory_space<hbm>> -> memref<20x128xi32, #tpu.memory_space<hbm>>
        tpu.enqueue_dma source(%dma_start3A_44 : memref<20x128xi32, #tpu.memory_space<hbm>>) target(%dma_start3A_41 : memref<20x128xi32, #tpu.memory_space<vmem>>) target_semaphore(%run_scoped3A_33 : memref<!tpu.dma_semaphore, #tpu.memory_space<semaphore_mem>>)
        %dma_wait3A = arith.constant 0 : i32
        %dma_wait3A_45 = arith.constant 0 : i32
        %dma_wait3A_46 = tpu.memref_slice %arg6[%dma_wait3A, %dma_wait3A_45] : memref<80x128xi32, #tpu.memory_space<vmem>> -> memref<20x128xi32, #tpu.memory_space<vmem>>
        %dma_wait3A_47 = arith.constant 2480 : i32
        %dma_wait3A_48 = arith.constant 0 : i32
        %dma_wait3A_49 = tpu.memref_slice %arg2[%dma_wait3A_47, %dma_wait3A_48] : memref<2500x128xi32, #tpu.memory_space<hbm>> -> memref<20x128xi32, #tpu.memory_space<hbm>>
        %dma_wait3A_50 = arith.constant 0 : i32
        %dma_wait3A_51 = arith.constant 0 : i32
        %dma_wait3A_52 = tpu.memref_slice %arg6[%dma_wait3A_50, %dma_wait3A_51] : memref<80x128xi32, #tpu.memory_space<vmem>> -> memref<20x128xi32, #tpu.memory_space<vmem>>
        %dma_wait3A_53 = arith.constant 2480 : i32
        %dma_wait3A_54 = arith.constant 0 : i32
        %dma_wait3A_55 = tpu.memref_slice %arg2[%dma_wait3A_53, %dma_wait3A_54] : memref<2500x128xi32, #tpu.memory_space<hbm>> -> memref<20x128xi32, #tpu.memory_space<hbm>>
        tpu.wait_dma2 semaphore(%run_scoped3A_33 : memref<!tpu.dma_semaphore, #tpu.memory_space<semaphore_mem>>) src(%dma_wait3A_55 : memref<20x128xi32, #tpu.memory_space<hbm>>) dst(%dma_wait3A_52 : memref<20x128xi32, #tpu.memory_space<vmem>>)
        tpu.yield
      }) : () -> ()
    } else {
    }
    "tpu.region"() ({
      %run_scoped3A_33 = tpu.sem_alloc : memref<!tpu.dma_semaphore, #tpu.memory_space<semaphore_mem>>
      tpu.enqueue_dma source(%arg4 : memref<5x128xi32, #tpu.memory_space<hbm>>) target(%arg7 : memref<5x128xi32, #tpu.memory_space<vmem>>) target_semaphore(%run_scoped3A_33 : memref<!tpu.dma_semaphore, #tpu.memory_space<semaphore_mem>>)
      tpu.wait_dma2 semaphore(%run_scoped3A_33 : memref<!tpu.dma_semaphore, #tpu.memory_space<semaphore_mem>>) src(%arg4 : memref<5x128xi32, #tpu.memory_space<hbm>>) dst(%arg7 : memref<5x128xi32, #tpu.memory_space<vmem>>)
      tpu.yield
    }) : () -> ()
    %mul3A_7 = arith.constant 40 : i32
    %mul3A_8 = arith.muli %arg1, %mul3A_7 : i32
    %mul3A_9 = arith.constant 40 : i32
    %mul3A_10 = arith.muli %arg1, %mul3A_9 : i32
    "tpu.region"() ({
      %run_scoped3A_33 = tpu.sem_alloc : memref<!tpu.dma_semaphore, #tpu.memory_space<semaphore_mem>>
      %dma_start3A = arith.constant 0 : i32
      %dma_start3A_34 = tpu.memref_slice %arg9[%mul3A_10, %dma_start3A] : memref<640x16xf32, #tpu.memory_space<vmem_shared>> -> memref<40x16xf32, #tpu.memory_space<vmem_shared>>
      %dma_start3A_35 = arith.constant 0 : i32
      %dma_start3A_36 = tpu.memref_slice %arg3[%mul3A_8, %dma_start3A_35] : memref<640x16xf32, #tpu.memory_space<hbm>> -> memref<40x16xf32, #tpu.memory_space<hbm>>
      tpu.enqueue_dma source(%dma_start3A_36 : memref<40x16xf32, #tpu.memory_space<hbm>>) target(%dma_start3A_34 : memref<40x16xf32, #tpu.memory_space<vmem_shared>>) target_semaphore(%run_scoped3A_33 : memref<!tpu.dma_semaphore, #tpu.memory_space<semaphore_mem>>)
      %dma_wait3A = arith.constant 0 : i32
      %dma_wait3A_37 = tpu.memref_slice %arg9[%mul3A_10, %dma_wait3A] : memref<640x16xf32, #tpu.memory_space<vmem_shared>> -> memref<40x16xf32, #tpu.memory_space<vmem_shared>>
      %dma_wait3A_38 = arith.constant 0 : i32
      %dma_wait3A_39 = tpu.memref_slice %arg3[%mul3A_8, %dma_wait3A_38] : memref<640x16xf32, #tpu.memory_space<hbm>> -> memref<40x16xf32, #tpu.memory_space<hbm>>
      tpu.wait_dma2 semaphore(%run_scoped3A_33 : memref<!tpu.dma_semaphore, #tpu.memory_space<semaphore_mem>>) src(%dma_wait3A_39 : memref<40x16xf32, #tpu.memory_space<hbm>>) dst(%dma_wait3A_37 : memref<40x16xf32, #tpu.memory_space<vmem_shared>>)
      tpu.yield
    }) : () -> ()
    "tpu.region"() ({
      %run_scoped3A_33 = tpu.sem_alloc : memref<!tpu.dma_semaphore, #tpu.memory_space<semaphore_mem>>
      tpu.enqueue_dma source(%arg3 : memref<640x16xf32, #tpu.memory_space<hbm>>) target(%arg8 : memref<640x16xf32, #tpu.memory_space<vmem>>) target_semaphore(%run_scoped3A_33 : memref<!tpu.dma_semaphore, #tpu.memory_space<semaphore_mem>>)
      tpu.wait_dma2 semaphore(%run_scoped3A_33 : memref<!tpu.dma_semaphore, #tpu.memory_space<semaphore_mem>>) src(%arg3 : memref<640x16xf32, #tpu.memory_space<hbm>>) dst(%arg8 : memref<640x16xf32, #tpu.memory_space<vmem>>)
      tpu.yield
    }) : () -> ()
    %broadcast_in_dim3A = arith.constant 1.000000e+00 : f32
    %broadcast_in_dim3A_11 = vector.broadcast %broadcast_in_dim3A : f32 to vector<16xf32>
    %eq3A_12 = arith.constant 31 : i32
    %eq3A_13 = arith.cmpi eq, %add3A, %eq3A_12 : i32
    %jit3A = arith.constant 160 : i32
    %jit3A_14 = arith.constant 640 : i32
    %select_n3A = arith.select %eq3A_13, %jit3A, %jit3A_14 : i32
    %while3A = arith.constant 0 : i32
    %while3A_15 = arith.constant 0 : i32
    %while3A_16 = arith.subi %select_n3A, %while3A_15 : i32
    %while3A_17 = arith.addi %while3A_15, %while3A_16 : i32
    %while3A_18 = arith.constant 1 : i32
    %while3A_19 = arith.divsi %while3A_16, %while3A_18 : i32
    %while3A_20 = arith.muli %while3A_19, %while3A_18 : i32
    %while3A_21 = arith.addi %while3A_15, %while3A_20 : i32
    %while3A_22 = arith.constant 1 : i32
    scf.for %while3A_33 = %while3A_15 to %while3A_21 step %while3A_22  : i32 {
      %jit3A_34 = arith.constant 8 : i32
      %div3A = arith.divsi %while3A_33, %jit3A_34 : i32
      %sign3A = arith.constant 0 : i32
      %sign3A_35 = arith.cmpi sgt, %while3A_33, %sign3A : i32
      %sign3A_36 = arith.extui %sign3A_35 : i1 to i32
      %sign3A_37 = arith.constant 0 : i32
      %sign3A_38 = arith.cmpi slt, %while3A_33, %sign3A_37 : i32
      %sign3A_39 = arith.extui %sign3A_38 : i1 to i32
      %sign3A_40 = arith.subi %sign3A_36, %sign3A_39 : i32
      %sign3A_41 = arith.constant 0 : i32
      %sign3A_42 = arith.cmpi sgt, %jit3A_34, %sign3A_41 : i32
      %sign3A_43 = arith.extui %sign3A_42 : i1 to i32
      %sign3A_44 = arith.constant 0 : i32
      %sign3A_45 = arith.cmpi slt, %jit3A_34, %sign3A_44 : i32
      %sign3A_46 = arith.extui %sign3A_45 : i1 to i32
      %sign3A_47 = arith.subi %sign3A_43, %sign3A_46 : i32
      %ne3A = arith.cmpi ne, %sign3A_40, %sign3A_47 : i32
      %rem3A = arith.remsi %while3A_33, %jit3A_34 : i32
      %ne3A_48 = arith.constant 0 : i32
      %ne3A_49 = arith.cmpi ne, %rem3A, %ne3A_48 : i32
      %and3A = arith.andi %ne3A, %ne3A_49 : i1
      %sub3A = arith.constant 1 : i32
      %sub3A_50 = arith.subi %div3A, %sub3A : i32
      %select_n3A_51 = arith.select %and3A, %sub3A_50, %div3A : i32
      %jit3A_52 = arith.constant 8 : i32
      %eq3A_53 = arith.constant 0 : i32
      %eq3A_54 = arith.cmpi eq, %jit3A_52, %eq3A_53 : i32
      %jit3A_55 = arith.constant 1 : i32
      %select_n3A_56 = arith.select %eq3A_54, %jit3A_55, %jit3A_52 : i32
      %rem3A_57 = arith.remsi %while3A_33, %select_n3A_56 : i32
      %ne3A_58 = arith.constant 0 : i32
      %ne3A_59 = arith.cmpi ne, %rem3A_57, %ne3A_58 : i32
      %lt3A_60 = arith.constant 0 : i32
      %lt3A_61 = arith.cmpi slt, %rem3A_57, %lt3A_60 : i32
      %lt3A_62 = arith.constant 0 : i32
      %lt3A_63 = arith.cmpi slt, %select_n3A_56, %lt3A_62 : i32
      %ne3A_64 = arith.xori %lt3A_61, %lt3A_63 : i1
      %and3A_65 = arith.andi %ne3A_64, %ne3A_59 : i1
      %add3A_66 = arith.addi %rem3A_57, %select_n3A_56 : i32
      %select_n3A_67 = arith.select %and3A_65, %add3A_66, %rem3A_57 : i32
      %mul3A_68 = arith.constant 16 : i32
      %mul3A_69 = arith.muli %select_n3A_67, %mul3A_68 : i32
      %get3A = arith.index_cast %select_n3A_51 : i32 to index
      %get3A_70 = arith.index_cast %mul3A_69 : i32 to index
      %get3A_71 = tpu.vector_load %arg6[%get3A, %get3A_70] {strides = array<i32>} : memref<80x128xi32, #tpu.memory_space<vmem>>, vector<16xi32>,
      %shift_right_arithmetic3A = arith.constant 4 : i32
      %shift_right_arithmetic3A_72 = vector.broadcast %shift_right_arithmetic3A : i32 to vector<16xi32>
      %shift_right_arithmetic3A_73 = arith.shrsi %get3A_71, %shift_right_arithmetic3A_72 : vector<16xi32>
      %and3A_74 = arith.constant 15 : i32
      %and3A_75 = vector.broadcast %and3A_74 : i32 to vector<16xi32>
      %and3A_76 = arith.andi %get3A_71, %and3A_75 : vector<16xi32>
      tpu.vector_store_idx %arg8[%shift_right_arithmetic3A_73, %and3A_76], %broadcast_in_dim3A_11 {add = true} : memref<640x16xf32, #tpu.memory_space<vmem>>[vector<16xi32>, vector<16xi32>], vector<16xf32>,
    }
    %while3A_23 = arith.constant 1 : i32
    scf.for %while3A_33 = %while3A_21 to %while3A_17 step %while3A_23  : i32 {
      %jit3A_34 = arith.constant 8 : i32
      %div3A = arith.divsi %while3A_33, %jit3A_34 : i32
      %sign3A = arith.constant 0 : i32
      %sign3A_35 = arith.cmpi sgt, %while3A_33, %sign3A : i32
      %sign3A_36 = arith.extui %sign3A_35 : i1 to i32
      %sign3A_37 = arith.constant 0 : i32
      %sign3A_38 = arith.cmpi slt, %while3A_33, %sign3A_37 : i32
      %sign3A_39 = arith.extui %sign3A_38 : i1 to i32
      %sign3A_40 = arith.subi %sign3A_36, %sign3A_39 : i32
      %sign3A_41 = arith.constant 0 : i32
      %sign3A_42 = arith.cmpi sgt, %jit3A_34, %sign3A_41 : i32
      %sign3A_43 = arith.extui %sign3A_42 : i1 to i32
      %sign3A_44 = arith.constant 0 : i32
      %sign3A_45 = arith.cmpi slt, %jit3A_34, %sign3A_44 : i32
      %sign3A_46 = arith.extui %sign3A_45 : i1 to i32
      %sign3A_47 = arith.subi %sign3A_43, %sign3A_46 : i32
      %ne3A = arith.cmpi ne, %sign3A_40, %sign3A_47 : i32
      %rem3A = arith.remsi %while3A_33, %jit3A_34 : i32
      %ne3A_48 = arith.constant 0 : i32
      %ne3A_49 = arith.cmpi ne, %rem3A, %ne3A_48 : i32
      %and3A = arith.andi %ne3A, %ne3A_49 : i1
      %sub3A = arith.constant 1 : i32
      %sub3A_50 = arith.subi %div3A, %sub3A : i32
      %select_n3A_51 = arith.select %and3A, %sub3A_50, %div3A : i32
      %jit3A_52 = arith.constant 8 : i32
      %eq3A_53 = arith.constant 0 : i32
      %eq3A_54 = arith.cmpi eq, %jit3A_52, %eq3A_53 : i32
      %jit3A_55 = arith.constant 1 : i32
      %select_n3A_56 = arith.select %eq3A_54, %jit3A_55, %jit3A_52 : i32
      %rem3A_57 = arith.remsi %while3A_33, %select_n3A_56 : i32
      %ne3A_58 = arith.constant 0 : i32
      %ne3A_59 = arith.cmpi ne, %rem3A_57, %ne3A_58 : i32
      %lt3A_60 = arith.constant 0 : i32
      %lt3A_61 = arith.cmpi slt, %rem3A_57, %lt3A_60 : i32
      %lt3A_62 = arith.constant 0 : i32
      %lt3A_63 = arith.cmpi slt, %select_n3A_56, %lt3A_62 : i32
      %ne3A_64 = arith.xori %lt3A_61, %lt3A_63 : i1
      %and3A_65 = arith.andi %ne3A_64, %ne3A_59 : i1
      %add3A_66 = arith.addi %rem3A_57, %select_n3A_56 : i32
      %select_n3A_67 = arith.select %and3A_65, %add3A_66, %rem3A_57 : i32
      %mul3A_68 = arith.constant 16 : i32
      %mul3A_69 = arith.muli %select_n3A_67, %mul3A_68 : i32
      %get3A = arith.index_cast %select_n3A_51 : i32 to index
      %get3A_70 = arith.index_cast %mul3A_69 : i32 to index
      %get3A_71 = tpu.vector_load %arg6[%get3A, %get3A_70] {strides = array<i32>} : memref<80x128xi32, #tpu.memory_space<vmem>>, vector<16xi32>,
      %shift_right_arithmetic3A = arith.constant 4 : i32
      %shift_right_arithmetic3A_72 = vector.broadcast %shift_right_arithmetic3A : i32 to vector<16xi32>
      %shift_right_arithmetic3A_73 = arith.shrsi %get3A_71, %shift_right_arithmetic3A_72 : vector<16xi32>
      %and3A_74 = arith.constant 15 : i32
      %and3A_75 = vector.broadcast %and3A_74 : i32 to vector<16xi32>
      %and3A_76 = arith.andi %get3A_71, %and3A_75 : vector<16xi32>
      tpu.vector_store_idx %arg8[%shift_right_arithmetic3A_73, %and3A_76], %broadcast_in_dim3A_11 {add = true} : memref<640x16xf32, #tpu.memory_space<vmem>>[vector<16xi32>, vector<16xi32>], vector<16xf32>,
    }
    %barrier3A = arith.constant 0 : index
    tpu.barrier barrier_id(%barrier3A)
    %run_scoped3A = arith.constant 0 : i32
    "tpu.region"() ({
      %run_scoped3A_33 = tpu.sem_alloc : memref<!tpu.dma_semaphore, #tpu.memory_space<semaphore_mem>>
      %dma_start3A = arith.constant 0 : i32
      %dma_start3A_34 = arith.constant 0 : i32
      %dma_start3A_35 = tpu.memref_slice %arg8[%dma_start3A, %dma_start3A_34] : memref<640x16xf32, #tpu.memory_space<vmem>> -> memref<128x16xf32, #tpu.memory_space<vmem>>
      %dma_start3A_36 = arith.constant 0 : i32
      %dma_start3A_37 = tpu.memref_slice %arg7[%run_scoped3A, %dma_start3A_36] : memref<5x128xi32, #tpu.memory_space<vmem>> -> memref<1x128xi32, #tpu.memory_space<vmem>>
      %dma_start3A_38 = tpu.memref_squeeze %dma_start3A_37 : memref<1x128xi32, #tpu.memory_space<vmem>> -> memref<128xi32, #tpu.memory_space<vmem>>
      %dma_start3A_39 = arith.constant 0 : i32
      %dma_start3A_40 = arith.constant 0 : i32
      %dma_start3A_41 = tpu.memref_slice %arg9[%dma_start3A_39, %dma_start3A_40] : memref<640x16xf32, #tpu.memory_space<vmem_shared>> -> memref<640x16xf32, #tpu.memory_space<vmem_shared>>
      tpu.enqueue_indirect_dma source(%dma_start3A_35 : memref<128x16xf32, #tpu.memory_space<vmem>>) target(%dma_start3A_41 : memref<640x16xf32, #tpu.memory_space<vmem_shared>>) offsets(%dma_start3A_38 : memref<128xi32, #tpu.memory_space<vmem>>) semaphore(%run_scoped3A_33 : memref<!tpu.dma_semaphore, #tpu.memory_space<semaphore_mem>>) {add = true}
      %dma_wait3A = arith.constant 0 : i32
      %dma_wait3A_42 = arith.constant 0 : i32
      %dma_wait3A_43 = tpu.memref_slice %arg8[%dma_wait3A, %dma_wait3A_42] : memref<640x16xf32, #tpu.memory_space<vmem>> -> memref<128x16xf32, #tpu.memory_space<vmem>>
      %dma_wait3A_44 = arith.constant 0 : i32
      %dma_wait3A_45 = tpu.memref_slice %arg7[%run_scoped3A, %dma_wait3A_44] : memref<5x128xi32, #tpu.memory_space<vmem>> -> memref<1x128xi32, #tpu.memory_space<vmem>>
      %dma_wait3A_46 = tpu.memref_squeeze %dma_wait3A_45 : memref<1x128xi32, #tpu.memory_space<vmem>> -> memref<128xi32, #tpu.memory_space<vmem>>
      %dma_wait3A_47 = arith.constant 0 : i32
      %dma_wait3A_48 = arith.constant 0 : i32
      %dma_wait3A_49 = tpu.memref_slice %arg9[%dma_wait3A_47, %dma_wait3A_48] : memref<640x16xf32, #tpu.memory_space<vmem_shared>> -> memref<640x16xf32, #tpu.memory_space<vmem_shared>>
      tpu.wait_indirect_dma semaphore(%run_scoped3A_33 : memref<!tpu.dma_semaphore, #tpu.memory_space<semaphore_mem>>) src(%dma_wait3A_43 : memref<128x16xf32, #tpu.memory_space<vmem>>) dst(%dma_wait3A_49 : memref<640x16xf32, #tpu.memory_space<vmem_shared>>)
      tpu.yield
    }) : () -> ()
    %run_scoped3A_24 = arith.constant 1 : i32
    "tpu.region"() ({
      %run_scoped3A_33 = tpu.sem_alloc : memref<!tpu.dma_semaphore, #tpu.memory_space<semaphore_mem>>
      %dma_start3A = arith.constant 128 : i32
      %dma_start3A_34 = arith.constant 0 : i32
      %dma_start3A_35 = tpu.memref_slice %arg8[%dma_start3A, %dma_start3A_34] : memref<640x16xf32, #tpu.memory_space<vmem>> -> memref<128x16xf32, #tpu.memory_space<vmem>>
      %dma_start3A_36 = arith.constant 0 : i32
      %dma_start3A_37 = tpu.memref_slice %arg7[%run_scoped3A_24, %dma_start3A_36] : memref<5x128xi32, #tpu.memory_space<vmem>> -> memref<1x128xi32, #tpu.memory_space<vmem>>
      %dma_start3A_38 = tpu.memref_squeeze %dma_start3A_37 : memref<1x128xi32, #tpu.memory_space<vmem>> -> memref<128xi32, #tpu.memory_space<vmem>>
      %dma_start3A_39 = arith.constant 0 : i32
      %dma_start3A_40 = arith.constant 0 : i32
      %dma_start3A_41 = tpu.memref_slice %arg9[%dma_start3A_39, %dma_start3A_40] : memref<640x16xf32, #tpu.memory_space<vmem_shared>> -> memref<640x16xf32, #tpu.memory_space<vmem_shared>>
      tpu.enqueue_indirect_dma source(%dma_start3A_35 : memref<128x16xf32, #tpu.memory_space<vmem>>) target(%dma_start3A_41 : memref<640x16xf32, #tpu.memory_space<vmem_shared>>) offsets(%dma_start3A_38 : memref<128xi32, #tpu.memory_space<vmem>>) semaphore(%run_scoped3A_33 : memref<!tpu.dma_semaphore, #tpu.memory_space<semaphore_mem>>) {add = true}
      %dma_wait3A = arith.constant 128 : i32
      %dma_wait3A_42 = arith.constant 0 : i32
      %dma_wait3A_43 = tpu.memref_slice %arg8[%dma_wait3A, %dma_wait3A_42] : memref<640x16xf32, #tpu.memory_space<vmem>> -> memref<128x16xf32, #tpu.memory_space<vmem>>
      %dma_wait3A_44 = arith.constant 0 : i32
      %dma_wait3A_45 = tpu.memref_slice %arg7[%run_scoped3A_24, %dma_wait3A_44] : memref<5x128xi32, #tpu.memory_space<vmem>> -> memref<1x128xi32, #tpu.memory_space<vmem>>
      %dma_wait3A_46 = tpu.memref_squeeze %dma_wait3A_45 : memref<1x128xi32, #tpu.memory_space<vmem>> -> memref<128xi32, #tpu.memory_space<vmem>>
      %dma_wait3A_47 = arith.constant 0 : i32
      %dma_wait3A_48 = arith.constant 0 : i32
      %dma_wait3A_49 = tpu.memref_slice %arg9[%dma_wait3A_47, %dma_wait3A_48] : memref<640x16xf32, #tpu.memory_space<vmem_shared>> -> memref<640x16xf32, #tpu.memory_space<vmem_shared>>
      tpu.wait_indirect_dma semaphore(%run_scoped3A_33 : memref<!tpu.dma_semaphore, #tpu.memory_space<semaphore_mem>>) src(%dma_wait3A_43 : memref<128x16xf32, #tpu.memory_space<vmem>>) dst(%dma_wait3A_49 : memref<640x16xf32, #tpu.memory_space<vmem_shared>>)
      tpu.yield
    }) : () -> ()
    %run_scoped3A_25 = arith.constant 2 : i32
    "tpu.region"() ({
      %run_scoped3A_33 = tpu.sem_alloc : memref<!tpu.dma_semaphore, #tpu.memory_space<semaphore_mem>>
      %dma_start3A = arith.constant 256 : i32
      %dma_start3A_34 = arith.constant 0 : i32
      %dma_start3A_35 = tpu.memref_slice %arg8[%dma_start3A, %dma_start3A_34] : memref<640x16xf32, #tpu.memory_space<vmem>> -> memref<128x16xf32, #tpu.memory_space<vmem>>
      %dma_start3A_36 = arith.constant 0 : i32
      %dma_start3A_37 = tpu.memref_slice %arg7[%run_scoped3A_25, %dma_start3A_36] : memref<5x128xi32, #tpu.memory_space<vmem>> -> memref<1x128xi32, #tpu.memory_space<vmem>>
      %dma_start3A_38 = tpu.memref_squeeze %dma_start3A_37 : memref<1x128xi32, #tpu.memory_space<vmem>> -> memref<128xi32, #tpu.memory_space<vmem>>
      %dma_start3A_39 = arith.constant 0 : i32
      %dma_start3A_40 = arith.constant 0 : i32
      %dma_start3A_41 = tpu.memref_slice %arg9[%dma_start3A_39, %dma_start3A_40] : memref<640x16xf32, #tpu.memory_space<vmem_shared>> -> memref<640x16xf32, #tpu.memory_space<vmem_shared>>
      tpu.enqueue_indirect_dma source(%dma_start3A_35 : memref<128x16xf32, #tpu.memory_space<vmem>>) target(%dma_start3A_41 : memref<640x16xf32, #tpu.memory_space<vmem_shared>>) offsets(%dma_start3A_38 : memref<128xi32, #tpu.memory_space<vmem>>) semaphore(%run_scoped3A_33 : memref<!tpu.dma_semaphore, #tpu.memory_space<semaphore_mem>>) {add = true}
      %dma_wait3A = arith.constant 256 : i32
      %dma_wait3A_42 = arith.constant 0 : i32
      %dma_wait3A_43 = tpu.memref_slice %arg8[%dma_wait3A, %dma_wait3A_42] : memref<640x16xf32, #tpu.memory_space<vmem>> -> memref<128x16xf32, #tpu.memory_space<vmem>>
      %dma_wait3A_44 = arith.constant 0 : i32
      %dma_wait3A_45 = tpu.memref_slice %arg7[%run_scoped3A_25, %dma_wait3A_44] : memref<5x128xi32, #tpu.memory_space<vmem>> -> memref<1x128xi32, #tpu.memory_space<vmem>>
      %dma_wait3A_46 = tpu.memref_squeeze %dma_wait3A_45 : memref<1x128xi32, #tpu.memory_space<vmem>> -> memref<128xi32, #tpu.memory_space<vmem>>
      %dma_wait3A_47 = arith.constant 0 : i32
      %dma_wait3A_48 = arith.constant 0 : i32
      %dma_wait3A_49 = tpu.memref_slice %arg9[%dma_wait3A_47, %dma_wait3A_48] : memref<640x16xf32, #tpu.memory_space<vmem_shared>> -> memref<640x16xf32, #tpu.memory_space<vmem_shared>>
      tpu.wait_indirect_dma semaphore(%run_scoped3A_33 : memref<!tpu.dma_semaphore, #tpu.memory_space<semaphore_mem>>) src(%dma_wait3A_43 : memref<128x16xf32, #tpu.memory_space<vmem>>) dst(%dma_wait3A_49 : memref<640x16xf32, #tpu.memory_space<vmem_shared>>)
      tpu.yield
    }) : () -> ()
    %run_scoped3A_26 = arith.constant 3 : i32
    "tpu.region"() ({
      %run_scoped3A_33 = tpu.sem_alloc : memref<!tpu.dma_semaphore, #tpu.memory_space<semaphore_mem>>
      %dma_start3A = arith.constant 384 : i32
      %dma_start3A_34 = arith.constant 0 : i32
      %dma_start3A_35 = tpu.memref_slice %arg8[%dma_start3A, %dma_start3A_34] : memref<640x16xf32, #tpu.memory_space<vmem>> -> memref<128x16xf32, #tpu.memory_space<vmem>>
      %dma_start3A_36 = arith.constant 0 : i32
      %dma_start3A_37 = tpu.memref_slice %arg7[%run_scoped3A_26, %dma_start3A_36] : memref<5x128xi32, #tpu.memory_space<vmem>> -> memref<1x128xi32, #tpu.memory_space<vmem>>
      %dma_start3A_38 = tpu.memref_squeeze %dma_start3A_37 : memref<1x128xi32, #tpu.memory_space<vmem>> -> memref<128xi32, #tpu.memory_space<vmem>>
      %dma_start3A_39 = arith.constant 0 : i32
      %dma_start3A_40 = arith.constant 0 : i32
      %dma_start3A_41 = tpu.memref_slice %arg9[%dma_start3A_39, %dma_start3A_40] : memref<640x16xf32, #tpu.memory_space<vmem_shared>> -> memref<640x16xf32, #tpu.memory_space<vmem_shared>>
      tpu.enqueue_indirect_dma source(%dma_start3A_35 : memref<128x16xf32, #tpu.memory_space<vmem>>) target(%dma_start3A_41 : memref<640x16xf32, #tpu.memory_space<vmem_shared>>) offsets(%dma_start3A_38 : memref<128xi32, #tpu.memory_space<vmem>>) semaphore(%run_scoped3A_33 : memref<!tpu.dma_semaphore, #tpu.memory_space<semaphore_mem>>) {add = true}
      %dma_wait3A = arith.constant 384 : i32
      %dma_wait3A_42 = arith.constant 0 : i32
      %dma_wait3A_43 = tpu.memref_slice %arg8[%dma_wait3A, %dma_wait3A_42] : memref<640x16xf32, #tpu.memory_space<vmem>> -> memref<128x16xf32, #tpu.memory_space<vmem>>
      %dma_wait3A_44 = arith.constant 0 : i32
      %dma_wait3A_45 = tpu.memref_slice %arg7[%run_scoped3A_26, %dma_wait3A_44] : memref<5x128xi32, #tpu.memory_space<vmem>> -> memref<1x128xi32, #tpu.memory_space<vmem>>
      %dma_wait3A_46 = tpu.memref_squeeze %dma_wait3A_45 : memref<1x128xi32, #tpu.memory_space<vmem>> -> memref<128xi32, #tpu.memory_space<vmem>>
      %dma_wait3A_47 = arith.constant 0 : i32
      %dma_wait3A_48 = arith.constant 0 : i32
      %dma_wait3A_49 = tpu.memref_slice %arg9[%dma_wait3A_47, %dma_wait3A_48] : memref<640x16xf32, #tpu.memory_space<vmem_shared>> -> memref<640x16xf32, #tpu.memory_space<vmem_shared>>
      tpu.wait_indirect_dma semaphore(%run_scoped3A_33 : memref<!tpu.dma_semaphore, #tpu.memory_space<semaphore_mem>>) src(%dma_wait3A_43 : memref<128x16xf32, #tpu.memory_space<vmem>>) dst(%dma_wait3A_49 : memref<640x16xf32, #tpu.memory_space<vmem_shared>>)
      tpu.yield
    }) : () -> ()
    %run_scoped3A_27 = arith.constant 4 : i32
    "tpu.region"() ({
      %run_scoped3A_33 = tpu.sem_alloc : memref<!tpu.dma_semaphore, #tpu.memory_space<semaphore_mem>>
      %dma_start3A = arith.constant 512 : i32
      %dma_start3A_34 = arith.constant 0 : i32
      %dma_start3A_35 = tpu.memref_slice %arg8[%dma_start3A, %dma_start3A_34] : memref<640x16xf32, #tpu.memory_space<vmem>> -> memref<128x16xf32, #tpu.memory_space<vmem>>
      %dma_start3A_36 = arith.constant 0 : i32
      %dma_start3A_37 = tpu.memref_slice %arg7[%run_scoped3A_27, %dma_start3A_36] : memref<5x128xi32, #tpu.memory_space<vmem>> -> memref<1x128xi32, #tpu.memory_space<vmem>>
      %dma_start3A_38 = tpu.memref_squeeze %dma_start3A_37 : memref<1x128xi32, #tpu.memory_space<vmem>> -> memref<128xi32, #tpu.memory_space<vmem>>
      %dma_start3A_39 = arith.constant 0 : i32
      %dma_start3A_40 = arith.constant 0 : i32
      %dma_start3A_41 = tpu.memref_slice %arg9[%dma_start3A_39, %dma_start3A_40] : memref<640x16xf32, #tpu.memory_space<vmem_shared>> -> memref<640x16xf32, #tpu.memory_space<vmem_shared>>
      tpu.enqueue_indirect_dma source(%dma_start3A_35 : memref<128x16xf32, #tpu.memory_space<vmem>>) target(%dma_start3A_41 : memref<640x16xf32, #tpu.memory_space<vmem_shared>>) offsets(%dma_start3A_38 : memref<128xi32, #tpu.memory_space<vmem>>) semaphore(%run_scoped3A_33 : memref<!tpu.dma_semaphore, #tpu.memory_space<semaphore_mem>>) {add = true}
      %dma_wait3A = arith.constant 512 : i32
      %dma_wait3A_42 = arith.constant 0 : i32
      %dma_wait3A_43 = tpu.memref_slice %arg8[%dma_wait3A, %dma_wait3A_42] : memref<640x16xf32, #tpu.memory_space<vmem>> -> memref<128x16xf32, #tpu.memory_space<vmem>>
      %dma_wait3A_44 = arith.constant 0 : i32
      %dma_wait3A_45 = tpu.memref_slice %arg7[%run_scoped3A_27, %dma_wait3A_44] : memref<5x128xi32, #tpu.memory_space<vmem>> -> memref<1x128xi32, #tpu.memory_space<vmem>>
      %dma_wait3A_46 = tpu.memref_squeeze %dma_wait3A_45 : memref<1x128xi32, #tpu.memory_space<vmem>> -> memref<128xi32, #tpu.memory_space<vmem>>
      %dma_wait3A_47 = arith.constant 0 : i32
      %dma_wait3A_48 = arith.constant 0 : i32
      %dma_wait3A_49 = tpu.memref_slice %arg9[%dma_wait3A_47, %dma_wait3A_48] : memref<640x16xf32, #tpu.memory_space<vmem_shared>> -> memref<640x16xf32, #tpu.memory_space<vmem_shared>>
      tpu.wait_indirect_dma semaphore(%run_scoped3A_33 : memref<!tpu.dma_semaphore, #tpu.memory_space<semaphore_mem>>) src(%dma_wait3A_43 : memref<128x16xf32, #tpu.memory_space<vmem>>) dst(%dma_wait3A_49 : memref<640x16xf32, #tpu.memory_space<vmem_shared>>)
      tpu.yield
    }) : () -> ()
    %barrier3A_28 = arith.constant 0 : index
    tpu.barrier barrier_id(%barrier3A_28)
    %mul3A_29 = arith.constant 40 : i32
    %mul3A_30 = arith.muli %arg1, %mul3A_29 : i32
    %mul3A_31 = arith.constant 40 : i32
    %mul3A_32 = arith.muli %arg1, %mul3A_31 : i32
    "tpu.region"() ({
      %run_scoped3A_33 = tpu.sem_alloc : memref<!tpu.dma_semaphore, #tpu.memory_space<semaphore_mem>>
      %dma_start3A = arith.constant 0 : i32
      %dma_start3A_34 = tpu.memref_slice %arg5[%arg0, %mul3A_32, %dma_start3A] : memref<2x640x16xf32, #tpu.memory_space<hbm>> -> memref<1x40x16xf32, #tpu.memory_space<hbm>>
      %dma_start3A_35 = tpu.memref_squeeze %dma_start3A_34 : memref<1x40x16xf32, #tpu.memory_space<hbm>> -> memref<40x16xf32, #tpu.memory_space<hbm>>
      %dma_start3A_36 = arith.constant 0 : i32
      %dma_start3A_37 = tpu.memref_slice %arg9[%mul3A_30, %dma_start3A_36] : memref<640x16xf32, #tpu.memory_space<vmem_shared>> -> memref<40x16xf32, #tpu.memory_space<vmem_shared>>
      tpu.enqueue_dma source(%dma_start3A_37 : memref<40x16xf32, #tpu.memory_space<vmem_shared>>) target(%dma_start3A_35 : memref<40x16xf32, #tpu.memory_space<hbm>>) target_semaphore(%run_scoped3A_33 : memref<!tpu.dma_semaphore, #tpu.memory_space<semaphore_mem>>)
      %dma_wait3A = arith.constant 0 : i32
      %dma_wait3A_38 = tpu.memref_slice %arg5[%arg0, %mul3A_32, %dma_wait3A] : memref<2x640x16xf32, #tpu.memory_space<hbm>> -> memref<1x40x16xf32, #tpu.memory_space<hbm>>
      %dma_wait3A_39 = tpu.memref_squeeze %dma_wait3A_38 : memref<1x40x16xf32, #tpu.memory_space<hbm>> -> memref<40x16xf32, #tpu.memory_space<hbm>>
      %dma_wait3A_40 = arith.constant 0 : i32
      %dma_wait3A_41 = tpu.memref_slice %arg9[%mul3A_30, %dma_wait3A_40] : memref<640x16xf32, #tpu.memory_space<vmem_shared>> -> memref<40x16xf32, #tpu.memory_space<vmem_shared>>
      tpu.wait_dma2 semaphore(%run_scoped3A_33 : memref<!tpu.dma_semaphore, #tpu.memory_space<semaphore_mem>>) src(%dma_wait3A_41 : memref<40x16xf32, #tpu.memory_space<vmem_shared>>) dst(%dma_wait3A_39 : memref<40x16xf32, #tpu.memory_space<hbm>>)
      tpu.yield
    }) : () -> ()
    return
  }
}

#map = affine_map<(d0, d1) -> (0, 0)>
#map1 = affine_map<(d0, d1) -> (0, 0, 0)>
module attributes {stable_mosaic.version = 14 : i64} {
  func.func @prop(%arg0: i32, %arg1: i32, %arg2: memref<10000x64xf32, #tpu.memory_space<hbm>>, %arg3: memref<2500x128xi32, #tpu.memory_space<hbm>>, %arg4: memref<2500x128xi32, #tpu.memory_space<hbm>>, %arg5: memref<2x10112x64xf32, #tpu.memory_space<hbm>>, %arg6: memref<80x128xi32, #tpu.memory_space<vmem>>, %arg7: memref<80x128xi32, #tpu.memory_space<vmem>>, %arg8: memref<128x64xf32, #tpu.memory_space<vmem>>, %arg9: memref<128x64xf32, #tpu.memory_space<vmem>>, %arg10: memref<128x64xf32, #tpu.memory_space<vmem>>, %arg11: memref<128x64xf32, #tpu.memory_space<vmem>>, %arg12: memref<128x64xf32, #tpu.memory_space<vmem>>, %arg13: memref<10112x64xf32, #tpu.memory_space<vmem_shared>>, %arg14: memref<!tpu.dma_semaphore, #tpu.memory_space<semaphore_mem>>, %arg15: memref<!tpu.dma_semaphore, #tpu.memory_space<semaphore_mem>>, %arg16: memref<!tpu.dma_semaphore, #tpu.memory_space<semaphore_mem>>, %arg17: memref<!tpu.dma_semaphore, #tpu.memory_space<semaphore_mem>>, %arg18: memref<!tpu.dma_semaphore, #tpu.memory_space<semaphore_mem>>, %arg19: memref<!tpu.dma_semaphore, #tpu.memory_space<semaphore_mem>>, %arg20: memref<!tpu.dma_semaphore, #tpu.memory_space<semaphore_mem>>, %arg21: memref<!tpu.dma_semaphore, #tpu.memory_space<semaphore_mem>>, %arg22: memref<!tpu.dma_semaphore, #tpu.memory_space<semaphore_mem>>, %arg23: memref<!tpu.dma_semaphore, #tpu.memory_space<semaphore_mem>>) attributes {dimension_semantics = [#tpu.dimension_semantics<core_parallel>, #tpu.dimension_semantics<subcore_parallel>], iteration_bounds = array<i64: 2, 16>, scalar_prefetch = 0 : i64, scratch_operands = 18 : i64, tpu.core_type = #tpu.core_type<sc_vector_subcore>, window_params = [{transform_indices = #map}, {transform_indices = #map}, {transform_indices = #map}, {transform_indices = #map1}]} {
    %scan3A = arith.constant 0 : i32
    %scan3A_0 = arith.constant 0 : i32
    %scan3A_1 = arith.constant 512 : i32
    %scan3A_2 = arith.addi %scan3A_0, %scan3A_1 : i32
    %scan3A_3 = arith.constant 1 : i32
    scf.for %scan3A_49 = %scan3A_0 to %scan3A_2 step %scan3A_3  : i32 {
      %jit3A_50 = arith.constant 4 : i32
      %eq3A_51 = arith.constant 0 : i32
      %eq3A_52 = arith.cmpi eq, %jit3A_50, %eq3A_51 : i32
      %jit3A_53 = arith.constant 1 : i32
      %select_n3A_54 = arith.select %eq3A_52, %jit3A_53, %jit3A_50 : i32
      %rem3A = arith.remsi %scan3A_49, %select_n3A_54 : i32
      %ne3A = arith.constant 0 : i32
      %ne3A_55 = arith.cmpi ne, %rem3A, %ne3A : i32
      %lt3A_56 = arith.constant 0 : i32
      %lt3A_57 = arith.cmpi slt, %rem3A, %lt3A_56 : i32
      %lt3A_58 = arith.constant 0 : i32
      %lt3A_59 = arith.cmpi slt, %select_n3A_54, %lt3A_58 : i32
      %ne3A_60 = arith.xori %lt3A_57, %lt3A_59 : i1
      %and3A = arith.andi %ne3A_60, %ne3A_55 : i1
      %add3A_61 = arith.addi %rem3A, %select_n3A_54 : i32
      %select_n3A_62 = arith.select %and3A, %add3A_61, %rem3A : i32
      %mul3A_63 = arith.constant 16 : i32
      %mul3A_64 = arith.muli %select_n3A_62, %mul3A_63 : i32
      %broadcast_in_dim3A = arith.constant 0.000000e+00 : f32
      %broadcast_in_dim3A_65 = vector.broadcast %broadcast_in_dim3A : f32 to vector<16xf32>
      %jit3A_66 = arith.constant 4 : i32
      %div3A = arith.divsi %scan3A_49, %jit3A_66 : i32
      %sign3A = arith.constant 0 : i32
      %sign3A_67 = arith.cmpi sgt, %scan3A_49, %sign3A : i32
      %sign3A_68 = arith.extui %sign3A_67 : i1 to i32
      %sign3A_69 = arith.constant 0 : i32
      %sign3A_70 = arith.cmpi slt, %scan3A_49, %sign3A_69 : i32
      %sign3A_71 = arith.extui %sign3A_70 : i1 to i32
      %sign3A_72 = arith.subi %sign3A_68, %sign3A_71 : i32
      %sign3A_73 = arith.constant 0 : i32
      %sign3A_74 = arith.cmpi sgt, %jit3A_66, %sign3A_73 : i32
      %sign3A_75 = arith.extui %sign3A_74 : i1 to i32
      %sign3A_76 = arith.constant 0 : i32
      %sign3A_77 = arith.cmpi slt, %jit3A_66, %sign3A_76 : i32
      %sign3A_78 = arith.extui %sign3A_77 : i1 to i32
      %sign3A_79 = arith.subi %sign3A_75, %sign3A_78 : i32
      %ne3A_80 = arith.cmpi ne, %sign3A_72, %sign3A_79 : i32
      %rem3A_81 = arith.remsi %scan3A_49, %jit3A_66 : i32
      %ne3A_82 = arith.constant 0 : i32
      %ne3A_83 = arith.cmpi ne, %rem3A_81, %ne3A_82 : i32
      %and3A_84 = arith.andi %ne3A_80, %ne3A_83 : i1
      %sub3A = arith.constant 1 : i32
      %sub3A_85 = arith.subi %div3A, %sub3A : i32
      %select_n3A_86 = arith.select %and3A_84, %sub3A_85, %div3A : i32
      %swap3A = arith.index_cast %select_n3A_86 : i32 to index
      %swap3A_87 = arith.index_cast %mul3A_64 : i32 to index
      %swap3A_88 = tpu.vector_load %arg8[%swap3A, %swap3A_87] {strides = array<i32>} : memref<128x64xf32, #tpu.memory_space<vmem>>, vector<1x16xf32>,
      %swap3A_89 = vector.shape_cast %swap3A_88 : vector<1x16xf32> to vector<16xf32>
      %swap3A_90 = vector.shape_cast %broadcast_in_dim3A_65 : vector<16xf32> to vector<1x16xf32>
      tpu.vector_store %arg8[%swap3A, %swap3A_87], %swap3A_90 {strides = array<i32>} : memref<128x64xf32, #tpu.memory_space<vmem>>, vector<1x16xf32>,
    }
    %scan3A_4 = arith.constant 512 : i32
    %mul3A = arith.constant 632 : i32
    %mul3A_5 = arith.muli %arg1, %mul3A : i32
    %add3A = arith.constant 0 : i32
    %add3A_6 = arith.addi %mul3A_5, %add3A : i32
    "tpu.region"() ({
      %run_scoped3A = tpu.sem_alloc : memref<!tpu.dma_semaphore, #tpu.memory_space<semaphore_mem>>
      %dma_start3A = arith.constant 0 : i32
      %dma_start3A_49 = arith.constant 0 : i32
      %dma_start3A_50 = tpu.memref_slice %arg8[%dma_start3A, %dma_start3A_49] : memref<128x64xf32, #tpu.memory_space<vmem>> -> memref<128x64xf32, #tpu.memory_space<vmem>>
      %dma_start3A_51 = arith.constant 0 : i32
      %dma_start3A_52 = tpu.memref_slice %arg13[%add3A_6, %dma_start3A_51] : memref<10112x64xf32, #tpu.memory_space<vmem_shared>> -> memref<128x64xf32, #tpu.memory_space<vmem_shared>>
      %dma_start3A_53 = arith.constant 0 : i32
      %dma_start3A_54 = tpu.memref_slice %arg13[%add3A_6, %dma_start3A_53] : memref<10112x64xf32, #tpu.memory_space<vmem_shared>> -> memref<128x64xf32, #tpu.memory_space<vmem_shared>>
      %dma_start3A_55 = arith.constant 0 : i32
      %dma_start3A_56 = arith.constant 0 : i32
      %dma_start3A_57 = tpu.memref_slice %arg8[%dma_start3A_55, %dma_start3A_56] : memref<128x64xf32, #tpu.memory_space<vmem>> -> memref<128x64xf32, #tpu.memory_space<vmem>>
      tpu.enqueue_dma source(%dma_start3A_57 : memref<128x64xf32, #tpu.memory_space<vmem>>) target(%dma_start3A_54 : memref<128x64xf32, #tpu.memory_space<vmem_shared>>) target_semaphore(%run_scoped3A : memref<!tpu.dma_semaphore, #tpu.memory_space<semaphore_mem>>)
      %dma_wait3A = arith.constant 0 : i32
      %dma_wait3A_58 = arith.constant 0 : i32
      %dma_wait3A_59 = tpu.memref_slice %arg8[%dma_wait3A, %dma_wait3A_58] : memref<128x64xf32, #tpu.memory_space<vmem>> -> memref<128x64xf32, #tpu.memory_space<vmem>>
      %dma_wait3A_60 = arith.constant 0 : i32
      %dma_wait3A_61 = tpu.memref_slice %arg13[%add3A_6, %dma_wait3A_60] : memref<10112x64xf32, #tpu.memory_space<vmem_shared>> -> memref<128x64xf32, #tpu.memory_space<vmem_shared>>
      %dma_wait3A_62 = arith.constant 0 : i32
      %dma_wait3A_63 = tpu.memref_slice %arg13[%add3A_6, %dma_wait3A_62] : memref<10112x64xf32, #tpu.memory_space<vmem_shared>> -> memref<128x64xf32, #tpu.memory_space<vmem_shared>>
      %dma_wait3A_64 = arith.constant 0 : i32
      %dma_wait3A_65 = arith.constant 0 : i32
      %dma_wait3A_66 = tpu.memref_slice %arg8[%dma_wait3A_64, %dma_wait3A_65] : memref<128x64xf32, #tpu.memory_space<vmem>> -> memref<128x64xf32, #tpu.memory_space<vmem>>
      tpu.wait_dma2 semaphore(%run_scoped3A : memref<!tpu.dma_semaphore, #tpu.memory_space<semaphore_mem>>) src(%dma_wait3A_66 : memref<128x64xf32, #tpu.memory_space<vmem>>) dst(%dma_wait3A_63 : memref<128x64xf32, #tpu.memory_space<vmem_shared>>)
      tpu.yield
    }) : () -> ()
    %mul3A_7 = arith.constant 632 : i32
    %mul3A_8 = arith.muli %arg1, %mul3A_7 : i32
    %add3A_9 = arith.constant 128 : i32
    %add3A_10 = arith.addi %mul3A_8, %add3A_9 : i32
    "tpu.region"() ({
      %run_scoped3A = tpu.sem_alloc : memref<!tpu.dma_semaphore, #tpu.memory_space<semaphore_mem>>
      %dma_start3A = arith.constant 0 : i32
      %dma_start3A_49 = arith.constant 0 : i32
      %dma_start3A_50 = tpu.memref_slice %arg8[%dma_start3A, %dma_start3A_49] : memref<128x64xf32, #tpu.memory_space<vmem>> -> memref<128x64xf32, #tpu.memory_space<vmem>>
      %dma_start3A_51 = arith.constant 0 : i32
      %dma_start3A_52 = tpu.memref_slice %arg13[%add3A_10, %dma_start3A_51] : memref<10112x64xf32, #tpu.memory_space<vmem_shared>> -> memref<128x64xf32, #tpu.memory_space<vmem_shared>>
      %dma_start3A_53 = arith.constant 0 : i32
      %dma_start3A_54 = tpu.memref_slice %arg13[%add3A_10, %dma_start3A_53] : memref<10112x64xf32, #tpu.memory_space<vmem_shared>> -> memref<128x64xf32, #tpu.memory_space<vmem_shared>>
      %dma_start3A_55 = arith.constant 0 : i32
      %dma_start3A_56 = arith.constant 0 : i32
      %dma_start3A_57 = tpu.memref_slice %arg8[%dma_start3A_55, %dma_start3A_56] : memref<128x64xf32, #tpu.memory_space<vmem>> -> memref<128x64xf32, #tpu.memory_space<vmem>>
      tpu.enqueue_dma source(%dma_start3A_57 : memref<128x64xf32, #tpu.memory_space<vmem>>) target(%dma_start3A_54 : memref<128x64xf32, #tpu.memory_space<vmem_shared>>) target_semaphore(%run_scoped3A : memref<!tpu.dma_semaphore, #tpu.memory_space<semaphore_mem>>)
      %dma_wait3A = arith.constant 0 : i32
      %dma_wait3A_58 = arith.constant 0 : i32
      %dma_wait3A_59 = tpu.memref_slice %arg8[%dma_wait3A, %dma_wait3A_58] : memref<128x64xf32, #tpu.memory_space<vmem>> -> memref<128x64xf32, #tpu.memory_space<vmem>>
      %dma_wait3A_60 = arith.constant 0 : i32
      %dma_wait3A_61 = tpu.memref_slice %arg13[%add3A_10, %dma_wait3A_60] : memref<10112x64xf32, #tpu.memory_space<vmem_shared>> -> memref<128x64xf32, #tpu.memory_space<vmem_shared>>
      %dma_wait3A_62 = arith.constant 0 : i32
      %dma_wait3A_63 = tpu.memref_slice %arg13[%add3A_10, %dma_wait3A_62] : memref<10112x64xf32, #tpu.memory_space<vmem_shared>> -> memref<128x64xf32, #tpu.memory_space<vmem_shared>>
      %dma_wait3A_64 = arith.constant 0 : i32
      %dma_wait3A_65 = arith.constant 0 : i32
      %dma_wait3A_66 = tpu.memref_slice %arg8[%dma_wait3A_64, %dma_wait3A_65] : memref<128x64xf32, #tpu.memory_space<vmem>> -> memref<128x64xf32, #tpu.memory_space<vmem>>
      tpu.wait_dma2 semaphore(%run_scoped3A : memref<!tpu.dma_semaphore, #tpu.memory_space<semaphore_mem>>) src(%dma_wait3A_66 : memref<128x64xf32, #tpu.memory_space<vmem>>) dst(%dma_wait3A_63 : memref<128x64xf32, #tpu.memory_space<vmem_shared>>)
      tpu.yield
    }) : () -> ()
    %mul3A_11 = arith.constant 632 : i32
    %mul3A_12 = arith.muli %arg1, %mul3A_11 : i32
    %add3A_13 = arith.constant 256 : i32
    %add3A_14 = arith.addi %mul3A_12, %add3A_13 : i32
    "tpu.region"() ({
      %run_scoped3A = tpu.sem_alloc : memref<!tpu.dma_semaphore, #tpu.memory_space<semaphore_mem>>
      %dma_start3A = arith.constant 0 : i32
      %dma_start3A_49 = arith.constant 0 : i32
      %dma_start3A_50 = tpu.memref_slice %arg8[%dma_start3A, %dma_start3A_49] : memref<128x64xf32, #tpu.memory_space<vmem>> -> memref<128x64xf32, #tpu.memory_space<vmem>>
      %dma_start3A_51 = arith.constant 0 : i32
      %dma_start3A_52 = tpu.memref_slice %arg13[%add3A_14, %dma_start3A_51] : memref<10112x64xf32, #tpu.memory_space<vmem_shared>> -> memref<128x64xf32, #tpu.memory_space<vmem_shared>>
      %dma_start3A_53 = arith.constant 0 : i32
      %dma_start3A_54 = tpu.memref_slice %arg13[%add3A_14, %dma_start3A_53] : memref<10112x64xf32, #tpu.memory_space<vmem_shared>> -> memref<128x64xf32, #tpu.memory_space<vmem_shared>>
      %dma_start3A_55 = arith.constant 0 : i32
      %dma_start3A_56 = arith.constant 0 : i32
      %dma_start3A_57 = tpu.memref_slice %arg8[%dma_start3A_55, %dma_start3A_56] : memref<128x64xf32, #tpu.memory_space<vmem>> -> memref<128x64xf32, #tpu.memory_space<vmem>>
      tpu.enqueue_dma source(%dma_start3A_57 : memref<128x64xf32, #tpu.memory_space<vmem>>) target(%dma_start3A_54 : memref<128x64xf32, #tpu.memory_space<vmem_shared>>) target_semaphore(%run_scoped3A : memref<!tpu.dma_semaphore, #tpu.memory_space<semaphore_mem>>)
      %dma_wait3A = arith.constant 0 : i32
      %dma_wait3A_58 = arith.constant 0 : i32
      %dma_wait3A_59 = tpu.memref_slice %arg8[%dma_wait3A, %dma_wait3A_58] : memref<128x64xf32, #tpu.memory_space<vmem>> -> memref<128x64xf32, #tpu.memory_space<vmem>>
      %dma_wait3A_60 = arith.constant 0 : i32
      %dma_wait3A_61 = tpu.memref_slice %arg13[%add3A_14, %dma_wait3A_60] : memref<10112x64xf32, #tpu.memory_space<vmem_shared>> -> memref<128x64xf32, #tpu.memory_space<vmem_shared>>
      %dma_wait3A_62 = arith.constant 0 : i32
      %dma_wait3A_63 = tpu.memref_slice %arg13[%add3A_14, %dma_wait3A_62] : memref<10112x64xf32, #tpu.memory_space<vmem_shared>> -> memref<128x64xf32, #tpu.memory_space<vmem_shared>>
      %dma_wait3A_64 = arith.constant 0 : i32
      %dma_wait3A_65 = arith.constant 0 : i32
      %dma_wait3A_66 = tpu.memref_slice %arg8[%dma_wait3A_64, %dma_wait3A_65] : memref<128x64xf32, #tpu.memory_space<vmem>> -> memref<128x64xf32, #tpu.memory_space<vmem>>
      tpu.wait_dma2 semaphore(%run_scoped3A : memref<!tpu.dma_semaphore, #tpu.memory_space<semaphore_mem>>) src(%dma_wait3A_66 : memref<128x64xf32, #tpu.memory_space<vmem>>) dst(%dma_wait3A_63 : memref<128x64xf32, #tpu.memory_space<vmem_shared>>)
      tpu.yield
    }) : () -> ()
    %mul3A_15 = arith.constant 632 : i32
    %mul3A_16 = arith.muli %arg1, %mul3A_15 : i32
    %add3A_17 = arith.constant 384 : i32
    %add3A_18 = arith.addi %mul3A_16, %add3A_17 : i32
    "tpu.region"() ({
      %run_scoped3A = tpu.sem_alloc : memref<!tpu.dma_semaphore, #tpu.memory_space<semaphore_mem>>
      %dma_start3A = arith.constant 0 : i32
      %dma_start3A_49 = arith.constant 0 : i32
      %dma_start3A_50 = tpu.memref_slice %arg8[%dma_start3A, %dma_start3A_49] : memref<128x64xf32, #tpu.memory_space<vmem>> -> memref<128x64xf32, #tpu.memory_space<vmem>>
      %dma_start3A_51 = arith.constant 0 : i32
      %dma_start3A_52 = tpu.memref_slice %arg13[%add3A_18, %dma_start3A_51] : memref<10112x64xf32, #tpu.memory_space<vmem_shared>> -> memref<128x64xf32, #tpu.memory_space<vmem_shared>>
      %dma_start3A_53 = arith.constant 0 : i32
      %dma_start3A_54 = tpu.memref_slice %arg13[%add3A_18, %dma_start3A_53] : memref<10112x64xf32, #tpu.memory_space<vmem_shared>> -> memref<128x64xf32, #tpu.memory_space<vmem_shared>>
      %dma_start3A_55 = arith.constant 0 : i32
      %dma_start3A_56 = arith.constant 0 : i32
      %dma_start3A_57 = tpu.memref_slice %arg8[%dma_start3A_55, %dma_start3A_56] : memref<128x64xf32, #tpu.memory_space<vmem>> -> memref<128x64xf32, #tpu.memory_space<vmem>>
      tpu.enqueue_dma source(%dma_start3A_57 : memref<128x64xf32, #tpu.memory_space<vmem>>) target(%dma_start3A_54 : memref<128x64xf32, #tpu.memory_space<vmem_shared>>) target_semaphore(%run_scoped3A : memref<!tpu.dma_semaphore, #tpu.memory_space<semaphore_mem>>)
      %dma_wait3A = arith.constant 0 : i32
      %dma_wait3A_58 = arith.constant 0 : i32
      %dma_wait3A_59 = tpu.memref_slice %arg8[%dma_wait3A, %dma_wait3A_58] : memref<128x64xf32, #tpu.memory_space<vmem>> -> memref<128x64xf32, #tpu.memory_space<vmem>>
      %dma_wait3A_60 = arith.constant 0 : i32
      %dma_wait3A_61 = tpu.memref_slice %arg13[%add3A_18, %dma_wait3A_60] : memref<10112x64xf32, #tpu.memory_space<vmem_shared>> -> memref<128x64xf32, #tpu.memory_space<vmem_shared>>
      %dma_wait3A_62 = arith.constant 0 : i32
      %dma_wait3A_63 = tpu.memref_slice %arg13[%add3A_18, %dma_wait3A_62] : memref<10112x64xf32, #tpu.memory_space<vmem_shared>> -> memref<128x64xf32, #tpu.memory_space<vmem_shared>>
      %dma_wait3A_64 = arith.constant 0 : i32
      %dma_wait3A_65 = arith.constant 0 : i32
      %dma_wait3A_66 = tpu.memref_slice %arg8[%dma_wait3A_64, %dma_wait3A_65] : memref<128x64xf32, #tpu.memory_space<vmem>> -> memref<128x64xf32, #tpu.memory_space<vmem>>
      tpu.wait_dma2 semaphore(%run_scoped3A : memref<!tpu.dma_semaphore, #tpu.memory_space<semaphore_mem>>) src(%dma_wait3A_66 : memref<128x64xf32, #tpu.memory_space<vmem>>) dst(%dma_wait3A_63 : memref<128x64xf32, #tpu.memory_space<vmem_shared>>)
      tpu.yield
    }) : () -> ()
    %mul3A_19 = arith.constant 632 : i32
    %mul3A_20 = arith.muli %arg1, %mul3A_19 : i32
    %add3A_21 = arith.constant 512 : i32
    %add3A_22 = arith.addi %mul3A_20, %add3A_21 : i32
    "tpu.region"() ({
      %run_scoped3A = tpu.sem_alloc : memref<!tpu.dma_semaphore, #tpu.memory_space<semaphore_mem>>
      %dma_start3A = arith.constant 0 : i32
      %dma_start3A_49 = arith.constant 0 : i32
      %dma_start3A_50 = tpu.memref_slice %arg8[%dma_start3A, %dma_start3A_49] : memref<128x64xf32, #tpu.memory_space<vmem>> -> memref<120x64xf32, #tpu.memory_space<vmem>>
      %dma_start3A_51 = arith.constant 0 : i32
      %dma_start3A_52 = tpu.memref_slice %arg13[%add3A_22, %dma_start3A_51] : memref<10112x64xf32, #tpu.memory_space<vmem_shared>> -> memref<120x64xf32, #tpu.memory_space<vmem_shared>>
      %dma_start3A_53 = arith.constant 0 : i32
      %dma_start3A_54 = tpu.memref_slice %arg13[%add3A_22, %dma_start3A_53] : memref<10112x64xf32, #tpu.memory_space<vmem_shared>> -> memref<120x64xf32, #tpu.memory_space<vmem_shared>>
      %dma_start3A_55 = arith.constant 0 : i32
      %dma_start3A_56 = arith.constant 0 : i32
      %dma_start3A_57 = tpu.memref_slice %arg8[%dma_start3A_55, %dma_start3A_56] : memref<128x64xf32, #tpu.memory_space<vmem>> -> memref<120x64xf32, #tpu.memory_space<vmem>>
      tpu.enqueue_dma source(%dma_start3A_57 : memref<120x64xf32, #tpu.memory_space<vmem>>) target(%dma_start3A_54 : memref<120x64xf32, #tpu.memory_space<vmem_shared>>) target_semaphore(%run_scoped3A : memref<!tpu.dma_semaphore, #tpu.memory_space<semaphore_mem>>)
      %dma_wait3A = arith.constant 0 : i32
      %dma_wait3A_58 = arith.constant 0 : i32
      %dma_wait3A_59 = tpu.memref_slice %arg8[%dma_wait3A, %dma_wait3A_58] : memref<128x64xf32, #tpu.memory_space<vmem>> -> memref<120x64xf32, #tpu.memory_space<vmem>>
      %dma_wait3A_60 = arith.constant 0 : i32
      %dma_wait3A_61 = tpu.memref_slice %arg13[%add3A_22, %dma_wait3A_60] : memref<10112x64xf32, #tpu.memory_space<vmem_shared>> -> memref<120x64xf32, #tpu.memory_space<vmem_shared>>
      %dma_wait3A_62 = arith.constant 0 : i32
      %dma_wait3A_63 = tpu.memref_slice %arg13[%add3A_22, %dma_wait3A_62] : memref<10112x64xf32, #tpu.memory_space<vmem_shared>> -> memref<120x64xf32, #tpu.memory_space<vmem_shared>>
      %dma_wait3A_64 = arith.constant 0 : i32
      %dma_wait3A_65 = arith.constant 0 : i32
      %dma_wait3A_66 = tpu.memref_slice %arg8[%dma_wait3A_64, %dma_wait3A_65] : memref<128x64xf32, #tpu.memory_space<vmem>> -> memref<120x64xf32, #tpu.memory_space<vmem>>
      tpu.wait_dma2 semaphore(%run_scoped3A : memref<!tpu.dma_semaphore, #tpu.memory_space<semaphore_mem>>) src(%dma_wait3A_66 : memref<120x64xf32, #tpu.memory_space<vmem>>) dst(%dma_wait3A_63 : memref<120x64xf32, #tpu.memory_space<vmem_shared>>)
      tpu.yield
    }) : () -> ()
    %barrier3A = arith.constant 0 : index
    tpu.barrier barrier_id(%barrier3A)
    %mul3A_23 = arith.constant 16 : i32
    %mul3A_24 = arith.muli %arg0, %mul3A_23 : i32
    %add3A_25 = arith.addi %mul3A_24, %arg1 : i32
    %lt3A = arith.constant 31 : i32
    %lt3A_26 = arith.cmpi slt, %add3A_25, %lt3A : i32
    %convert_element_type3A = arith.extui %lt3A_26 : i1 to i32
    %cond3A = arith.constant 0 : i32
    %cond3A_27 = arith.cmpi ne, %convert_element_type3A, %cond3A : i32
    scf.if %cond3A_27 {
      %mul3A_49 = arith.constant 80 : i32
      %mul3A_50 = arith.muli %add3A_25, %mul3A_49 : i32
      "tpu.region"() ({
        %run_scoped3A = tpu.sem_alloc : memref<!tpu.dma_semaphore, #tpu.memory_space<semaphore_mem>>
        %dma_start3A = arith.constant 0 : i32
        %dma_start3A_53 = tpu.memref_slice %arg3[%mul3A_50, %dma_start3A] : memref<2500x128xi32, #tpu.memory_space<hbm>> -> memref<80x128xi32, #tpu.memory_space<hbm>>
        %dma_start3A_54 = arith.constant 0 : i32
        %dma_start3A_55 = tpu.memref_slice %arg3[%mul3A_50, %dma_start3A_54] : memref<2500x128xi32, #tpu.memory_space<hbm>> -> memref<80x128xi32, #tpu.memory_space<hbm>>
        tpu.enqueue_dma source(%dma_start3A_55 : memref<80x128xi32, #tpu.memory_space<hbm>>) target(%arg6 : memref<80x128xi32, #tpu.memory_space<vmem>>) target_semaphore(%run_scoped3A : memref<!tpu.dma_semaphore, #tpu.memory_space<semaphore_mem>>)
        %dma_wait3A = arith.constant 0 : i32
        %dma_wait3A_56 = tpu.memref_slice %arg3[%mul3A_50, %dma_wait3A] : memref<2500x128xi32, #tpu.memory_space<hbm>> -> memref<80x128xi32, #tpu.memory_space<hbm>>
        %dma_wait3A_57 = arith.constant 0 : i32
        %dma_wait3A_58 = tpu.memref_slice %arg3[%mul3A_50, %dma_wait3A_57] : memref<2500x128xi32, #tpu.memory_space<hbm>> -> memref<80x128xi32, #tpu.memory_space<hbm>>
        tpu.wait_dma2 semaphore(%run_scoped3A : memref<!tpu.dma_semaphore, #tpu.memory_space<semaphore_mem>>) src(%dma_wait3A_58 : memref<80x128xi32, #tpu.memory_space<hbm>>) dst(%arg6 : memref<80x128xi32, #tpu.memory_space<vmem>>)
        tpu.yield
      }) : () -> ()
      %mul3A_51 = arith.constant 80 : i32
      %mul3A_52 = arith.muli %add3A_25, %mul3A_51 : i32
      "tpu.region"() ({
        %run_scoped3A = tpu.sem_alloc : memref<!tpu.dma_semaphore, #tpu.memory_space<semaphore_mem>>
        %dma_start3A = arith.constant 0 : i32
        %dma_start3A_53 = tpu.memref_slice %arg4[%mul3A_52, %dma_start3A] : memref<2500x128xi32, #tpu.memory_space<hbm>> -> memref<80x128xi32, #tpu.memory_space<hbm>>
        %dma_start3A_54 = arith.constant 0 : i32
        %dma_start3A_55 = tpu.memref_slice %arg4[%mul3A_52, %dma_start3A_54] : memref<2500x128xi32, #tpu.memory_space<hbm>> -> memref<80x128xi32, #tpu.memory_space<hbm>>
        tpu.enqueue_dma source(%dma_start3A_55 : memref<80x128xi32, #tpu.memory_space<hbm>>) target(%arg7 : memref<80x128xi32, #tpu.memory_space<vmem>>) target_semaphore(%run_scoped3A : memref<!tpu.dma_semaphore, #tpu.memory_space<semaphore_mem>>)
        %dma_wait3A = arith.constant 0 : i32
        %dma_wait3A_56 = tpu.memref_slice %arg4[%mul3A_52, %dma_wait3A] : memref<2500x128xi32, #tpu.memory_space<hbm>> -> memref<80x128xi32, #tpu.memory_space<hbm>>
        %dma_wait3A_57 = arith.constant 0 : i32
        %dma_wait3A_58 = tpu.memref_slice %arg4[%mul3A_52, %dma_wait3A_57] : memref<2500x128xi32, #tpu.memory_space<hbm>> -> memref<80x128xi32, #tpu.memory_space<hbm>>
        tpu.wait_dma2 semaphore(%run_scoped3A : memref<!tpu.dma_semaphore, #tpu.memory_space<semaphore_mem>>) src(%dma_wait3A_58 : memref<80x128xi32, #tpu.memory_space<hbm>>) dst(%arg7 : memref<80x128xi32, #tpu.memory_space<vmem>>)
        tpu.yield
      }) : () -> ()
    } else {
    }
    %eq3A = arith.constant 31 : i32
    %eq3A_28 = arith.cmpi eq, %add3A_25, %eq3A : i32
    %convert_element_type3A_29 = arith.extui %eq3A_28 : i1 to i32
    %cond3A_30 = arith.constant 0 : i32
    %cond3A_31 = arith.cmpi ne, %convert_element_type3A_29, %cond3A_30 : i32
    scf.if %cond3A_31 {
      "tpu.region"() ({
        %run_scoped3A = tpu.sem_alloc : memref<!tpu.dma_semaphore, #tpu.memory_space<semaphore_mem>>
        %dma_start3A = arith.constant 0 : i32
        %dma_start3A_49 = arith.constant 0 : i32
        %dma_start3A_50 = tpu.memref_slice %arg6[%dma_start3A, %dma_start3A_49] : memref<80x128xi32, #tpu.memory_space<vmem>> -> memref<20x128xi32, #tpu.memory_space<vmem>>
        %dma_start3A_51 = arith.constant 2480 : i32
        %dma_start3A_52 = arith.constant 0 : i32
        %dma_start3A_53 = tpu.memref_slice %arg3[%dma_start3A_51, %dma_start3A_52] : memref<2500x128xi32, #tpu.memory_space<hbm>> -> memref<20x128xi32, #tpu.memory_space<hbm>>
        %dma_start3A_54 = arith.constant 0 : i32
        %dma_start3A_55 = arith.constant 0 : i32
        %dma_start3A_56 = tpu.memref_slice %arg6[%dma_start3A_54, %dma_start3A_55] : memref<80x128xi32, #tpu.memory_space<vmem>> -> memref<20x128xi32, #tpu.memory_space<vmem>>
        %dma_start3A_57 = arith.constant 2480 : i32
        %dma_start3A_58 = arith.constant 0 : i32
        %dma_start3A_59 = tpu.memref_slice %arg3[%dma_start3A_57, %dma_start3A_58] : memref<2500x128xi32, #tpu.memory_space<hbm>> -> memref<20x128xi32, #tpu.memory_space<hbm>>
        tpu.enqueue_dma source(%dma_start3A_59 : memref<20x128xi32, #tpu.memory_space<hbm>>) target(%dma_start3A_56 : memref<20x128xi32, #tpu.memory_space<vmem>>) target_semaphore(%run_scoped3A : memref<!tpu.dma_semaphore, #tpu.memory_space<semaphore_mem>>)
        %dma_wait3A = arith.constant 0 : i32
        %dma_wait3A_60 = arith.constant 0 : i32
        %dma_wait3A_61 = tpu.memref_slice %arg6[%dma_wait3A, %dma_wait3A_60] : memref<80x128xi32, #tpu.memory_space<vmem>> -> memref<20x128xi32, #tpu.memory_space<vmem>>
        %dma_wait3A_62 = arith.constant 2480 : i32
        %dma_wait3A_63 = arith.constant 0 : i32
        %dma_wait3A_64 = tpu.memref_slice %arg3[%dma_wait3A_62, %dma_wait3A_63] : memref<2500x128xi32, #tpu.memory_space<hbm>> -> memref<20x128xi32, #tpu.memory_space<hbm>>
        %dma_wait3A_65 = arith.constant 0 : i32
        %dma_wait3A_66 = arith.constant 0 : i32
        %dma_wait3A_67 = tpu.memref_slice %arg6[%dma_wait3A_65, %dma_wait3A_66] : memref<80x128xi32, #tpu.memory_space<vmem>> -> memref<20x128xi32, #tpu.memory_space<vmem>>
        %dma_wait3A_68 = arith.constant 2480 : i32
        %dma_wait3A_69 = arith.constant 0 : i32
        %dma_wait3A_70 = tpu.memref_slice %arg3[%dma_wait3A_68, %dma_wait3A_69] : memref<2500x128xi32, #tpu.memory_space<hbm>> -> memref<20x128xi32, #tpu.memory_space<hbm>>
        tpu.wait_dma2 semaphore(%run_scoped3A : memref<!tpu.dma_semaphore, #tpu.memory_space<semaphore_mem>>) src(%dma_wait3A_70 : memref<20x128xi32, #tpu.memory_space<hbm>>) dst(%dma_wait3A_67 : memref<20x128xi32, #tpu.memory_space<vmem>>)
        tpu.yield
      }) : () -> ()
      "tpu.region"() ({
        %run_scoped3A = tpu.sem_alloc : memref<!tpu.dma_semaphore, #tpu.memory_space<semaphore_mem>>
        %dma_start3A = arith.constant 0 : i32
        %dma_start3A_49 = arith.constant 0 : i32
        %dma_start3A_50 = tpu.memref_slice %arg7[%dma_start3A, %dma_start3A_49] : memref<80x128xi32, #tpu.memory_space<vmem>> -> memref<20x128xi32, #tpu.memory_space<vmem>>
        %dma_start3A_51 = arith.constant 2480 : i32
        %dma_start3A_52 = arith.constant 0 : i32
        %dma_start3A_53 = tpu.memref_slice %arg4[%dma_start3A_51, %dma_start3A_52] : memref<2500x128xi32, #tpu.memory_space<hbm>> -> memref<20x128xi32, #tpu.memory_space<hbm>>
        %dma_start3A_54 = arith.constant 0 : i32
        %dma_start3A_55 = arith.constant 0 : i32
        %dma_start3A_56 = tpu.memref_slice %arg7[%dma_start3A_54, %dma_start3A_55] : memref<80x128xi32, #tpu.memory_space<vmem>> -> memref<20x128xi32, #tpu.memory_space<vmem>>
        %dma_start3A_57 = arith.constant 2480 : i32
        %dma_start3A_58 = arith.constant 0 : i32
        %dma_start3A_59 = tpu.memref_slice %arg4[%dma_start3A_57, %dma_start3A_58] : memref<2500x128xi32, #tpu.memory_space<hbm>> -> memref<20x128xi32, #tpu.memory_space<hbm>>
        tpu.enqueue_dma source(%dma_start3A_59 : memref<20x128xi32, #tpu.memory_space<hbm>>) target(%dma_start3A_56 : memref<20x128xi32, #tpu.memory_space<vmem>>) target_semaphore(%run_scoped3A : memref<!tpu.dma_semaphore, #tpu.memory_space<semaphore_mem>>)
        %dma_wait3A = arith.constant 0 : i32
        %dma_wait3A_60 = arith.constant 0 : i32
        %dma_wait3A_61 = tpu.memref_slice %arg7[%dma_wait3A, %dma_wait3A_60] : memref<80x128xi32, #tpu.memory_space<vmem>> -> memref<20x128xi32, #tpu.memory_space<vmem>>
        %dma_wait3A_62 = arith.constant 2480 : i32
        %dma_wait3A_63 = arith.constant 0 : i32
        %dma_wait3A_64 = tpu.memref_slice %arg4[%dma_wait3A_62, %dma_wait3A_63] : memref<2500x128xi32, #tpu.memory_space<hbm>> -> memref<20x128xi32, #tpu.memory_space<hbm>>
        %dma_wait3A_65 = arith.constant 0 : i32
        %dma_wait3A_66 = arith.constant 0 : i32
        %dma_wait3A_67 = tpu.memref_slice %arg7[%dma_wait3A_65, %dma_wait3A_66] : memref<80x128xi32, #tpu.memory_space<vmem>> -> memref<20x128xi32, #tpu.memory_space<vmem>>
        %dma_wait3A_68 = arith.constant 2480 : i32
        %dma_wait3A_69 = arith.constant 0 : i32
        %dma_wait3A_70 = tpu.memref_slice %arg4[%dma_wait3A_68, %dma_wait3A_69] : memref<2500x128xi32, #tpu.memory_space<hbm>> -> memref<20x128xi32, #tpu.memory_space<hbm>>
        tpu.wait_dma2 semaphore(%run_scoped3A : memref<!tpu.dma_semaphore, #tpu.memory_space<semaphore_mem>>) src(%dma_wait3A_70 : memref<20x128xi32, #tpu.memory_space<hbm>>) dst(%dma_wait3A_67 : memref<20x128xi32, #tpu.memory_space<vmem>>)
        tpu.yield
      }) : () -> ()
    } else {
    }
    %eq3A_32 = arith.constant 31 : i32
    %eq3A_33 = arith.cmpi eq, %add3A_25, %eq3A_32 : i32
    %jit3A = arith.constant 4 : i32
    %jit3A_34 = arith.constant 16 : i32
    %select_n3A = arith.select %eq3A_33, %jit3A, %jit3A_34 : i32
    %while3A = arith.constant 0 : i32
    %while3A_35 = arith.constant 0 : i32
    %while3A_36 = arith.subi %select_n3A, %while3A_35 : i32
    %while3A_37 = arith.addi %while3A_35, %while3A_36 : i32
    %while3A_38 = arith.constant 1 : i32
    %while3A_39 = arith.divsi %while3A_36, %while3A_38 : i32
    %while3A_40 = arith.muli %while3A_39, %while3A_38 : i32
    %while3A_41 = arith.addi %while3A_35, %while3A_40 : i32
    %while3A_42 = arith.constant 1 : i32
    scf.for %while3A_49 = %while3A_35 to %while3A_41 step %while3A_42  : i32 {
      %mul3A_50 = arith.constant 5 : i32
      %mul3A_51 = arith.muli %while3A_49, %mul3A_50 : i32
      %add3A_52 = arith.constant 0 : i32
      %add3A_53 = arith.addi %mul3A_51, %add3A_52 : i32
      %dma_start3A = arith.constant 0 : i32
      %dma_start3A_54 = tpu.memref_slice %arg6[%add3A_53, %dma_start3A] : memref<80x128xi32, #tpu.memory_space<vmem>> -> memref<1x128xi32, #tpu.memory_space<vmem>>
      %dma_start3A_55 = tpu.memref_squeeze %dma_start3A_54 : memref<1x128xi32, #tpu.memory_space<vmem>> -> memref<128xi32, #tpu.memory_space<vmem>>
      %dma_start3A_56 = arith.constant 0 : i32
      %dma_start3A_57 = arith.constant 0 : i32
      %dma_start3A_58 = tpu.memref_slice %arg2[%dma_start3A_56, %dma_start3A_57] : memref<10000x64xf32, #tpu.memory_space<hbm>> -> memref<10000x64xf32, #tpu.memory_space<hbm>>
      tpu.enqueue_indirect_dma source(%dma_start3A_58 : memref<10000x64xf32, #tpu.memory_space<hbm>>) target(%arg8 : memref<128x64xf32, #tpu.memory_space<vmem>>) offsets(%dma_start3A_55 : memref<128xi32, #tpu.memory_space<vmem>>) semaphore(%arg14 : memref<!tpu.dma_semaphore, #tpu.memory_space<semaphore_mem>>)
      %add3A_59 = arith.constant 1 : i32
      %add3A_60 = arith.addi %mul3A_51, %add3A_59 : i32
      %dma_start3A_61 = arith.constant 0 : i32
      %dma_start3A_62 = tpu.memref_slice %arg6[%add3A_60, %dma_start3A_61] : memref<80x128xi32, #tpu.memory_space<vmem>> -> memref<1x128xi32, #tpu.memory_space<vmem>>
      %dma_start3A_63 = tpu.memref_squeeze %dma_start3A_62 : memref<1x128xi32, #tpu.memory_space<vmem>> -> memref<128xi32, #tpu.memory_space<vmem>>
      %dma_start3A_64 = arith.constant 0 : i32
      %dma_start3A_65 = arith.constant 0 : i32
      %dma_start3A_66 = tpu.memref_slice %arg2[%dma_start3A_64, %dma_start3A_65] : memref<10000x64xf32, #tpu.memory_space<hbm>> -> memref<10000x64xf32, #tpu.memory_space<hbm>>
      tpu.enqueue_indirect_dma source(%dma_start3A_66 : memref<10000x64xf32, #tpu.memory_space<hbm>>) target(%arg9 : memref<128x64xf32, #tpu.memory_space<vmem>>) offsets(%dma_start3A_63 : memref<128xi32, #tpu.memory_space<vmem>>) semaphore(%arg15 : memref<!tpu.dma_semaphore, #tpu.memory_space<semaphore_mem>>)
      %add3A_67 = arith.constant 2 : i32
      %add3A_68 = arith.addi %mul3A_51, %add3A_67 : i32
      %dma_start3A_69 = arith.constant 0 : i32
      %dma_start3A_70 = tpu.memref_slice %arg6[%add3A_68, %dma_start3A_69] : memref<80x128xi32, #tpu.memory_space<vmem>> -> memref<1x128xi32, #tpu.memory_space<vmem>>
      %dma_start3A_71 = tpu.memref_squeeze %dma_start3A_70 : memref<1x128xi32, #tpu.memory_space<vmem>> -> memref<128xi32, #tpu.memory_space<vmem>>
      %dma_start3A_72 = arith.constant 0 : i32
      %dma_start3A_73 = arith.constant 0 : i32
      %dma_start3A_74 = tpu.memref_slice %arg2[%dma_start3A_72, %dma_start3A_73] : memref<10000x64xf32, #tpu.memory_space<hbm>> -> memref<10000x64xf32, #tpu.memory_space<hbm>>
      tpu.enqueue_indirect_dma source(%dma_start3A_74 : memref<10000x64xf32, #tpu.memory_space<hbm>>) target(%arg10 : memref<128x64xf32, #tpu.memory_space<vmem>>) offsets(%dma_start3A_71 : memref<128xi32, #tpu.memory_space<vmem>>) semaphore(%arg16 : memref<!tpu.dma_semaphore, #tpu.memory_space<semaphore_mem>>)
      %add3A_75 = arith.constant 3 : i32
      %add3A_76 = arith.addi %mul3A_51, %add3A_75 : i32
      %dma_start3A_77 = arith.constant 0 : i32
      %dma_start3A_78 = tpu.memref_slice %arg6[%add3A_76, %dma_start3A_77] : memref<80x128xi32, #tpu.memory_space<vmem>> -> memref<1x128xi32, #tpu.memory_space<vmem>>
      %dma_start3A_79 = tpu.memref_squeeze %dma_start3A_78 : memref<1x128xi32, #tpu.memory_space<vmem>> -> memref<128xi32, #tpu.memory_space<vmem>>
      %dma_start3A_80 = arith.constant 0 : i32
      %dma_start3A_81 = arith.constant 0 : i32
      %dma_start3A_82 = tpu.memref_slice %arg2[%dma_start3A_80, %dma_start3A_81] : memref<10000x64xf32, #tpu.memory_space<hbm>> -> memref<10000x64xf32, #tpu.memory_space<hbm>>
      tpu.enqueue_indirect_dma source(%dma_start3A_82 : memref<10000x64xf32, #tpu.memory_space<hbm>>) target(%arg11 : memref<128x64xf32, #tpu.memory_space<vmem>>) offsets(%dma_start3A_79 : memref<128xi32, #tpu.memory_space<vmem>>) semaphore(%arg17 : memref<!tpu.dma_semaphore, #tpu.memory_space<semaphore_mem>>)
      %add3A_83 = arith.constant 4 : i32
      %add3A_84 = arith.addi %mul3A_51, %add3A_83 : i32
      %dma_start3A_85 = arith.constant 0 : i32
      %dma_start3A_86 = tpu.memref_slice %arg6[%add3A_84, %dma_start3A_85] : memref<80x128xi32, #tpu.memory_space<vmem>> -> memref<1x128xi32, #tpu.memory_space<vmem>>
      %dma_start3A_87 = tpu.memref_squeeze %dma_start3A_86 : memref<1x128xi32, #tpu.memory_space<vmem>> -> memref<128xi32, #tpu.memory_space<vmem>>
      %dma_start3A_88 = arith.constant 0 : i32
      %dma_start3A_89 = arith.constant 0 : i32
      %dma_start3A_90 = tpu.memref_slice %arg2[%dma_start3A_88, %dma_start3A_89] : memref<10000x64xf32, #tpu.memory_space<hbm>> -> memref<10000x64xf32, #tpu.memory_space<hbm>>
      tpu.enqueue_indirect_dma source(%dma_start3A_90 : memref<10000x64xf32, #tpu.memory_space<hbm>>) target(%arg12 : memref<128x64xf32, #tpu.memory_space<vmem>>) offsets(%dma_start3A_87 : memref<128xi32, #tpu.memory_space<vmem>>) semaphore(%arg18 : memref<!tpu.dma_semaphore, #tpu.memory_space<semaphore_mem>>)
      %dma_wait3A = arith.constant 0 : i32
      %dma_wait3A_91 = tpu.memref_slice %arg6[%add3A_53, %dma_wait3A] : memref<80x128xi32, #tpu.memory_space<vmem>> -> memref<1x128xi32, #tpu.memory_space<vmem>>
      %dma_wait3A_92 = tpu.memref_squeeze %dma_wait3A_91 : memref<1x128xi32, #tpu.memory_space<vmem>> -> memref<128xi32, #tpu.memory_space<vmem>>
      %dma_wait3A_93 = arith.constant 0 : i32
      %dma_wait3A_94 = arith.constant 0 : i32
      %dma_wait3A_95 = tpu.memref_slice %arg2[%dma_wait3A_93, %dma_wait3A_94] : memref<10000x64xf32, #tpu.memory_space<hbm>> -> memref<10000x64xf32, #tpu.memory_space<hbm>>
      tpu.wait_indirect_dma semaphore(%arg14 : memref<!tpu.dma_semaphore, #tpu.memory_space<semaphore_mem>>) src(%dma_wait3A_95 : memref<10000x64xf32, #tpu.memory_space<hbm>>) dst(%arg8 : memref<128x64xf32, #tpu.memory_space<vmem>>)
      %add3A_96 = arith.constant 0 : i32
      %add3A_97 = arith.addi %mul3A_51, %add3A_96 : i32
      %dma_start3A_98 = arith.constant 0 : i32
      %dma_start3A_99 = tpu.memref_slice %arg7[%add3A_97, %dma_start3A_98] : memref<80x128xi32, #tpu.memory_space<vmem>> -> memref<1x128xi32, #tpu.memory_space<vmem>>
      %dma_start3A_100 = tpu.memref_squeeze %dma_start3A_99 : memref<1x128xi32, #tpu.memory_space<vmem>> -> memref<128xi32, #tpu.memory_space<vmem>>
      %dma_start3A_101 = arith.constant 0 : i32
      %dma_start3A_102 = arith.constant 0 : i32
      %dma_start3A_103 = tpu.memref_slice %arg13[%dma_start3A_101, %dma_start3A_102] : memref<10112x64xf32, #tpu.memory_space<vmem_shared>> -> memref<10112x64xf32, #tpu.memory_space<vmem_shared>>
      tpu.enqueue_indirect_dma source(%arg8 : memref<128x64xf32, #tpu.memory_space<vmem>>) target(%dma_start3A_103 : memref<10112x64xf32, #tpu.memory_space<vmem_shared>>) offsets(%dma_start3A_100 : memref<128xi32, #tpu.memory_space<vmem>>) semaphore(%arg19 : memref<!tpu.dma_semaphore, #tpu.memory_space<semaphore_mem>>) {add = true}
      %dma_wait3A_104 = arith.constant 0 : i32
      %dma_wait3A_105 = tpu.memref_slice %arg6[%add3A_60, %dma_wait3A_104] : memref<80x128xi32, #tpu.memory_space<vmem>> -> memref<1x128xi32, #tpu.memory_space<vmem>>
      %dma_wait3A_106 = tpu.memref_squeeze %dma_wait3A_105 : memref<1x128xi32, #tpu.memory_space<vmem>> -> memref<128xi32, #tpu.memory_space<vmem>>
      %dma_wait3A_107 = arith.constant 0 : i32
      %dma_wait3A_108 = arith.constant 0 : i32
      %dma_wait3A_109 = tpu.memref_slice %arg2[%dma_wait3A_107, %dma_wait3A_108] : memref<10000x64xf32, #tpu.memory_space<hbm>> -> memref<10000x64xf32, #tpu.memory_space<hbm>>
      tpu.wait_indirect_dma semaphore(%arg15 : memref<!tpu.dma_semaphore, #tpu.memory_space<semaphore_mem>>) src(%dma_wait3A_109 : memref<10000x64xf32, #tpu.memory_space<hbm>>) dst(%arg9 : memref<128x64xf32, #tpu.memory_space<vmem>>)
      %add3A_110 = arith.constant 1 : i32
      %add3A_111 = arith.addi %mul3A_51, %add3A_110 : i32
      %dma_start3A_112 = arith.constant 0 : i32
      %dma_start3A_113 = tpu.memref_slice %arg7[%add3A_111, %dma_start3A_112] : memref<80x128xi32, #tpu.memory_space<vmem>> -> memref<1x128xi32, #tpu.memory_space<vmem>>
      %dma_start3A_114 = tpu.memref_squeeze %dma_start3A_113 : memref<1x128xi32, #tpu.memory_space<vmem>> -> memref<128xi32, #tpu.memory_space<vmem>>
      %dma_start3A_115 = arith.constant 0 : i32
      %dma_start3A_116 = arith.constant 0 : i32
      %dma_start3A_117 = tpu.memref_slice %arg13[%dma_start3A_115, %dma_start3A_116] : memref<10112x64xf32, #tpu.memory_space<vmem_shared>> -> memref<10112x64xf32, #tpu.memory_space<vmem_shared>>
      tpu.enqueue_indirect_dma source(%arg9 : memref<128x64xf32, #tpu.memory_space<vmem>>) target(%dma_start3A_117 : memref<10112x64xf32, #tpu.memory_space<vmem_shared>>) offsets(%dma_start3A_114 : memref<128xi32, #tpu.memory_space<vmem>>) semaphore(%arg20 : memref<!tpu.dma_semaphore, #tpu.memory_space<semaphore_mem>>) {add = true}
      %dma_wait3A_118 = arith.constant 0 : i32
      %dma_wait3A_119 = tpu.memref_slice %arg6[%add3A_68, %dma_wait3A_118] : memref<80x128xi32, #tpu.memory_space<vmem>> -> memref<1x128xi32, #tpu.memory_space<vmem>>
      %dma_wait3A_120 = tpu.memref_squeeze %dma_wait3A_119 : memref<1x128xi32, #tpu.memory_space<vmem>> -> memref<128xi32, #tpu.memory_space<vmem>>
      %dma_wait3A_121 = arith.constant 0 : i32
      %dma_wait3A_122 = arith.constant 0 : i32
      %dma_wait3A_123 = tpu.memref_slice %arg2[%dma_wait3A_121, %dma_wait3A_122] : memref<10000x64xf32, #tpu.memory_space<hbm>> -> memref<10000x64xf32, #tpu.memory_space<hbm>>
      tpu.wait_indirect_dma semaphore(%arg16 : memref<!tpu.dma_semaphore, #tpu.memory_space<semaphore_mem>>) src(%dma_wait3A_123 : memref<10000x64xf32, #tpu.memory_space<hbm>>) dst(%arg10 : memref<128x64xf32, #tpu.memory_space<vmem>>)
      %add3A_124 = arith.constant 2 : i32
      %add3A_125 = arith.addi %mul3A_51, %add3A_124 : i32
      %dma_start3A_126 = arith.constant 0 : i32
      %dma_start3A_127 = tpu.memref_slice %arg7[%add3A_125, %dma_start3A_126] : memref<80x128xi32, #tpu.memory_space<vmem>> -> memref<1x128xi32, #tpu.memory_space<vmem>>
      %dma_start3A_128 = tpu.memref_squeeze %dma_start3A_127 : memref<1x128xi32, #tpu.memory_space<vmem>> -> memref<128xi32, #tpu.memory_space<vmem>>
      %dma_start3A_129 = arith.constant 0 : i32
      %dma_start3A_130 = arith.constant 0 : i32
      %dma_start3A_131 = tpu.memref_slice %arg13[%dma_start3A_129, %dma_start3A_130] : memref<10112x64xf32, #tpu.memory_space<vmem_shared>> -> memref<10112x64xf32, #tpu.memory_space<vmem_shared>>
      tpu.enqueue_indirect_dma source(%arg10 : memref<128x64xf32, #tpu.memory_space<vmem>>) target(%dma_start3A_131 : memref<10112x64xf32, #tpu.memory_space<vmem_shared>>) offsets(%dma_start3A_128 : memref<128xi32, #tpu.memory_space<vmem>>) semaphore(%arg21 : memref<!tpu.dma_semaphore, #tpu.memory_space<semaphore_mem>>) {add = true}
      %dma_wait3A_132 = arith.constant 0 : i32
      %dma_wait3A_133 = tpu.memref_slice %arg6[%add3A_76, %dma_wait3A_132] : memref<80x128xi32, #tpu.memory_space<vmem>> -> memref<1x128xi32, #tpu.memory_space<vmem>>
      %dma_wait3A_134 = tpu.memref_squeeze %dma_wait3A_133 : memref<1x128xi32, #tpu.memory_space<vmem>> -> memref<128xi32, #tpu.memory_space<vmem>>
      %dma_wait3A_135 = arith.constant 0 : i32
      %dma_wait3A_136 = arith.constant 0 : i32
      %dma_wait3A_137 = tpu.memref_slice %arg2[%dma_wait3A_135, %dma_wait3A_136] : memref<10000x64xf32, #tpu.memory_space<hbm>> -> memref<10000x64xf32, #tpu.memory_space<hbm>>
      tpu.wait_indirect_dma semaphore(%arg17 : memref<!tpu.dma_semaphore, #tpu.memory_space<semaphore_mem>>) src(%dma_wait3A_137 : memref<10000x64xf32, #tpu.memory_space<hbm>>) dst(%arg11 : memref<128x64xf32, #tpu.memory_space<vmem>>)
      %add3A_138 = arith.constant 3 : i32
      %add3A_139 = arith.addi %mul3A_51, %add3A_138 : i32
      %dma_start3A_140 = arith.constant 0 : i32
      %dma_start3A_141 = tpu.memref_slice %arg7[%add3A_139, %dma_start3A_140] : memref<80x128xi32, #tpu.memory_space<vmem>> -> memref<1x128xi32, #tpu.memory_space<vmem>>
      %dma_start3A_142 = tpu.memref_squeeze %dma_start3A_141 : memref<1x128xi32, #tpu.memory_space<vmem>> -> memref<128xi32, #tpu.memory_space<vmem>>
      %dma_start3A_143 = arith.constant 0 : i32
      %dma_start3A_144 = arith.constant 0 : i32
      %dma_start3A_145 = tpu.memref_slice %arg13[%dma_start3A_143, %dma_start3A_144] : memref<10112x64xf32, #tpu.memory_space<vmem_shared>> -> memref<10112x64xf32, #tpu.memory_space<vmem_shared>>
      tpu.enqueue_indirect_dma source(%arg11 : memref<128x64xf32, #tpu.memory_space<vmem>>) target(%dma_start3A_145 : memref<10112x64xf32, #tpu.memory_space<vmem_shared>>) offsets(%dma_start3A_142 : memref<128xi32, #tpu.memory_space<vmem>>) semaphore(%arg22 : memref<!tpu.dma_semaphore, #tpu.memory_space<semaphore_mem>>) {add = true}
      %dma_wait3A_146 = arith.constant 0 : i32
      %dma_wait3A_147 = tpu.memref_slice %arg6[%add3A_84, %dma_wait3A_146] : memref<80x128xi32, #tpu.memory_space<vmem>> -> memref<1x128xi32, #tpu.memory_space<vmem>>
      %dma_wait3A_148 = tpu.memref_squeeze %dma_wait3A_147 : memref<1x128xi32, #tpu.memory_space<vmem>> -> memref<128xi32, #tpu.memory_space<vmem>>
      %dma_wait3A_149 = arith.constant 0 : i32
      %dma_wait3A_150 = arith.constant 0 : i32
      %dma_wait3A_151 = tpu.memref_slice %arg2[%dma_wait3A_149, %dma_wait3A_150] : memref<10000x64xf32, #tpu.memory_space<hbm>> -> memref<10000x64xf32, #tpu.memory_space<hbm>>
      tpu.wait_indirect_dma semaphore(%arg18 : memref<!tpu.dma_semaphore, #tpu.memory_space<semaphore_mem>>) src(%dma_wait3A_151 : memref<10000x64xf32, #tpu.memory_space<hbm>>) dst(%arg12 : memref<128x64xf32, #tpu.memory_space<vmem>>)
      %add3A_152 = arith.constant 4 : i32
      %add3A_153 = arith.addi %mul3A_51, %add3A_152 : i32
      %dma_start3A_154 = arith.constant 0 : i32
      %dma_start3A_155 = tpu.memref_slice %arg7[%add3A_153, %dma_start3A_154] : memref<80x128xi32, #tpu.memory_space<vmem>> -> memref<1x128xi32, #tpu.memory_space<vmem>>
      %dma_start3A_156 = tpu.memref_squeeze %dma_start3A_155 : memref<1x128xi32, #tpu.memory_space<vmem>> -> memref<128xi32, #tpu.memory_space<vmem>>
      %dma_start3A_157 = arith.constant 0 : i32
      %dma_start3A_158 = arith.constant 0 : i32
      %dma_start3A_159 = tpu.memref_slice %arg13[%dma_start3A_157, %dma_start3A_158] : memref<10112x64xf32, #tpu.memory_space<vmem_shared>> -> memref<10112x64xf32, #tpu.memory_space<vmem_shared>>
      tpu.enqueue_indirect_dma source(%arg12 : memref<128x64xf32, #tpu.memory_space<vmem>>) target(%dma_start3A_159 : memref<10112x64xf32, #tpu.memory_space<vmem_shared>>) offsets(%dma_start3A_156 : memref<128xi32, #tpu.memory_space<vmem>>) semaphore(%arg23 : memref<!tpu.dma_semaphore, #tpu.memory_space<semaphore_mem>>) {add = true}
      %dma_wait3A_160 = arith.constant 0 : i32
      %dma_wait3A_161 = tpu.memref_slice %arg7[%add3A_97, %dma_wait3A_160] : memref<80x128xi32, #tpu.memory_space<vmem>> -> memref<1x128xi32, #tpu.memory_space<vmem>>
      %dma_wait3A_162 = tpu.memref_squeeze %dma_wait3A_161 : memref<1x128xi32, #tpu.memory_space<vmem>> -> memref<128xi32, #tpu.memory_space<vmem>>
      %dma_wait3A_163 = arith.constant 0 : i32
      %dma_wait3A_164 = arith.constant 0 : i32
      %dma_wait3A_165 = tpu.memref_slice %arg13[%dma_wait3A_163, %dma_wait3A_164] : memref<10112x64xf32, #tpu.memory_space<vmem_shared>> -> memref<10112x64xf32, #tpu.memory_space<vmem_shared>>
      tpu.wait_indirect_dma semaphore(%arg19 : memref<!tpu.dma_semaphore, #tpu.memory_space<semaphore_mem>>) src(%arg8 : memref<128x64xf32, #tpu.memory_space<vmem>>) dst(%dma_wait3A_165 : memref<10112x64xf32, #tpu.memory_space<vmem_shared>>)
      %dma_wait3A_166 = arith.constant 0 : i32
      %dma_wait3A_167 = tpu.memref_slice %arg7[%add3A_111, %dma_wait3A_166] : memref<80x128xi32, #tpu.memory_space<vmem>> -> memref<1x128xi32, #tpu.memory_space<vmem>>
      %dma_wait3A_168 = tpu.memref_squeeze %dma_wait3A_167 : memref<1x128xi32, #tpu.memory_space<vmem>> -> memref<128xi32, #tpu.memory_space<vmem>>
      %dma_wait3A_169 = arith.constant 0 : i32
      %dma_wait3A_170 = arith.constant 0 : i32
      %dma_wait3A_171 = tpu.memref_slice %arg13[%dma_wait3A_169, %dma_wait3A_170] : memref<10112x64xf32, #tpu.memory_space<vmem_shared>> -> memref<10112x64xf32, #tpu.memory_space<vmem_shared>>
      tpu.wait_indirect_dma semaphore(%arg20 : memref<!tpu.dma_semaphore, #tpu.memory_space<semaphore_mem>>) src(%arg9 : memref<128x64xf32, #tpu.memory_space<vmem>>) dst(%dma_wait3A_171 : memref<10112x64xf32, #tpu.memory_space<vmem_shared>>)
      %dma_wait3A_172 = arith.constant 0 : i32
      %dma_wait3A_173 = tpu.memref_slice %arg7[%add3A_125, %dma_wait3A_172] : memref<80x128xi32, #tpu.memory_space<vmem>> -> memref<1x128xi32, #tpu.memory_space<vmem>>
      %dma_wait3A_174 = tpu.memref_squeeze %dma_wait3A_173 : memref<1x128xi32, #tpu.memory_space<vmem>> -> memref<128xi32, #tpu.memory_space<vmem>>
      %dma_wait3A_175 = arith.constant 0 : i32
      %dma_wait3A_176 = arith.constant 0 : i32
      %dma_wait3A_177 = tpu.memref_slice %arg13[%dma_wait3A_175, %dma_wait3A_176] : memref<10112x64xf32, #tpu.memory_space<vmem_shared>> -> memref<10112x64xf32, #tpu.memory_space<vmem_shared>>
      tpu.wait_indirect_dma semaphore(%arg21 : memref<!tpu.dma_semaphore, #tpu.memory_space<semaphore_mem>>) src(%arg10 : memref<128x64xf32, #tpu.memory_space<vmem>>) dst(%dma_wait3A_177 : memref<10112x64xf32, #tpu.memory_space<vmem_shared>>)
      %dma_wait3A_178 = arith.constant 0 : i32
      %dma_wait3A_179 = tpu.memref_slice %arg7[%add3A_139, %dma_wait3A_178] : memref<80x128xi32, #tpu.memory_space<vmem>> -> memref<1x128xi32, #tpu.memory_space<vmem>>
      %dma_wait3A_180 = tpu.memref_squeeze %dma_wait3A_179 : memref<1x128xi32, #tpu.memory_space<vmem>> -> memref<128xi32, #tpu.memory_space<vmem>>
      %dma_wait3A_181 = arith.constant 0 : i32
      %dma_wait3A_182 = arith.constant 0 : i32
      %dma_wait3A_183 = tpu.memref_slice %arg13[%dma_wait3A_181, %dma_wait3A_182] : memref<10112x64xf32, #tpu.memory_space<vmem_shared>> -> memref<10112x64xf32, #tpu.memory_space<vmem_shared>>
      tpu.wait_indirect_dma semaphore(%arg22 : memref<!tpu.dma_semaphore, #tpu.memory_space<semaphore_mem>>) src(%arg11 : memref<128x64xf32, #tpu.memory_space<vmem>>) dst(%dma_wait3A_183 : memref<10112x64xf32, #tpu.memory_space<vmem_shared>>)
      %dma_wait3A_184 = arith.constant 0 : i32
      %dma_wait3A_185 = tpu.memref_slice %arg7[%add3A_153, %dma_wait3A_184] : memref<80x128xi32, #tpu.memory_space<vmem>> -> memref<1x128xi32, #tpu.memory_space<vmem>>
      %dma_wait3A_186 = tpu.memref_squeeze %dma_wait3A_185 : memref<1x128xi32, #tpu.memory_space<vmem>> -> memref<128xi32, #tpu.memory_space<vmem>>
      %dma_wait3A_187 = arith.constant 0 : i32
      %dma_wait3A_188 = arith.constant 0 : i32
      %dma_wait3A_189 = tpu.memref_slice %arg13[%dma_wait3A_187, %dma_wait3A_188] : memref<10112x64xf32, #tpu.memory_space<vmem_shared>> -> memref<10112x64xf32, #tpu.memory_space<vmem_shared>>
      tpu.wait_indirect_dma semaphore(%arg23 : memref<!tpu.dma_semaphore, #tpu.memory_space<semaphore_mem>>) src(%arg12 : memref<128x64xf32, #tpu.memory_space<vmem>>) dst(%dma_wait3A_189 : memref<10112x64xf32, #tpu.memory_space<vmem_shared>>)
    }
    %while3A_43 = arith.constant 1 : i32
    scf.for %while3A_49 = %while3A_41 to %while3A_37 step %while3A_43  : i32 {
      %mul3A_50 = arith.constant 5 : i32
      %mul3A_51 = arith.muli %while3A_49, %mul3A_50 : i32
      %add3A_52 = arith.constant 0 : i32
      %add3A_53 = arith.addi %mul3A_51, %add3A_52 : i32
      %dma_start3A = arith.constant 0 : i32
      %dma_start3A_54 = tpu.memref_slice %arg6[%add3A_53, %dma_start3A] : memref<80x128xi32, #tpu.memory_space<vmem>> -> memref<1x128xi32, #tpu.memory_space<vmem>>
      %dma_start3A_55 = tpu.memref_squeeze %dma_start3A_54 : memref<1x128xi32, #tpu.memory_space<vmem>> -> memref<128xi32, #tpu.memory_space<vmem>>
      %dma_start3A_56 = arith.constant 0 : i32
      %dma_start3A_57 = arith.constant 0 : i32
      %dma_start3A_58 = tpu.memref_slice %arg2[%dma_start3A_56, %dma_start3A_57] : memref<10000x64xf32, #tpu.memory_space<hbm>> -> memref<10000x64xf32, #tpu.memory_space<hbm>>
      tpu.enqueue_indirect_dma source(%dma_start3A_58 : memref<10000x64xf32, #tpu.memory_space<hbm>>) target(%arg8 : memref<128x64xf32, #tpu.memory_space<vmem>>) offsets(%dma_start3A_55 : memref<128xi32, #tpu.memory_space<vmem>>) semaphore(%arg14 : memref<!tpu.dma_semaphore, #tpu.memory_space<semaphore_mem>>)
      %add3A_59 = arith.constant 1 : i32
      %add3A_60 = arith.addi %mul3A_51, %add3A_59 : i32
      %dma_start3A_61 = arith.constant 0 : i32
      %dma_start3A_62 = tpu.memref_slice %arg6[%add3A_60, %dma_start3A_61] : memref<80x128xi32, #tpu.memory_space<vmem>> -> memref<1x128xi32, #tpu.memory_space<vmem>>
      %dma_start3A_63 = tpu.memref_squeeze %dma_start3A_62 : memref<1x128xi32, #tpu.memory_space<vmem>> -> memref<128xi32, #tpu.memory_space<vmem>>
      %dma_start3A_64 = arith.constant 0 : i32
      %dma_start3A_65 = arith.constant 0 : i32
      %dma_start3A_66 = tpu.memref_slice %arg2[%dma_start3A_64, %dma_start3A_65] : memref<10000x64xf32, #tpu.memory_space<hbm>> -> memref<10000x64xf32, #tpu.memory_space<hbm>>
      tpu.enqueue_indirect_dma source(%dma_start3A_66 : memref<10000x64xf32, #tpu.memory_space<hbm>>) target(%arg9 : memref<128x64xf32, #tpu.memory_space<vmem>>) offsets(%dma_start3A_63 : memref<128xi32, #tpu.memory_space<vmem>>) semaphore(%arg15 : memref<!tpu.dma_semaphore, #tpu.memory_space<semaphore_mem>>)
      %add3A_67 = arith.constant 2 : i32
      %add3A_68 = arith.addi %mul3A_51, %add3A_67 : i32
      %dma_start3A_69 = arith.constant 0 : i32
      %dma_start3A_70 = tpu.memref_slice %arg6[%add3A_68, %dma_start3A_69] : memref<80x128xi32, #tpu.memory_space<vmem>> -> memref<1x128xi32, #tpu.memory_space<vmem>>
      %dma_start3A_71 = tpu.memref_squeeze %dma_start3A_70 : memref<1x128xi32, #tpu.memory_space<vmem>> -> memref<128xi32, #tpu.memory_space<vmem>>
      %dma_start3A_72 = arith.constant 0 : i32
      %dma_start3A_73 = arith.constant 0 : i32
      %dma_start3A_74 = tpu.memref_slice %arg2[%dma_start3A_72, %dma_start3A_73] : memref<10000x64xf32, #tpu.memory_space<hbm>> -> memref<10000x64xf32, #tpu.memory_space<hbm>>
      tpu.enqueue_indirect_dma source(%dma_start3A_74 : memref<10000x64xf32, #tpu.memory_space<hbm>>) target(%arg10 : memref<128x64xf32, #tpu.memory_space<vmem>>) offsets(%dma_start3A_71 : memref<128xi32, #tpu.memory_space<vmem>>) semaphore(%arg16 : memref<!tpu.dma_semaphore, #tpu.memory_space<semaphore_mem>>)
      %add3A_75 = arith.constant 3 : i32
      %add3A_76 = arith.addi %mul3A_51, %add3A_75 : i32
      %dma_start3A_77 = arith.constant 0 : i32
      %dma_start3A_78 = tpu.memref_slice %arg6[%add3A_76, %dma_start3A_77] : memref<80x128xi32, #tpu.memory_space<vmem>> -> memref<1x128xi32, #tpu.memory_space<vmem>>
      %dma_start3A_79 = tpu.memref_squeeze %dma_start3A_78 : memref<1x128xi32, #tpu.memory_space<vmem>> -> memref<128xi32, #tpu.memory_space<vmem>>
      %dma_start3A_80 = arith.constant 0 : i32
      %dma_start3A_81 = arith.constant 0 : i32
      %dma_start3A_82 = tpu.memref_slice %arg2[%dma_start3A_80, %dma_start3A_81] : memref<10000x64xf32, #tpu.memory_space<hbm>> -> memref<10000x64xf32, #tpu.memory_space<hbm>>
      tpu.enqueue_indirect_dma source(%dma_start3A_82 : memref<10000x64xf32, #tpu.memory_space<hbm>>) target(%arg11 : memref<128x64xf32, #tpu.memory_space<vmem>>) offsets(%dma_start3A_79 : memref<128xi32, #tpu.memory_space<vmem>>) semaphore(%arg17 : memref<!tpu.dma_semaphore, #tpu.memory_space<semaphore_mem>>)
      %add3A_83 = arith.constant 4 : i32
      %add3A_84 = arith.addi %mul3A_51, %add3A_83 : i32
      %dma_start3A_85 = arith.constant 0 : i32
      %dma_start3A_86 = tpu.memref_slice %arg6[%add3A_84, %dma_start3A_85] : memref<80x128xi32, #tpu.memory_space<vmem>> -> memref<1x128xi32, #tpu.memory_space<vmem>>
      %dma_start3A_87 = tpu.memref_squeeze %dma_start3A_86 : memref<1x128xi32, #tpu.memory_space<vmem>> -> memref<128xi32, #tpu.memory_space<vmem>>
      %dma_start3A_88 = arith.constant 0 : i32
      %dma_start3A_89 = arith.constant 0 : i32
      %dma_start3A_90 = tpu.memref_slice %arg2[%dma_start3A_88, %dma_start3A_89] : memref<10000x64xf32, #tpu.memory_space<hbm>> -> memref<10000x64xf32, #tpu.memory_space<hbm>>
      tpu.enqueue_indirect_dma source(%dma_start3A_90 : memref<10000x64xf32, #tpu.memory_space<hbm>>) target(%arg12 : memref<128x64xf32, #tpu.memory_space<vmem>>) offsets(%dma_start3A_87 : memref<128xi32, #tpu.memory_space<vmem>>) semaphore(%arg18 : memref<!tpu.dma_semaphore, #tpu.memory_space<semaphore_mem>>)
      %dma_wait3A = arith.constant 0 : i32
      %dma_wait3A_91 = tpu.memref_slice %arg6[%add3A_53, %dma_wait3A] : memref<80x128xi32, #tpu.memory_space<vmem>> -> memref<1x128xi32, #tpu.memory_space<vmem>>
      %dma_wait3A_92 = tpu.memref_squeeze %dma_wait3A_91 : memref<1x128xi32, #tpu.memory_space<vmem>> -> memref<128xi32, #tpu.memory_space<vmem>>
      %dma_wait3A_93 = arith.constant 0 : i32
      %dma_wait3A_94 = arith.constant 0 : i32
      %dma_wait3A_95 = tpu.memref_slice %arg2[%dma_wait3A_93, %dma_wait3A_94] : memref<10000x64xf32, #tpu.memory_space<hbm>> -> memref<10000x64xf32, #tpu.memory_space<hbm>>
      tpu.wait_indirect_dma semaphore(%arg14 : memref<!tpu.dma_semaphore, #tpu.memory_space<semaphore_mem>>) src(%dma_wait3A_95 : memref<10000x64xf32, #tpu.memory_space<hbm>>) dst(%arg8 : memref<128x64xf32, #tpu.memory_space<vmem>>)
      %add3A_96 = arith.constant 0 : i32
      %add3A_97 = arith.addi %mul3A_51, %add3A_96 : i32
      %dma_start3A_98 = arith.constant 0 : i32
      %dma_start3A_99 = tpu.memref_slice %arg7[%add3A_97, %dma_start3A_98] : memref<80x128xi32, #tpu.memory_space<vmem>> -> memref<1x128xi32, #tpu.memory_space<vmem>>
      %dma_start3A_100 = tpu.memref_squeeze %dma_start3A_99 : memref<1x128xi32, #tpu.memory_space<vmem>> -> memref<128xi32, #tpu.memory_space<vmem>>
      %dma_start3A_101 = arith.constant 0 : i32
      %dma_start3A_102 = arith.constant 0 : i32
      %dma_start3A_103 = tpu.memref_slice %arg13[%dma_start3A_101, %dma_start3A_102] : memref<10112x64xf32, #tpu.memory_space<vmem_shared>> -> memref<10112x64xf32, #tpu.memory_space<vmem_shared>>
      tpu.enqueue_indirect_dma source(%arg8 : memref<128x64xf32, #tpu.memory_space<vmem>>) target(%dma_start3A_103 : memref<10112x64xf32, #tpu.memory_space<vmem_shared>>) offsets(%dma_start3A_100 : memref<128xi32, #tpu.memory_space<vmem>>) semaphore(%arg19 : memref<!tpu.dma_semaphore, #tpu.memory_space<semaphore_mem>>) {add = true}
      %dma_wait3A_104 = arith.constant 0 : i32
      %dma_wait3A_105 = tpu.memref_slice %arg6[%add3A_60, %dma_wait3A_104] : memref<80x128xi32, #tpu.memory_space<vmem>> -> memref<1x128xi32, #tpu.memory_space<vmem>>
      %dma_wait3A_106 = tpu.memref_squeeze %dma_wait3A_105 : memref<1x128xi32, #tpu.memory_space<vmem>> -> memref<128xi32, #tpu.memory_space<vmem>>
      %dma_wait3A_107 = arith.constant 0 : i32
      %dma_wait3A_108 = arith.constant 0 : i32
      %dma_wait3A_109 = tpu.memref_slice %arg2[%dma_wait3A_107, %dma_wait3A_108] : memref<10000x64xf32, #tpu.memory_space<hbm>> -> memref<10000x64xf32, #tpu.memory_space<hbm>>
      tpu.wait_indirect_dma semaphore(%arg15 : memref<!tpu.dma_semaphore, #tpu.memory_space<semaphore_mem>>) src(%dma_wait3A_109 : memref<10000x64xf32, #tpu.memory_space<hbm>>) dst(%arg9 : memref<128x64xf32, #tpu.memory_space<vmem>>)
      %add3A_110 = arith.constant 1 : i32
      %add3A_111 = arith.addi %mul3A_51, %add3A_110 : i32
      %dma_start3A_112 = arith.constant 0 : i32
      %dma_start3A_113 = tpu.memref_slice %arg7[%add3A_111, %dma_start3A_112] : memref<80x128xi32, #tpu.memory_space<vmem>> -> memref<1x128xi32, #tpu.memory_space<vmem>>
      %dma_start3A_114 = tpu.memref_squeeze %dma_start3A_113 : memref<1x128xi32, #tpu.memory_space<vmem>> -> memref<128xi32, #tpu.memory_space<vmem>>
      %dma_start3A_115 = arith.constant 0 : i32
      %dma_start3A_116 = arith.constant 0 : i32
      %dma_start3A_117 = tpu.memref_slice %arg13[%dma_start3A_115, %dma_start3A_116] : memref<10112x64xf32, #tpu.memory_space<vmem_shared>> -> memref<10112x64xf32, #tpu.memory_space<vmem_shared>>
      tpu.enqueue_indirect_dma source(%arg9 : memref<128x64xf32, #tpu.memory_space<vmem>>) target(%dma_start3A_117 : memref<10112x64xf32, #tpu.memory_space<vmem_shared>>) offsets(%dma_start3A_114 : memref<128xi32, #tpu.memory_space<vmem>>) semaphore(%arg20 : memref<!tpu.dma_semaphore, #tpu.memory_space<semaphore_mem>>) {add = true}
      %dma_wait3A_118 = arith.constant 0 : i32
      %dma_wait3A_119 = tpu.memref_slice %arg6[%add3A_68, %dma_wait3A_118] : memref<80x128xi32, #tpu.memory_space<vmem>> -> memref<1x128xi32, #tpu.memory_space<vmem>>
      %dma_wait3A_120 = tpu.memref_squeeze %dma_wait3A_119 : memref<1x128xi32, #tpu.memory_space<vmem>> -> memref<128xi32, #tpu.memory_space<vmem>>
      %dma_wait3A_121 = arith.constant 0 : i32
      %dma_wait3A_122 = arith.constant 0 : i32
      %dma_wait3A_123 = tpu.memref_slice %arg2[%dma_wait3A_121, %dma_wait3A_122] : memref<10000x64xf32, #tpu.memory_space<hbm>> -> memref<10000x64xf32, #tpu.memory_space<hbm>>
      tpu.wait_indirect_dma semaphore(%arg16 : memref<!tpu.dma_semaphore, #tpu.memory_space<semaphore_mem>>) src(%dma_wait3A_123 : memref<10000x64xf32, #tpu.memory_space<hbm>>) dst(%arg10 : memref<128x64xf32, #tpu.memory_space<vmem>>)
      %add3A_124 = arith.constant 2 : i32
      %add3A_125 = arith.addi %mul3A_51, %add3A_124 : i32
      %dma_start3A_126 = arith.constant 0 : i32
      %dma_start3A_127 = tpu.memref_slice %arg7[%add3A_125, %dma_start3A_126] : memref<80x128xi32, #tpu.memory_space<vmem>> -> memref<1x128xi32, #tpu.memory_space<vmem>>
      %dma_start3A_128 = tpu.memref_squeeze %dma_start3A_127 : memref<1x128xi32, #tpu.memory_space<vmem>> -> memref<128xi32, #tpu.memory_space<vmem>>
      %dma_start3A_129 = arith.constant 0 : i32
      %dma_start3A_130 = arith.constant 0 : i32
      %dma_start3A_131 = tpu.memref_slice %arg13[%dma_start3A_129, %dma_start3A_130] : memref<10112x64xf32, #tpu.memory_space<vmem_shared>> -> memref<10112x64xf32, #tpu.memory_space<vmem_shared>>
      tpu.enqueue_indirect_dma source(%arg10 : memref<128x64xf32, #tpu.memory_space<vmem>>) target(%dma_start3A_131 : memref<10112x64xf32, #tpu.memory_space<vmem_shared>>) offsets(%dma_start3A_128 : memref<128xi32, #tpu.memory_space<vmem>>) semaphore(%arg21 : memref<!tpu.dma_semaphore, #tpu.memory_space<semaphore_mem>>) {add = true}
      %dma_wait3A_132 = arith.constant 0 : i32
      %dma_wait3A_133 = tpu.memref_slice %arg6[%add3A_76, %dma_wait3A_132] : memref<80x128xi32, #tpu.memory_space<vmem>> -> memref<1x128xi32, #tpu.memory_space<vmem>>
      %dma_wait3A_134 = tpu.memref_squeeze %dma_wait3A_133 : memref<1x128xi32, #tpu.memory_space<vmem>> -> memref<128xi32, #tpu.memory_space<vmem>>
      %dma_wait3A_135 = arith.constant 0 : i32
      %dma_wait3A_136 = arith.constant 0 : i32
      %dma_wait3A_137 = tpu.memref_slice %arg2[%dma_wait3A_135, %dma_wait3A_136] : memref<10000x64xf32, #tpu.memory_space<hbm>> -> memref<10000x64xf32, #tpu.memory_space<hbm>>
      tpu.wait_indirect_dma semaphore(%arg17 : memref<!tpu.dma_semaphore, #tpu.memory_space<semaphore_mem>>) src(%dma_wait3A_137 : memref<10000x64xf32, #tpu.memory_space<hbm>>) dst(%arg11 : memref<128x64xf32, #tpu.memory_space<vmem>>)
      %add3A_138 = arith.constant 3 : i32
      %add3A_139 = arith.addi %mul3A_51, %add3A_138 : i32
      %dma_start3A_140 = arith.constant 0 : i32
      %dma_start3A_141 = tpu.memref_slice %arg7[%add3A_139, %dma_start3A_140] : memref<80x128xi32, #tpu.memory_space<vmem>> -> memref<1x128xi32, #tpu.memory_space<vmem>>
      %dma_start3A_142 = tpu.memref_squeeze %dma_start3A_141 : memref<1x128xi32, #tpu.memory_space<vmem>> -> memref<128xi32, #tpu.memory_space<vmem>>
      %dma_start3A_143 = arith.constant 0 : i32
      %dma_start3A_144 = arith.constant 0 : i32
      %dma_start3A_145 = tpu.memref_slice %arg13[%dma_start3A_143, %dma_start3A_144] : memref<10112x64xf32, #tpu.memory_space<vmem_shared>> -> memref<10112x64xf32, #tpu.memory_space<vmem_shared>>
      tpu.enqueue_indirect_dma source(%arg11 : memref<128x64xf32, #tpu.memory_space<vmem>>) target(%dma_start3A_145 : memref<10112x64xf32, #tpu.memory_space<vmem_shared>>) offsets(%dma_start3A_142 : memref<128xi32, #tpu.memory_space<vmem>>) semaphore(%arg22 : memref<!tpu.dma_semaphore, #tpu.memory_space<semaphore_mem>>) {add = true}
      %dma_wait3A_146 = arith.constant 0 : i32
      %dma_wait3A_147 = tpu.memref_slice %arg6[%add3A_84, %dma_wait3A_146] : memref<80x128xi32, #tpu.memory_space<vmem>> -> memref<1x128xi32, #tpu.memory_space<vmem>>
      %dma_wait3A_148 = tpu.memref_squeeze %dma_wait3A_147 : memref<1x128xi32, #tpu.memory_space<vmem>> -> memref<128xi32, #tpu.memory_space<vmem>>
      %dma_wait3A_149 = arith.constant 0 : i32
      %dma_wait3A_150 = arith.constant 0 : i32
      %dma_wait3A_151 = tpu.memref_slice %arg2[%dma_wait3A_149, %dma_wait3A_150] : memref<10000x64xf32, #tpu.memory_space<hbm>> -> memref<10000x64xf32, #tpu.memory_space<hbm>>
      tpu.wait_indirect_dma semaphore(%arg18 : memref<!tpu.dma_semaphore, #tpu.memory_space<semaphore_mem>>) src(%dma_wait3A_151 : memref<10000x64xf32, #tpu.memory_space<hbm>>) dst(%arg12 : memref<128x64xf32, #tpu.memory_space<vmem>>)
      %add3A_152 = arith.constant 4 : i32
      %add3A_153 = arith.addi %mul3A_51, %add3A_152 : i32
      %dma_start3A_154 = arith.constant 0 : i32
      %dma_start3A_155 = tpu.memref_slice %arg7[%add3A_153, %dma_start3A_154] : memref<80x128xi32, #tpu.memory_space<vmem>> -> memref<1x128xi32, #tpu.memory_space<vmem>>
      %dma_start3A_156 = tpu.memref_squeeze %dma_start3A_155 : memref<1x128xi32, #tpu.memory_space<vmem>> -> memref<128xi32, #tpu.memory_space<vmem>>
      %dma_start3A_157 = arith.constant 0 : i32
      %dma_start3A_158 = arith.constant 0 : i32
      %dma_start3A_159 = tpu.memref_slice %arg13[%dma_start3A_157, %dma_start3A_158] : memref<10112x64xf32, #tpu.memory_space<vmem_shared>> -> memref<10112x64xf32, #tpu.memory_space<vmem_shared>>
      tpu.enqueue_indirect_dma source(%arg12 : memref<128x64xf32, #tpu.memory_space<vmem>>) target(%dma_start3A_159 : memref<10112x64xf32, #tpu.memory_space<vmem_shared>>) offsets(%dma_start3A_156 : memref<128xi32, #tpu.memory_space<vmem>>) semaphore(%arg23 : memref<!tpu.dma_semaphore, #tpu.memory_space<semaphore_mem>>) {add = true}
      %dma_wait3A_160 = arith.constant 0 : i32
      %dma_wait3A_161 = tpu.memref_slice %arg7[%add3A_97, %dma_wait3A_160] : memref<80x128xi32, #tpu.memory_space<vmem>> -> memref<1x128xi32, #tpu.memory_space<vmem>>
      %dma_wait3A_162 = tpu.memref_squeeze %dma_wait3A_161 : memref<1x128xi32, #tpu.memory_space<vmem>> -> memref<128xi32, #tpu.memory_space<vmem>>
      %dma_wait3A_163 = arith.constant 0 : i32
      %dma_wait3A_164 = arith.constant 0 : i32
      %dma_wait3A_165 = tpu.memref_slice %arg13[%dma_wait3A_163, %dma_wait3A_164] : memref<10112x64xf32, #tpu.memory_space<vmem_shared>> -> memref<10112x64xf32, #tpu.memory_space<vmem_shared>>
      tpu.wait_indirect_dma semaphore(%arg19 : memref<!tpu.dma_semaphore, #tpu.memory_space<semaphore_mem>>) src(%arg8 : memref<128x64xf32, #tpu.memory_space<vmem>>) dst(%dma_wait3A_165 : memref<10112x64xf32, #tpu.memory_space<vmem_shared>>)
      %dma_wait3A_166 = arith.constant 0 : i32
      %dma_wait3A_167 = tpu.memref_slice %arg7[%add3A_111, %dma_wait3A_166] : memref<80x128xi32, #tpu.memory_space<vmem>> -> memref<1x128xi32, #tpu.memory_space<vmem>>
      %dma_wait3A_168 = tpu.memref_squeeze %dma_wait3A_167 : memref<1x128xi32, #tpu.memory_space<vmem>> -> memref<128xi32, #tpu.memory_space<vmem>>
      %dma_wait3A_169 = arith.constant 0 : i32
      %dma_wait3A_170 = arith.constant 0 : i32
      %dma_wait3A_171 = tpu.memref_slice %arg13[%dma_wait3A_169, %dma_wait3A_170] : memref<10112x64xf32, #tpu.memory_space<vmem_shared>> -> memref<10112x64xf32, #tpu.memory_space<vmem_shared>>
      tpu.wait_indirect_dma semaphore(%arg20 : memref<!tpu.dma_semaphore, #tpu.memory_space<semaphore_mem>>) src(%arg9 : memref<128x64xf32, #tpu.memory_space<vmem>>) dst(%dma_wait3A_171 : memref<10112x64xf32, #tpu.memory_space<vmem_shared>>)
      %dma_wait3A_172 = arith.constant 0 : i32
      %dma_wait3A_173 = tpu.memref_slice %arg7[%add3A_125, %dma_wait3A_172] : memref<80x128xi32, #tpu.memory_space<vmem>> -> memref<1x128xi32, #tpu.memory_space<vmem>>
      %dma_wait3A_174 = tpu.memref_squeeze %dma_wait3A_173 : memref<1x128xi32, #tpu.memory_space<vmem>> -> memref<128xi32, #tpu.memory_space<vmem>>
      %dma_wait3A_175 = arith.constant 0 : i32
      %dma_wait3A_176 = arith.constant 0 : i32
      %dma_wait3A_177 = tpu.memref_slice %arg13[%dma_wait3A_175, %dma_wait3A_176] : memref<10112x64xf32, #tpu.memory_space<vmem_shared>> -> memref<10112x64xf32, #tpu.memory_space<vmem_shared>>
      tpu.wait_indirect_dma semaphore(%arg21 : memref<!tpu.dma_semaphore, #tpu.memory_space<semaphore_mem>>) src(%arg10 : memref<128x64xf32, #tpu.memory_space<vmem>>) dst(%dma_wait3A_177 : memref<10112x64xf32, #tpu.memory_space<vmem_shared>>)
      %dma_wait3A_178 = arith.constant 0 : i32
      %dma_wait3A_179 = tpu.memref_slice %arg7[%add3A_139, %dma_wait3A_178] : memref<80x128xi32, #tpu.memory_space<vmem>> -> memref<1x128xi32, #tpu.memory_space<vmem>>
      %dma_wait3A_180 = tpu.memref_squeeze %dma_wait3A_179 : memref<1x128xi32, #tpu.memory_space<vmem>> -> memref<128xi32, #tpu.memory_space<vmem>>
      %dma_wait3A_181 = arith.constant 0 : i32
      %dma_wait3A_182 = arith.constant 0 : i32
      %dma_wait3A_183 = tpu.memref_slice %arg13[%dma_wait3A_181, %dma_wait3A_182] : memref<10112x64xf32, #tpu.memory_space<vmem_shared>> -> memref<10112x64xf32, #tpu.memory_space<vmem_shared>>
      tpu.wait_indirect_dma semaphore(%arg22 : memref<!tpu.dma_semaphore, #tpu.memory_space<semaphore_mem>>) src(%arg11 : memref<128x64xf32, #tpu.memory_space<vmem>>) dst(%dma_wait3A_183 : memref<10112x64xf32, #tpu.memory_space<vmem_shared>>)
      %dma_wait3A_184 = arith.constant 0 : i32
      %dma_wait3A_185 = tpu.memref_slice %arg7[%add3A_153, %dma_wait3A_184] : memref<80x128xi32, #tpu.memory_space<vmem>> -> memref<1x128xi32, #tpu.memory_space<vmem>>
      %dma_wait3A_186 = tpu.memref_squeeze %dma_wait3A_185 : memref<1x128xi32, #tpu.memory_space<vmem>> -> memref<128xi32, #tpu.memory_space<vmem>>
      %dma_wait3A_187 = arith.constant 0 : i32
      %dma_wait3A_188 = arith.constant 0 : i32
      %dma_wait3A_189 = tpu.memref_slice %arg13[%dma_wait3A_187, %dma_wait3A_188] : memref<10112x64xf32, #tpu.memory_space<vmem_shared>> -> memref<10112x64xf32, #tpu.memory_space<vmem_shared>>
      tpu.wait_indirect_dma semaphore(%arg23 : memref<!tpu.dma_semaphore, #tpu.memory_space<semaphore_mem>>) src(%arg12 : memref<128x64xf32, #tpu.memory_space<vmem>>) dst(%dma_wait3A_189 : memref<10112x64xf32, #tpu.memory_space<vmem_shared>>)
    }
    %barrier3A_44 = arith.constant 0 : index
    tpu.barrier barrier_id(%barrier3A_44)
    %mul3A_45 = arith.constant 632 : i32
    %mul3A_46 = arith.muli %arg1, %mul3A_45 : i32
    %mul3A_47 = arith.constant 632 : i32
    %mul3A_48 = arith.muli %arg1, %mul3A_47 : i32
    "tpu.region"() ({
      %run_scoped3A = tpu.sem_alloc : memref<!tpu.dma_semaphore, #tpu.memory_space<semaphore_mem>>
      %dma_start3A = arith.constant 0 : i32
      %dma_start3A_49 = tpu.memref_slice %arg5[%arg0, %mul3A_48, %dma_start3A] : memref<2x10112x64xf32, #tpu.memory_space<hbm>> -> memref<1x632x64xf32, #tpu.memory_space<hbm>>
      %dma_start3A_50 = tpu.memref_squeeze %dma_start3A_49 : memref<1x632x64xf32, #tpu.memory_space<hbm>> -> memref<632x64xf32, #tpu.memory_space<hbm>>
      %dma_start3A_51 = arith.constant 0 : i32
      %dma_start3A_52 = tpu.memref_slice %arg13[%mul3A_46, %dma_start3A_51] : memref<10112x64xf32, #tpu.memory_space<vmem_shared>> -> memref<632x64xf32, #tpu.memory_space<vmem_shared>>
      tpu.enqueue_dma source(%dma_start3A_52 : memref<632x64xf32, #tpu.memory_space<vmem_shared>>) target(%dma_start3A_50 : memref<632x64xf32, #tpu.memory_space<hbm>>) target_semaphore(%run_scoped3A : memref<!tpu.dma_semaphore, #tpu.memory_space<semaphore_mem>>)
      %dma_wait3A = arith.constant 0 : i32
      %dma_wait3A_53 = tpu.memref_slice %arg5[%arg0, %mul3A_48, %dma_wait3A] : memref<2x10112x64xf32, #tpu.memory_space<hbm>> -> memref<1x632x64xf32, #tpu.memory_space<hbm>>
      %dma_wait3A_54 = tpu.memref_squeeze %dma_wait3A_53 : memref<1x632x64xf32, #tpu.memory_space<hbm>> -> memref<632x64xf32, #tpu.memory_space<hbm>>
      %dma_wait3A_55 = arith.constant 0 : i32
      %dma_wait3A_56 = tpu.memref_slice %arg13[%mul3A_46, %dma_wait3A_55] : memref<10112x64xf32, #tpu.memory_space<vmem_shared>> -> memref<632x64xf32, #tpu.memory_space<vmem_shared>>
      tpu.wait_dma2 semaphore(%run_scoped3A : memref<!tpu.dma_semaphore, #tpu.memory_space<semaphore_mem>>) src(%dma_wait3A_56 : memref<632x64xf32, #tpu.memory_space<vmem_shared>>) dst(%dma_wait3A_54 : memref<632x64xf32, #tpu.memory_space<hbm>>)
      tpu.yield
    }) : () -> ()
    return
  }
}

#map = affine_map<(d0, d1) -> (0, 0)>
#map1 = affine_map<(d0, d1) -> (0, 0, 0)>
module attributes {stable_mosaic.version = 14 : i64} {
  func.func @prop(%arg0: i32, %arg1: i32, %arg2: memref<10000x64xf32, #tpu.memory_space<hbm>>, %arg3: memref<2500x128xi32, #tpu.memory_space<hbm>>, %arg4: memref<2500x128xi32, #tpu.memory_space<hbm>>, %arg5: memref<2x10112x64xf32, #tpu.memory_space<hbm>>, %arg6: memref<80x128xi32, #tpu.memory_space<vmem>>, %arg7: memref<80x128xi32, #tpu.memory_space<vmem>>, %arg8: memref<128x64xf32, #tpu.memory_space<vmem>>, %arg9: memref<128x64xf32, #tpu.memory_space<vmem>>, %arg10: memref<128x64xf32, #tpu.memory_space<vmem>>, %arg11: memref<128x64xf32, #tpu.memory_space<vmem>>, %arg12: memref<128x64xf32, #tpu.memory_space<vmem>>, %arg13: memref<10112x64xf32, #tpu.memory_space<vmem_shared>>, %arg14: memref<!tpu.dma_semaphore, #tpu.memory_space<semaphore_mem>>, %arg15: memref<!tpu.dma_semaphore, #tpu.memory_space<semaphore_mem>>, %arg16: memref<!tpu.dma_semaphore, #tpu.memory_space<semaphore_mem>>, %arg17: memref<!tpu.dma_semaphore, #tpu.memory_space<semaphore_mem>>, %arg18: memref<!tpu.dma_semaphore, #tpu.memory_space<semaphore_mem>>, %arg19: memref<!tpu.dma_semaphore, #tpu.memory_space<semaphore_mem>>, %arg20: memref<!tpu.dma_semaphore, #tpu.memory_space<semaphore_mem>>, %arg21: memref<!tpu.dma_semaphore, #tpu.memory_space<semaphore_mem>>, %arg22: memref<!tpu.dma_semaphore, #tpu.memory_space<semaphore_mem>>, %arg23: memref<!tpu.dma_semaphore, #tpu.memory_space<semaphore_mem>>) attributes {dimension_semantics = [#tpu.dimension_semantics<core_parallel>, #tpu.dimension_semantics<subcore_parallel>], iteration_bounds = array<i64: 2, 16>, scalar_prefetch = 0 : i64, scratch_operands = 18 : i64, tpu.core_type = #tpu.core_type<sc_vector_subcore>, window_params = [{transform_indices = #map}, {transform_indices = #map}, {transform_indices = #map}, {transform_indices = #map1}]} {
    %scan3A = arith.constant 0 : i32
    %scan3A_0 = arith.constant 0 : i32
    %scan3A_1 = arith.constant 512 : i32
    %scan3A_2 = arith.addi %scan3A_0, %scan3A_1 : i32
    %scan3A_3 = arith.constant 1 : i32
    scf.for %scan3A_49 = %scan3A_0 to %scan3A_2 step %scan3A_3  : i32 {
      %jit3A_50 = arith.constant 4 : i32
      %eq3A_51 = arith.constant 0 : i32
      %eq3A_52 = arith.cmpi eq, %jit3A_50, %eq3A_51 : i32
      %jit3A_53 = arith.constant 1 : i32
      %select_n3A_54 = arith.select %eq3A_52, %jit3A_53, %jit3A_50 : i32
      %rem3A = arith.remsi %scan3A_49, %select_n3A_54 : i32
      %ne3A = arith.constant 0 : i32
      %ne3A_55 = arith.cmpi ne, %rem3A, %ne3A : i32
      %lt3A_56 = arith.constant 0 : i32
      %lt3A_57 = arith.cmpi slt, %rem3A, %lt3A_56 : i32
      %lt3A_58 = arith.constant 0 : i32
      %lt3A_59 = arith.cmpi slt, %select_n3A_54, %lt3A_58 : i32
      %ne3A_60 = arith.xori %lt3A_57, %lt3A_59 : i1
      %and3A = arith.andi %ne3A_60, %ne3A_55 : i1
      %add3A_61 = arith.addi %rem3A, %select_n3A_54 : i32
      %select_n3A_62 = arith.select %and3A, %add3A_61, %rem3A : i32
      %mul3A_63 = arith.constant 16 : i32
      %mul3A_64 = arith.muli %select_n3A_62, %mul3A_63 : i32
      %broadcast_in_dim3A = arith.constant 0.000000e+00 : f32
      %broadcast_in_dim3A_65 = vector.broadcast %broadcast_in_dim3A : f32 to vector<16xf32>
      %jit3A_66 = arith.constant 4 : i32
      %div3A = arith.divsi %scan3A_49, %jit3A_66 : i32
      %sign3A = arith.constant 0 : i32
      %sign3A_67 = arith.cmpi sgt, %scan3A_49, %sign3A : i32
      %sign3A_68 = arith.extui %sign3A_67 : i1 to i32
      %sign3A_69 = arith.constant 0 : i32
      %sign3A_70 = arith.cmpi slt, %scan3A_49, %sign3A_69 : i32
      %sign3A_71 = arith.extui %sign3A_70 : i1 to i32
      %sign3A_72 = arith.subi %sign3A_68, %sign3A_71 : i32
      %sign3A_73 = arith.constant 0 : i32
      %sign3A_74 = arith.cmpi sgt, %jit3A_66, %sign3A_73 : i32
      %sign3A_75 = arith.extui %sign3A_74 : i1 to i32
      %sign3A_76 = arith.constant 0 : i32
      %sign3A_77 = arith.cmpi slt, %jit3A_66, %sign3A_76 : i32
      %sign3A_78 = arith.extui %sign3A_77 : i1 to i32
      %sign3A_79 = arith.subi %sign3A_75, %sign3A_78 : i32
      %ne3A_80 = arith.cmpi ne, %sign3A_72, %sign3A_79 : i32
      %rem3A_81 = arith.remsi %scan3A_49, %jit3A_66 : i32
      %ne3A_82 = arith.constant 0 : i32
      %ne3A_83 = arith.cmpi ne, %rem3A_81, %ne3A_82 : i32
      %and3A_84 = arith.andi %ne3A_80, %ne3A_83 : i1
      %sub3A = arith.constant 1 : i32
      %sub3A_85 = arith.subi %div3A, %sub3A : i32
      %select_n3A_86 = arith.select %and3A_84, %sub3A_85, %div3A : i32
      %swap3A = arith.index_cast %select_n3A_86 : i32 to index
      %swap3A_87 = arith.index_cast %mul3A_64 : i32 to index
      %swap3A_88 = tpu.vector_load %arg8[%swap3A, %swap3A_87] {strides = array<i32>} : memref<128x64xf32, #tpu.memory_space<vmem>>, vector<1x16xf32>,
      %swap3A_89 = vector.shape_cast %swap3A_88 : vector<1x16xf32> to vector<16xf32>
      %swap3A_90 = vector.shape_cast %broadcast_in_dim3A_65 : vector<16xf32> to vector<1x16xf32>
      tpu.vector_store %arg8[%swap3A, %swap3A_87], %swap3A_90 {strides = array<i32>} : memref<128x64xf32, #tpu.memory_space<vmem>>, vector<1x16xf32>,
    }
    %scan3A_4 = arith.constant 512 : i32
    %mul3A = arith.constant 632 : i32
    %mul3A_5 = arith.muli %arg1, %mul3A : i32
    %add3A = arith.constant 0 : i32
    %add3A_6 = arith.addi %mul3A_5, %add3A : i32
    "tpu.region"() ({
      %run_scoped3A = tpu.sem_alloc : memref<!tpu.dma_semaphore, #tpu.memory_space<semaphore_mem>>
      %dma_start3A = arith.constant 0 : i32
      %dma_start3A_49 = arith.constant 0 : i32
      %dma_start3A_50 = tpu.memref_slice %arg8[%dma_start3A, %dma_start3A_49] : memref<128x64xf32, #tpu.memory_space<vmem>> -> memref<128x64xf32, #tpu.memory_space<vmem>>
      %dma_start3A_51 = arith.constant 0 : i32
      %dma_start3A_52 = tpu.memref_slice %arg13[%add3A_6, %dma_start3A_51] : memref<10112x64xf32, #tpu.memory_space<vmem_shared>> -> memref<128x64xf32, #tpu.memory_space<vmem_shared>>
      %dma_start3A_53 = arith.constant 0 : i32
      %dma_start3A_54 = tpu.memref_slice %arg13[%add3A_6, %dma_start3A_53] : memref<10112x64xf32, #tpu.memory_space<vmem_shared>> -> memref<128x64xf32, #tpu.memory_space<vmem_shared>>
      %dma_start3A_55 = arith.constant 0 : i32
      %dma_start3A_56 = arith.constant 0 : i32
      %dma_start3A_57 = tpu.memref_slice %arg8[%dma_start3A_55, %dma_start3A_56] : memref<128x64xf32, #tpu.memory_space<vmem>> -> memref<128x64xf32, #tpu.memory_space<vmem>>
      tpu.enqueue_dma source(%dma_start3A_57 : memref<128x64xf32, #tpu.memory_space<vmem>>) target(%dma_start3A_54 : memref<128x64xf32, #tpu.memory_space<vmem_shared>>) target_semaphore(%run_scoped3A : memref<!tpu.dma_semaphore, #tpu.memory_space<semaphore_mem>>)
      %dma_wait3A = arith.constant 0 : i32
      %dma_wait3A_58 = arith.constant 0 : i32
      %dma_wait3A_59 = tpu.memref_slice %arg8[%dma_wait3A, %dma_wait3A_58] : memref<128x64xf32, #tpu.memory_space<vmem>> -> memref<128x64xf32, #tpu.memory_space<vmem>>
      %dma_wait3A_60 = arith.constant 0 : i32
      %dma_wait3A_61 = tpu.memref_slice %arg13[%add3A_6, %dma_wait3A_60] : memref<10112x64xf32, #tpu.memory_space<vmem_shared>> -> memref<128x64xf32, #tpu.memory_space<vmem_shared>>
      %dma_wait3A_62 = arith.constant 0 : i32
      %dma_wait3A_63 = tpu.memref_slice %arg13[%add3A_6, %dma_wait3A_62] : memref<10112x64xf32, #tpu.memory_space<vmem_shared>> -> memref<128x64xf32, #tpu.memory_space<vmem_shared>>
      %dma_wait3A_64 = arith.constant 0 : i32
      %dma_wait3A_65 = arith.constant 0 : i32
      %dma_wait3A_66 = tpu.memref_slice %arg8[%dma_wait3A_64, %dma_wait3A_65] : memref<128x64xf32, #tpu.memory_space<vmem>> -> memref<128x64xf32, #tpu.memory_space<vmem>>
      tpu.wait_dma2 semaphore(%run_scoped3A : memref<!tpu.dma_semaphore, #tpu.memory_space<semaphore_mem>>) src(%dma_wait3A_66 : memref<128x64xf32, #tpu.memory_space<vmem>>) dst(%dma_wait3A_63 : memref<128x64xf32, #tpu.memory_space<vmem_shared>>)
      tpu.yield
    }) : () -> ()
    %mul3A_7 = arith.constant 632 : i32
    %mul3A_8 = arith.muli %arg1, %mul3A_7 : i32
    %add3A_9 = arith.constant 128 : i32
    %add3A_10 = arith.addi %mul3A_8, %add3A_9 : i32
    "tpu.region"() ({
      %run_scoped3A = tpu.sem_alloc : memref<!tpu.dma_semaphore, #tpu.memory_space<semaphore_mem>>
      %dma_start3A = arith.constant 0 : i32
      %dma_start3A_49 = arith.constant 0 : i32
      %dma_start3A_50 = tpu.memref_slice %arg8[%dma_start3A, %dma_start3A_49] : memref<128x64xf32, #tpu.memory_space<vmem>> -> memref<128x64xf32, #tpu.memory_space<vmem>>
      %dma_start3A_51 = arith.constant 0 : i32
      %dma_start3A_52 = tpu.memref_slice %arg13[%add3A_10, %dma_start3A_51] : memref<10112x64xf32, #tpu.memory_space<vmem_shared>> -> memref<128x64xf32, #tpu.memory_space<vmem_shared>>
      %dma_start3A_53 = arith.constant 0 : i32
      %dma_start3A_54 = tpu.memref_slice %arg13[%add3A_10, %dma_start3A_53] : memref<10112x64xf32, #tpu.memory_space<vmem_shared>> -> memref<128x64xf32, #tpu.memory_space<vmem_shared>>
      %dma_start3A_55 = arith.constant 0 : i32
      %dma_start3A_56 = arith.constant 0 : i32
      %dma_start3A_57 = tpu.memref_slice %arg8[%dma_start3A_55, %dma_start3A_56] : memref<128x64xf32, #tpu.memory_space<vmem>> -> memref<128x64xf32, #tpu.memory_space<vmem>>
      tpu.enqueue_dma source(%dma_start3A_57 : memref<128x64xf32, #tpu.memory_space<vmem>>) target(%dma_start3A_54 : memref<128x64xf32, #tpu.memory_space<vmem_shared>>) target_semaphore(%run_scoped3A : memref<!tpu.dma_semaphore, #tpu.memory_space<semaphore_mem>>)
      %dma_wait3A = arith.constant 0 : i32
      %dma_wait3A_58 = arith.constant 0 : i32
      %dma_wait3A_59 = tpu.memref_slice %arg8[%dma_wait3A, %dma_wait3A_58] : memref<128x64xf32, #tpu.memory_space<vmem>> -> memref<128x64xf32, #tpu.memory_space<vmem>>
      %dma_wait3A_60 = arith.constant 0 : i32
      %dma_wait3A_61 = tpu.memref_slice %arg13[%add3A_10, %dma_wait3A_60] : memref<10112x64xf32, #tpu.memory_space<vmem_shared>> -> memref<128x64xf32, #tpu.memory_space<vmem_shared>>
      %dma_wait3A_62 = arith.constant 0 : i32
      %dma_wait3A_63 = tpu.memref_slice %arg13[%add3A_10, %dma_wait3A_62] : memref<10112x64xf32, #tpu.memory_space<vmem_shared>> -> memref<128x64xf32, #tpu.memory_space<vmem_shared>>
      %dma_wait3A_64 = arith.constant 0 : i32
      %dma_wait3A_65 = arith.constant 0 : i32
      %dma_wait3A_66 = tpu.memref_slice %arg8[%dma_wait3A_64, %dma_wait3A_65] : memref<128x64xf32, #tpu.memory_space<vmem>> -> memref<128x64xf32, #tpu.memory_space<vmem>>
      tpu.wait_dma2 semaphore(%run_scoped3A : memref<!tpu.dma_semaphore, #tpu.memory_space<semaphore_mem>>) src(%dma_wait3A_66 : memref<128x64xf32, #tpu.memory_space<vmem>>) dst(%dma_wait3A_63 : memref<128x64xf32, #tpu.memory_space<vmem_shared>>)
      tpu.yield
    }) : () -> ()
    %mul3A_11 = arith.constant 632 : i32
    %mul3A_12 = arith.muli %arg1, %mul3A_11 : i32
    %add3A_13 = arith.constant 256 : i32
    %add3A_14 = arith.addi %mul3A_12, %add3A_13 : i32
    "tpu.region"() ({
      %run_scoped3A = tpu.sem_alloc : memref<!tpu.dma_semaphore, #tpu.memory_space<semaphore_mem>>
      %dma_start3A = arith.constant 0 : i32
      %dma_start3A_49 = arith.constant 0 : i32
      %dma_start3A_50 = tpu.memref_slice %arg8[%dma_start3A, %dma_start3A_49] : memref<128x64xf32, #tpu.memory_space<vmem>> -> memref<128x64xf32, #tpu.memory_space<vmem>>
      %dma_start3A_51 = arith.constant 0 : i32
      %dma_start3A_52 = tpu.memref_slice %arg13[%add3A_14, %dma_start3A_51] : memref<10112x64xf32, #tpu.memory_space<vmem_shared>> -> memref<128x64xf32, #tpu.memory_space<vmem_shared>>
      %dma_start3A_53 = arith.constant 0 : i32
      %dma_start3A_54 = tpu.memref_slice %arg13[%add3A_14, %dma_start3A_53] : memref<10112x64xf32, #tpu.memory_space<vmem_shared>> -> memref<128x64xf32, #tpu.memory_space<vmem_shared>>
      %dma_start3A_55 = arith.constant 0 : i32
      %dma_start3A_56 = arith.constant 0 : i32
      %dma_start3A_57 = tpu.memref_slice %arg8[%dma_start3A_55, %dma_start3A_56] : memref<128x64xf32, #tpu.memory_space<vmem>> -> memref<128x64xf32, #tpu.memory_space<vmem>>
      tpu.enqueue_dma source(%dma_start3A_57 : memref<128x64xf32, #tpu.memory_space<vmem>>) target(%dma_start3A_54 : memref<128x64xf32, #tpu.memory_space<vmem_shared>>) target_semaphore(%run_scoped3A : memref<!tpu.dma_semaphore, #tpu.memory_space<semaphore_mem>>)
      %dma_wait3A = arith.constant 0 : i32
      %dma_wait3A_58 = arith.constant 0 : i32
      %dma_wait3A_59 = tpu.memref_slice %arg8[%dma_wait3A, %dma_wait3A_58] : memref<128x64xf32, #tpu.memory_space<vmem>> -> memref<128x64xf32, #tpu.memory_space<vmem>>
      %dma_wait3A_60 = arith.constant 0 : i32
      %dma_wait3A_61 = tpu.memref_slice %arg13[%add3A_14, %dma_wait3A_60] : memref<10112x64xf32, #tpu.memory_space<vmem_shared>> -> memref<128x64xf32, #tpu.memory_space<vmem_shared>>
      %dma_wait3A_62 = arith.constant 0 : i32
      %dma_wait3A_63 = tpu.memref_slice %arg13[%add3A_14, %dma_wait3A_62] : memref<10112x64xf32, #tpu.memory_space<vmem_shared>> -> memref<128x64xf32, #tpu.memory_space<vmem_shared>>
      %dma_wait3A_64 = arith.constant 0 : i32
      %dma_wait3A_65 = arith.constant 0 : i32
      %dma_wait3A_66 = tpu.memref_slice %arg8[%dma_wait3A_64, %dma_wait3A_65] : memref<128x64xf32, #tpu.memory_space<vmem>> -> memref<128x64xf32, #tpu.memory_space<vmem>>
      tpu.wait_dma2 semaphore(%run_scoped3A : memref<!tpu.dma_semaphore, #tpu.memory_space<semaphore_mem>>) src(%dma_wait3A_66 : memref<128x64xf32, #tpu.memory_space<vmem>>) dst(%dma_wait3A_63 : memref<128x64xf32, #tpu.memory_space<vmem_shared>>)
      tpu.yield
    }) : () -> ()
    %mul3A_15 = arith.constant 632 : i32
    %mul3A_16 = arith.muli %arg1, %mul3A_15 : i32
    %add3A_17 = arith.constant 384 : i32
    %add3A_18 = arith.addi %mul3A_16, %add3A_17 : i32
    "tpu.region"() ({
      %run_scoped3A = tpu.sem_alloc : memref<!tpu.dma_semaphore, #tpu.memory_space<semaphore_mem>>
      %dma_start3A = arith.constant 0 : i32
      %dma_start3A_49 = arith.constant 0 : i32
      %dma_start3A_50 = tpu.memref_slice %arg8[%dma_start3A, %dma_start3A_49] : memref<128x64xf32, #tpu.memory_space<vmem>> -> memref<128x64xf32, #tpu.memory_space<vmem>>
      %dma_start3A_51 = arith.constant 0 : i32
      %dma_start3A_52 = tpu.memref_slice %arg13[%add3A_18, %dma_start3A_51] : memref<10112x64xf32, #tpu.memory_space<vmem_shared>> -> memref<128x64xf32, #tpu.memory_space<vmem_shared>>
      %dma_start3A_53 = arith.constant 0 : i32
      %dma_start3A_54 = tpu.memref_slice %arg13[%add3A_18, %dma_start3A_53] : memref<10112x64xf32, #tpu.memory_space<vmem_shared>> -> memref<128x64xf32, #tpu.memory_space<vmem_shared>>
      %dma_start3A_55 = arith.constant 0 : i32
      %dma_start3A_56 = arith.constant 0 : i32
      %dma_start3A_57 = tpu.memref_slice %arg8[%dma_start3A_55, %dma_start3A_56] : memref<128x64xf32, #tpu.memory_space<vmem>> -> memref<128x64xf32, #tpu.memory_space<vmem>>
      tpu.enqueue_dma source(%dma_start3A_57 : memref<128x64xf32, #tpu.memory_space<vmem>>) target(%dma_start3A_54 : memref<128x64xf32, #tpu.memory_space<vmem_shared>>) target_semaphore(%run_scoped3A : memref<!tpu.dma_semaphore, #tpu.memory_space<semaphore_mem>>)
      %dma_wait3A = arith.constant 0 : i32
      %dma_wait3A_58 = arith.constant 0 : i32
      %dma_wait3A_59 = tpu.memref_slice %arg8[%dma_wait3A, %dma_wait3A_58] : memref<128x64xf32, #tpu.memory_space<vmem>> -> memref<128x64xf32, #tpu.memory_space<vmem>>
      %dma_wait3A_60 = arith.constant 0 : i32
      %dma_wait3A_61 = tpu.memref_slice %arg13[%add3A_18, %dma_wait3A_60] : memref<10112x64xf32, #tpu.memory_space<vmem_shared>> -> memref<128x64xf32, #tpu.memory_space<vmem_shared>>
      %dma_wait3A_62 = arith.constant 0 : i32
      %dma_wait3A_63 = tpu.memref_slice %arg13[%add3A_18, %dma_wait3A_62] : memref<10112x64xf32, #tpu.memory_space<vmem_shared>> -> memref<128x64xf32, #tpu.memory_space<vmem_shared>>
      %dma_wait3A_64 = arith.constant 0 : i32
      %dma_wait3A_65 = arith.constant 0 : i32
      %dma_wait3A_66 = tpu.memref_slice %arg8[%dma_wait3A_64, %dma_wait3A_65] : memref<128x64xf32, #tpu.memory_space<vmem>> -> memref<128x64xf32, #tpu.memory_space<vmem>>
      tpu.wait_dma2 semaphore(%run_scoped3A : memref<!tpu.dma_semaphore, #tpu.memory_space<semaphore_mem>>) src(%dma_wait3A_66 : memref<128x64xf32, #tpu.memory_space<vmem>>) dst(%dma_wait3A_63 : memref<128x64xf32, #tpu.memory_space<vmem_shared>>)
      tpu.yield
    }) : () -> ()
    %mul3A_19 = arith.constant 632 : i32
    %mul3A_20 = arith.muli %arg1, %mul3A_19 : i32
    %add3A_21 = arith.constant 512 : i32
    %add3A_22 = arith.addi %mul3A_20, %add3A_21 : i32
    "tpu.region"() ({
      %run_scoped3A = tpu.sem_alloc : memref<!tpu.dma_semaphore, #tpu.memory_space<semaphore_mem>>
      %dma_start3A = arith.constant 0 : i32
      %dma_start3A_49 = arith.constant 0 : i32
      %dma_start3A_50 = tpu.memref_slice %arg8[%dma_start3A, %dma_start3A_49] : memref<128x64xf32, #tpu.memory_space<vmem>> -> memref<120x64xf32, #tpu.memory_space<vmem>>
      %dma_start3A_51 = arith.constant 0 : i32
      %dma_start3A_52 = tpu.memref_slice %arg13[%add3A_22, %dma_start3A_51] : memref<10112x64xf32, #tpu.memory_space<vmem_shared>> -> memref<120x64xf32, #tpu.memory_space<vmem_shared>>
      %dma_start3A_53 = arith.constant 0 : i32
      %dma_start3A_54 = tpu.memref_slice %arg13[%add3A_22, %dma_start3A_53] : memref<10112x64xf32, #tpu.memory_space<vmem_shared>> -> memref<120x64xf32, #tpu.memory_space<vmem_shared>>
      %dma_start3A_55 = arith.constant 0 : i32
      %dma_start3A_56 = arith.constant 0 : i32
      %dma_start3A_57 = tpu.memref_slice %arg8[%dma_start3A_55, %dma_start3A_56] : memref<128x64xf32, #tpu.memory_space<vmem>> -> memref<120x64xf32, #tpu.memory_space<vmem>>
      tpu.enqueue_dma source(%dma_start3A_57 : memref<120x64xf32, #tpu.memory_space<vmem>>) target(%dma_start3A_54 : memref<120x64xf32, #tpu.memory_space<vmem_shared>>) target_semaphore(%run_scoped3A : memref<!tpu.dma_semaphore, #tpu.memory_space<semaphore_mem>>)
      %dma_wait3A = arith.constant 0 : i32
      %dma_wait3A_58 = arith.constant 0 : i32
      %dma_wait3A_59 = tpu.memref_slice %arg8[%dma_wait3A, %dma_wait3A_58] : memref<128x64xf32, #tpu.memory_space<vmem>> -> memref<120x64xf32, #tpu.memory_space<vmem>>
      %dma_wait3A_60 = arith.constant 0 : i32
      %dma_wait3A_61 = tpu.memref_slice %arg13[%add3A_22, %dma_wait3A_60] : memref<10112x64xf32, #tpu.memory_space<vmem_shared>> -> memref<120x64xf32, #tpu.memory_space<vmem_shared>>
      %dma_wait3A_62 = arith.constant 0 : i32
      %dma_wait3A_63 = tpu.memref_slice %arg13[%add3A_22, %dma_wait3A_62] : memref<10112x64xf32, #tpu.memory_space<vmem_shared>> -> memref<120x64xf32, #tpu.memory_space<vmem_shared>>
      %dma_wait3A_64 = arith.constant 0 : i32
      %dma_wait3A_65 = arith.constant 0 : i32
      %dma_wait3A_66 = tpu.memref_slice %arg8[%dma_wait3A_64, %dma_wait3A_65] : memref<128x64xf32, #tpu.memory_space<vmem>> -> memref<120x64xf32, #tpu.memory_space<vmem>>
      tpu.wait_dma2 semaphore(%run_scoped3A : memref<!tpu.dma_semaphore, #tpu.memory_space<semaphore_mem>>) src(%dma_wait3A_66 : memref<120x64xf32, #tpu.memory_space<vmem>>) dst(%dma_wait3A_63 : memref<120x64xf32, #tpu.memory_space<vmem_shared>>)
      tpu.yield
    }) : () -> ()
    %barrier3A = arith.constant 0 : index
    tpu.barrier barrier_id(%barrier3A)
    %mul3A_23 = arith.constant 16 : i32
    %mul3A_24 = arith.muli %arg0, %mul3A_23 : i32
    %add3A_25 = arith.addi %mul3A_24, %arg1 : i32
    %lt3A = arith.constant 31 : i32
    %lt3A_26 = arith.cmpi slt, %add3A_25, %lt3A : i32
    %convert_element_type3A = arith.extui %lt3A_26 : i1 to i32
    %cond3A = arith.constant 0 : i32
    %cond3A_27 = arith.cmpi ne, %convert_element_type3A, %cond3A : i32
    scf.if %cond3A_27 {
      %mul3A_49 = arith.constant 80 : i32
      %mul3A_50 = arith.muli %add3A_25, %mul3A_49 : i32
      "tpu.region"() ({
        %run_scoped3A = tpu.sem_alloc : memref<!tpu.dma_semaphore, #tpu.memory_space<semaphore_mem>>
        %dma_start3A = arith.constant 0 : i32
        %dma_start3A_53 = tpu.memref_slice %arg3[%mul3A_50, %dma_start3A] : memref<2500x128xi32, #tpu.memory_space<hbm>> -> memref<80x128xi32, #tpu.memory_space<hbm>>
        %dma_start3A_54 = arith.constant 0 : i32
        %dma_start3A_55 = tpu.memref_slice %arg3[%mul3A_50, %dma_start3A_54] : memref<2500x128xi32, #tpu.memory_space<hbm>> -> memref<80x128xi32, #tpu.memory_space<hbm>>
        tpu.enqueue_dma source(%dma_start3A_55 : memref<80x128xi32, #tpu.memory_space<hbm>>) target(%arg6 : memref<80x128xi32, #tpu.memory_space<vmem>>) target_semaphore(%run_scoped3A : memref<!tpu.dma_semaphore, #tpu.memory_space<semaphore_mem>>)
        %dma_wait3A = arith.constant 0 : i32
        %dma_wait3A_56 = tpu.memref_slice %arg3[%mul3A_50, %dma_wait3A] : memref<2500x128xi32, #tpu.memory_space<hbm>> -> memref<80x128xi32, #tpu.memory_space<hbm>>
        %dma_wait3A_57 = arith.constant 0 : i32
        %dma_wait3A_58 = tpu.memref_slice %arg3[%mul3A_50, %dma_wait3A_57] : memref<2500x128xi32, #tpu.memory_space<hbm>> -> memref<80x128xi32, #tpu.memory_space<hbm>>
        tpu.wait_dma2 semaphore(%run_scoped3A : memref<!tpu.dma_semaphore, #tpu.memory_space<semaphore_mem>>) src(%dma_wait3A_58 : memref<80x128xi32, #tpu.memory_space<hbm>>) dst(%arg6 : memref<80x128xi32, #tpu.memory_space<vmem>>)
        tpu.yield
      }) : () -> ()
      %mul3A_51 = arith.constant 80 : i32
      %mul3A_52 = arith.muli %add3A_25, %mul3A_51 : i32
      "tpu.region"() ({
        %run_scoped3A = tpu.sem_alloc : memref<!tpu.dma_semaphore, #tpu.memory_space<semaphore_mem>>
        %dma_start3A = arith.constant 0 : i32
        %dma_start3A_53 = tpu.memref_slice %arg4[%mul3A_52, %dma_start3A] : memref<2500x128xi32, #tpu.memory_space<hbm>> -> memref<80x128xi32, #tpu.memory_space<hbm>>
        %dma_start3A_54 = arith.constant 0 : i32
        %dma_start3A_55 = tpu.memref_slice %arg4[%mul3A_52, %dma_start3A_54] : memref<2500x128xi32, #tpu.memory_space<hbm>> -> memref<80x128xi32, #tpu.memory_space<hbm>>
        tpu.enqueue_dma source(%dma_start3A_55 : memref<80x128xi32, #tpu.memory_space<hbm>>) target(%arg7 : memref<80x128xi32, #tpu.memory_space<vmem>>) target_semaphore(%run_scoped3A : memref<!tpu.dma_semaphore, #tpu.memory_space<semaphore_mem>>)
        %dma_wait3A = arith.constant 0 : i32
        %dma_wait3A_56 = tpu.memref_slice %arg4[%mul3A_52, %dma_wait3A] : memref<2500x128xi32, #tpu.memory_space<hbm>> -> memref<80x128xi32, #tpu.memory_space<hbm>>
        %dma_wait3A_57 = arith.constant 0 : i32
        %dma_wait3A_58 = tpu.memref_slice %arg4[%mul3A_52, %dma_wait3A_57] : memref<2500x128xi32, #tpu.memory_space<hbm>> -> memref<80x128xi32, #tpu.memory_space<hbm>>
        tpu.wait_dma2 semaphore(%run_scoped3A : memref<!tpu.dma_semaphore, #tpu.memory_space<semaphore_mem>>) src(%dma_wait3A_58 : memref<80x128xi32, #tpu.memory_space<hbm>>) dst(%arg7 : memref<80x128xi32, #tpu.memory_space<vmem>>)
        tpu.yield
      }) : () -> ()
    } else {
    }
    %eq3A = arith.constant 31 : i32
    %eq3A_28 = arith.cmpi eq, %add3A_25, %eq3A : i32
    %convert_element_type3A_29 = arith.extui %eq3A_28 : i1 to i32
    %cond3A_30 = arith.constant 0 : i32
    %cond3A_31 = arith.cmpi ne, %convert_element_type3A_29, %cond3A_30 : i32
    scf.if %cond3A_31 {
      "tpu.region"() ({
        %run_scoped3A = tpu.sem_alloc : memref<!tpu.dma_semaphore, #tpu.memory_space<semaphore_mem>>
        %dma_start3A = arith.constant 0 : i32
        %dma_start3A_49 = arith.constant 0 : i32
        %dma_start3A_50 = tpu.memref_slice %arg6[%dma_start3A, %dma_start3A_49] : memref<80x128xi32, #tpu.memory_space<vmem>> -> memref<20x128xi32, #tpu.memory_space<vmem>>
        %dma_start3A_51 = arith.constant 2480 : i32
        %dma_start3A_52 = arith.constant 0 : i32
        %dma_start3A_53 = tpu.memref_slice %arg3[%dma_start3A_51, %dma_start3A_52] : memref<2500x128xi32, #tpu.memory_space<hbm>> -> memref<20x128xi32, #tpu.memory_space<hbm>>
        %dma_start3A_54 = arith.constant 0 : i32
        %dma_start3A_55 = arith.constant 0 : i32
        %dma_start3A_56 = tpu.memref_slice %arg6[%dma_start3A_54, %dma_start3A_55] : memref<80x128xi32, #tpu.memory_space<vmem>> -> memref<20x128xi32, #tpu.memory_space<vmem>>
        %dma_start3A_57 = arith.constant 2480 : i32
        %dma_start3A_58 = arith.constant 0 : i32
        %dma_start3A_59 = tpu.memref_slice %arg3[%dma_start3A_57, %dma_start3A_58] : memref<2500x128xi32, #tpu.memory_space<hbm>> -> memref<20x128xi32, #tpu.memory_space<hbm>>
        tpu.enqueue_dma source(%dma_start3A_59 : memref<20x128xi32, #tpu.memory_space<hbm>>) target(%dma_start3A_56 : memref<20x128xi32, #tpu.memory_space<vmem>>) target_semaphore(%run_scoped3A : memref<!tpu.dma_semaphore, #tpu.memory_space<semaphore_mem>>)
        %dma_wait3A = arith.constant 0 : i32
        %dma_wait3A_60 = arith.constant 0 : i32
        %dma_wait3A_61 = tpu.memref_slice %arg6[%dma_wait3A, %dma_wait3A_60] : memref<80x128xi32, #tpu.memory_space<vmem>> -> memref<20x128xi32, #tpu.memory_space<vmem>>
        %dma_wait3A_62 = arith.constant 2480 : i32
        %dma_wait3A_63 = arith.constant 0 : i32
        %dma_wait3A_64 = tpu.memref_slice %arg3[%dma_wait3A_62, %dma_wait3A_63] : memref<2500x128xi32, #tpu.memory_space<hbm>> -> memref<20x128xi32, #tpu.memory_space<hbm>>
        %dma_wait3A_65 = arith.constant 0 : i32
        %dma_wait3A_66 = arith.constant 0 : i32
        %dma_wait3A_67 = tpu.memref_slice %arg6[%dma_wait3A_65, %dma_wait3A_66] : memref<80x128xi32, #tpu.memory_space<vmem>> -> memref<20x128xi32, #tpu.memory_space<vmem>>
        %dma_wait3A_68 = arith.constant 2480 : i32
        %dma_wait3A_69 = arith.constant 0 : i32
        %dma_wait3A_70 = tpu.memref_slice %arg3[%dma_wait3A_68, %dma_wait3A_69] : memref<2500x128xi32, #tpu.memory_space<hbm>> -> memref<20x128xi32, #tpu.memory_space<hbm>>
        tpu.wait_dma2 semaphore(%run_scoped3A : memref<!tpu.dma_semaphore, #tpu.memory_space<semaphore_mem>>) src(%dma_wait3A_70 : memref<20x128xi32, #tpu.memory_space<hbm>>) dst(%dma_wait3A_67 : memref<20x128xi32, #tpu.memory_space<vmem>>)
        tpu.yield
      }) : () -> ()
      "tpu.region"() ({
        %run_scoped3A = tpu.sem_alloc : memref<!tpu.dma_semaphore, #tpu.memory_space<semaphore_mem>>
        %dma_start3A = arith.constant 0 : i32
        %dma_start3A_49 = arith.constant 0 : i32
        %dma_start3A_50 = tpu.memref_slice %arg7[%dma_start3A, %dma_start3A_49] : memref<80x128xi32, #tpu.memory_space<vmem>> -> memref<20x128xi32, #tpu.memory_space<vmem>>
        %dma_start3A_51 = arith.constant 2480 : i32
        %dma_start3A_52 = arith.constant 0 : i32
        %dma_start3A_53 = tpu.memref_slice %arg4[%dma_start3A_51, %dma_start3A_52] : memref<2500x128xi32, #tpu.memory_space<hbm>> -> memref<20x128xi32, #tpu.memory_space<hbm>>
        %dma_start3A_54 = arith.constant 0 : i32
        %dma_start3A_55 = arith.constant 0 : i32
        %dma_start3A_56 = tpu.memref_slice %arg7[%dma_start3A_54, %dma_start3A_55] : memref<80x128xi32, #tpu.memory_space<vmem>> -> memref<20x128xi32, #tpu.memory_space<vmem>>
        %dma_start3A_57 = arith.constant 2480 : i32
        %dma_start3A_58 = arith.constant 0 : i32
        %dma_start3A_59 = tpu.memref_slice %arg4[%dma_start3A_57, %dma_start3A_58] : memref<2500x128xi32, #tpu.memory_space<hbm>> -> memref<20x128xi32, #tpu.memory_space<hbm>>
        tpu.enqueue_dma source(%dma_start3A_59 : memref<20x128xi32, #tpu.memory_space<hbm>>) target(%dma_start3A_56 : memref<20x128xi32, #tpu.memory_space<vmem>>) target_semaphore(%run_scoped3A : memref<!tpu.dma_semaphore, #tpu.memory_space<semaphore_mem>>)
        %dma_wait3A = arith.constant 0 : i32
        %dma_wait3A_60 = arith.constant 0 : i32
        %dma_wait3A_61 = tpu.memref_slice %arg7[%dma_wait3A, %dma_wait3A_60] : memref<80x128xi32, #tpu.memory_space<vmem>> -> memref<20x128xi32, #tpu.memory_space<vmem>>
        %dma_wait3A_62 = arith.constant 2480 : i32
        %dma_wait3A_63 = arith.constant 0 : i32
        %dma_wait3A_64 = tpu.memref_slice %arg4[%dma_wait3A_62, %dma_wait3A_63] : memref<2500x128xi32, #tpu.memory_space<hbm>> -> memref<20x128xi32, #tpu.memory_space<hbm>>
        %dma_wait3A_65 = arith.constant 0 : i32
        %dma_wait3A_66 = arith.constant 0 : i32
        %dma_wait3A_67 = tpu.memref_slice %arg7[%dma_wait3A_65, %dma_wait3A_66] : memref<80x128xi32, #tpu.memory_space<vmem>> -> memref<20x128xi32, #tpu.memory_space<vmem>>
        %dma_wait3A_68 = arith.constant 2480 : i32
        %dma_wait3A_69 = arith.constant 0 : i32
        %dma_wait3A_70 = tpu.memref_slice %arg4[%dma_wait3A_68, %dma_wait3A_69] : memref<2500x128xi32, #tpu.memory_space<hbm>> -> memref<20x128xi32, #tpu.memory_space<hbm>>
        tpu.wait_dma2 semaphore(%run_scoped3A : memref<!tpu.dma_semaphore, #tpu.memory_space<semaphore_mem>>) src(%dma_wait3A_70 : memref<20x128xi32, #tpu.memory_space<hbm>>) dst(%dma_wait3A_67 : memref<20x128xi32, #tpu.memory_space<vmem>>)
        tpu.yield
      }) : () -> ()
    } else {
    }
    %eq3A_32 = arith.constant 31 : i32
    %eq3A_33 = arith.cmpi eq, %add3A_25, %eq3A_32 : i32
    %jit3A = arith.constant 4 : i32
    %jit3A_34 = arith.constant 16 : i32
    %select_n3A = arith.select %eq3A_33, %jit3A, %jit3A_34 : i32
    %while3A = arith.constant 0 : i32
    %while3A_35 = arith.constant 0 : i32
    %while3A_36 = arith.subi %select_n3A, %while3A_35 : i32
    %while3A_37 = arith.addi %while3A_35, %while3A_36 : i32
    %while3A_38 = arith.constant 1 : i32
    %while3A_39 = arith.divsi %while3A_36, %while3A_38 : i32
    %while3A_40 = arith.muli %while3A_39, %while3A_38 : i32
    %while3A_41 = arith.addi %while3A_35, %while3A_40 : i32
    %while3A_42 = arith.constant 1 : i32
    scf.for %while3A_49 = %while3A_35 to %while3A_41 step %while3A_42  : i32 {
      %mul3A_50 = arith.constant 5 : i32
      %mul3A_51 = arith.muli %while3A_49, %mul3A_50 : i32
      %add3A_52 = arith.constant 0 : i32
      %add3A_53 = arith.addi %mul3A_51, %add3A_52 : i32
      %dma_start3A = arith.constant 0 : i32
      %dma_start3A_54 = tpu.memref_slice %arg6[%add3A_53, %dma_start3A] : memref<80x128xi32, #tpu.memory_space<vmem>> -> memref<1x128xi32, #tpu.memory_space<vmem>>
      %dma_start3A_55 = tpu.memref_squeeze %dma_start3A_54 : memref<1x128xi32, #tpu.memory_space<vmem>> -> memref<128xi32, #tpu.memory_space<vmem>>
      %dma_start3A_56 = arith.constant 0 : i32
      %dma_start3A_57 = arith.constant 0 : i32
      %dma_start3A_58 = tpu.memref_slice %arg2[%dma_start3A_56, %dma_start3A_57] : memref<10000x64xf32, #tpu.memory_space<hbm>> -> memref<10000x64xf32, #tpu.memory_space<hbm>>
      tpu.enqueue_indirect_dma source(%dma_start3A_58 : memref<10000x64xf32, #tpu.memory_space<hbm>>) target(%arg8 : memref<128x64xf32, #tpu.memory_space<vmem>>) offsets(%dma_start3A_55 : memref<128xi32, #tpu.memory_space<vmem>>) semaphore(%arg14 : memref<!tpu.dma_semaphore, #tpu.memory_space<semaphore_mem>>)
      %add3A_59 = arith.constant 1 : i32
      %add3A_60 = arith.addi %mul3A_51, %add3A_59 : i32
      %dma_start3A_61 = arith.constant 0 : i32
      %dma_start3A_62 = tpu.memref_slice %arg6[%add3A_60, %dma_start3A_61] : memref<80x128xi32, #tpu.memory_space<vmem>> -> memref<1x128xi32, #tpu.memory_space<vmem>>
      %dma_start3A_63 = tpu.memref_squeeze %dma_start3A_62 : memref<1x128xi32, #tpu.memory_space<vmem>> -> memref<128xi32, #tpu.memory_space<vmem>>
      %dma_start3A_64 = arith.constant 0 : i32
      %dma_start3A_65 = arith.constant 0 : i32
      %dma_start3A_66 = tpu.memref_slice %arg2[%dma_start3A_64, %dma_start3A_65] : memref<10000x64xf32, #tpu.memory_space<hbm>> -> memref<10000x64xf32, #tpu.memory_space<hbm>>
      tpu.enqueue_indirect_dma source(%dma_start3A_66 : memref<10000x64xf32, #tpu.memory_space<hbm>>) target(%arg9 : memref<128x64xf32, #tpu.memory_space<vmem>>) offsets(%dma_start3A_63 : memref<128xi32, #tpu.memory_space<vmem>>) semaphore(%arg15 : memref<!tpu.dma_semaphore, #tpu.memory_space<semaphore_mem>>)
      %add3A_67 = arith.constant 2 : i32
      %add3A_68 = arith.addi %mul3A_51, %add3A_67 : i32
      %dma_start3A_69 = arith.constant 0 : i32
      %dma_start3A_70 = tpu.memref_slice %arg6[%add3A_68, %dma_start3A_69] : memref<80x128xi32, #tpu.memory_space<vmem>> -> memref<1x128xi32, #tpu.memory_space<vmem>>
      %dma_start3A_71 = tpu.memref_squeeze %dma_start3A_70 : memref<1x128xi32, #tpu.memory_space<vmem>> -> memref<128xi32, #tpu.memory_space<vmem>>
      %dma_start3A_72 = arith.constant 0 : i32
      %dma_start3A_73 = arith.constant 0 : i32
      %dma_start3A_74 = tpu.memref_slice %arg2[%dma_start3A_72, %dma_start3A_73] : memref<10000x64xf32, #tpu.memory_space<hbm>> -> memref<10000x64xf32, #tpu.memory_space<hbm>>
      tpu.enqueue_indirect_dma source(%dma_start3A_74 : memref<10000x64xf32, #tpu.memory_space<hbm>>) target(%arg10 : memref<128x64xf32, #tpu.memory_space<vmem>>) offsets(%dma_start3A_71 : memref<128xi32, #tpu.memory_space<vmem>>) semaphore(%arg16 : memref<!tpu.dma_semaphore, #tpu.memory_space<semaphore_mem>>)
      %add3A_75 = arith.constant 3 : i32
      %add3A_76 = arith.addi %mul3A_51, %add3A_75 : i32
      %dma_start3A_77 = arith.constant 0 : i32
      %dma_start3A_78 = tpu.memref_slice %arg6[%add3A_76, %dma_start3A_77] : memref<80x128xi32, #tpu.memory_space<vmem>> -> memref<1x128xi32, #tpu.memory_space<vmem>>
      %dma_start3A_79 = tpu.memref_squeeze %dma_start3A_78 : memref<1x128xi32, #tpu.memory_space<vmem>> -> memref<128xi32, #tpu.memory_space<vmem>>
      %dma_start3A_80 = arith.constant 0 : i32
      %dma_start3A_81 = arith.constant 0 : i32
      %dma_start3A_82 = tpu.memref_slice %arg2[%dma_start3A_80, %dma_start3A_81] : memref<10000x64xf32, #tpu.memory_space<hbm>> -> memref<10000x64xf32, #tpu.memory_space<hbm>>
      tpu.enqueue_indirect_dma source(%dma_start3A_82 : memref<10000x64xf32, #tpu.memory_space<hbm>>) target(%arg11 : memref<128x64xf32, #tpu.memory_space<vmem>>) offsets(%dma_start3A_79 : memref<128xi32, #tpu.memory_space<vmem>>) semaphore(%arg17 : memref<!tpu.dma_semaphore, #tpu.memory_space<semaphore_mem>>)
      %add3A_83 = arith.constant 4 : i32
      %add3A_84 = arith.addi %mul3A_51, %add3A_83 : i32
      %dma_start3A_85 = arith.constant 0 : i32
      %dma_start3A_86 = tpu.memref_slice %arg6[%add3A_84, %dma_start3A_85] : memref<80x128xi32, #tpu.memory_space<vmem>> -> memref<1x128xi32, #tpu.memory_space<vmem>>
      %dma_start3A_87 = tpu.memref_squeeze %dma_start3A_86 : memref<1x128xi32, #tpu.memory_space<vmem>> -> memref<128xi32, #tpu.memory_space<vmem>>
      %dma_start3A_88 = arith.constant 0 : i32
      %dma_start3A_89 = arith.constant 0 : i32
      %dma_start3A_90 = tpu.memref_slice %arg2[%dma_start3A_88, %dma_start3A_89] : memref<10000x64xf32, #tpu.memory_space<hbm>> -> memref<10000x64xf32, #tpu.memory_space<hbm>>
      tpu.enqueue_indirect_dma source(%dma_start3A_90 : memref<10000x64xf32, #tpu.memory_space<hbm>>) target(%arg12 : memref<128x64xf32, #tpu.memory_space<vmem>>) offsets(%dma_start3A_87 : memref<128xi32, #tpu.memory_space<vmem>>) semaphore(%arg18 : memref<!tpu.dma_semaphore, #tpu.memory_space<semaphore_mem>>)
      %dma_wait3A = arith.constant 0 : i32
      %dma_wait3A_91 = tpu.memref_slice %arg6[%add3A_53, %dma_wait3A] : memref<80x128xi32, #tpu.memory_space<vmem>> -> memref<1x128xi32, #tpu.memory_space<vmem>>
      %dma_wait3A_92 = tpu.memref_squeeze %dma_wait3A_91 : memref<1x128xi32, #tpu.memory_space<vmem>> -> memref<128xi32, #tpu.memory_space<vmem>>
      %dma_wait3A_93 = arith.constant 0 : i32
      %dma_wait3A_94 = arith.constant 0 : i32
      %dma_wait3A_95 = tpu.memref_slice %arg2[%dma_wait3A_93, %dma_wait3A_94] : memref<10000x64xf32, #tpu.memory_space<hbm>> -> memref<10000x64xf32, #tpu.memory_space<hbm>>
      tpu.wait_indirect_dma semaphore(%arg14 : memref<!tpu.dma_semaphore, #tpu.memory_space<semaphore_mem>>) src(%dma_wait3A_95 : memref<10000x64xf32, #tpu.memory_space<hbm>>) dst(%arg8 : memref<128x64xf32, #tpu.memory_space<vmem>>)
      %add3A_96 = arith.constant 0 : i32
      %add3A_97 = arith.addi %mul3A_51, %add3A_96 : i32
      %dma_start3A_98 = arith.constant 0 : i32
      %dma_start3A_99 = tpu.memref_slice %arg7[%add3A_97, %dma_start3A_98] : memref<80x128xi32, #tpu.memory_space<vmem>> -> memref<1x128xi32, #tpu.memory_space<vmem>>
      %dma_start3A_100 = tpu.memref_squeeze %dma_start3A_99 : memref<1x128xi32, #tpu.memory_space<vmem>> -> memref<128xi32, #tpu.memory_space<vmem>>
      %dma_start3A_101 = arith.constant 0 : i32
      %dma_start3A_102 = arith.constant 0 : i32
      %dma_start3A_103 = tpu.memref_slice %arg13[%dma_start3A_101, %dma_start3A_102] : memref<10112x64xf32, #tpu.memory_space<vmem_shared>> -> memref<10112x64xf32, #tpu.memory_space<vmem_shared>>
      tpu.enqueue_indirect_dma source(%arg8 : memref<128x64xf32, #tpu.memory_space<vmem>>) target(%dma_start3A_103 : memref<10112x64xf32, #tpu.memory_space<vmem_shared>>) offsets(%dma_start3A_100 : memref<128xi32, #tpu.memory_space<vmem>>) semaphore(%arg19 : memref<!tpu.dma_semaphore, #tpu.memory_space<semaphore_mem>>) {add = true}
      %dma_wait3A_104 = arith.constant 0 : i32
      %dma_wait3A_105 = tpu.memref_slice %arg6[%add3A_60, %dma_wait3A_104] : memref<80x128xi32, #tpu.memory_space<vmem>> -> memref<1x128xi32, #tpu.memory_space<vmem>>
      %dma_wait3A_106 = tpu.memref_squeeze %dma_wait3A_105 : memref<1x128xi32, #tpu.memory_space<vmem>> -> memref<128xi32, #tpu.memory_space<vmem>>
      %dma_wait3A_107 = arith.constant 0 : i32
      %dma_wait3A_108 = arith.constant 0 : i32
      %dma_wait3A_109 = tpu.memref_slice %arg2[%dma_wait3A_107, %dma_wait3A_108] : memref<10000x64xf32, #tpu.memory_space<hbm>> -> memref<10000x64xf32, #tpu.memory_space<hbm>>
      tpu.wait_indirect_dma semaphore(%arg15 : memref<!tpu.dma_semaphore, #tpu.memory_space<semaphore_mem>>) src(%dma_wait3A_109 : memref<10000x64xf32, #tpu.memory_space<hbm>>) dst(%arg9 : memref<128x64xf32, #tpu.memory_space<vmem>>)
      %add3A_110 = arith.constant 1 : i32
      %add3A_111 = arith.addi %mul3A_51, %add3A_110 : i32
      %dma_start3A_112 = arith.constant 0 : i32
      %dma_start3A_113 = tpu.memref_slice %arg7[%add3A_111, %dma_start3A_112] : memref<80x128xi32, #tpu.memory_space<vmem>> -> memref<1x128xi32, #tpu.memory_space<vmem>>
      %dma_start3A_114 = tpu.memref_squeeze %dma_start3A_113 : memref<1x128xi32, #tpu.memory_space<vmem>> -> memref<128xi32, #tpu.memory_space<vmem>>
      %dma_start3A_115 = arith.constant 0 : i32
      %dma_start3A_116 = arith.constant 0 : i32
      %dma_start3A_117 = tpu.memref_slice %arg13[%dma_start3A_115, %dma_start3A_116] : memref<10112x64xf32, #tpu.memory_space<vmem_shared>> -> memref<10112x64xf32, #tpu.memory_space<vmem_shared>>
      tpu.enqueue_indirect_dma source(%arg9 : memref<128x64xf32, #tpu.memory_space<vmem>>) target(%dma_start3A_117 : memref<10112x64xf32, #tpu.memory_space<vmem_shared>>) offsets(%dma_start3A_114 : memref<128xi32, #tpu.memory_space<vmem>>) semaphore(%arg20 : memref<!tpu.dma_semaphore, #tpu.memory_space<semaphore_mem>>) {add = true}
      %dma_wait3A_118 = arith.constant 0 : i32
      %dma_wait3A_119 = tpu.memref_slice %arg6[%add3A_68, %dma_wait3A_118] : memref<80x128xi32, #tpu.memory_space<vmem>> -> memref<1x128xi32, #tpu.memory_space<vmem>>
      %dma_wait3A_120 = tpu.memref_squeeze %dma_wait3A_119 : memref<1x128xi32, #tpu.memory_space<vmem>> -> memref<128xi32, #tpu.memory_space<vmem>>
      %dma_wait3A_121 = arith.constant 0 : i32
      %dma_wait3A_122 = arith.constant 0 : i32
      %dma_wait3A_123 = tpu.memref_slice %arg2[%dma_wait3A_121, %dma_wait3A_122] : memref<10000x64xf32, #tpu.memory_space<hbm>> -> memref<10000x64xf32, #tpu.memory_space<hbm>>
      tpu.wait_indirect_dma semaphore(%arg16 : memref<!tpu.dma_semaphore, #tpu.memory_space<semaphore_mem>>) src(%dma_wait3A_123 : memref<10000x64xf32, #tpu.memory_space<hbm>>) dst(%arg10 : memref<128x64xf32, #tpu.memory_space<vmem>>)
      %add3A_124 = arith.constant 2 : i32
      %add3A_125 = arith.addi %mul3A_51, %add3A_124 : i32
      %dma_start3A_126 = arith.constant 0 : i32
      %dma_start3A_127 = tpu.memref_slice %arg7[%add3A_125, %dma_start3A_126] : memref<80x128xi32, #tpu.memory_space<vmem>> -> memref<1x128xi32, #tpu.memory_space<vmem>>
      %dma_start3A_128 = tpu.memref_squeeze %dma_start3A_127 : memref<1x128xi32, #tpu.memory_space<vmem>> -> memref<128xi32, #tpu.memory_space<vmem>>
      %dma_start3A_129 = arith.constant 0 : i32
      %dma_start3A_130 = arith.constant 0 : i32
      %dma_start3A_131 = tpu.memref_slice %arg13[%dma_start3A_129, %dma_start3A_130] : memref<10112x64xf32, #tpu.memory_space<vmem_shared>> -> memref<10112x64xf32, #tpu.memory_space<vmem_shared>>
      tpu.enqueue_indirect_dma source(%arg10 : memref<128x64xf32, #tpu.memory_space<vmem>>) target(%dma_start3A_131 : memref<10112x64xf32, #tpu.memory_space<vmem_shared>>) offsets(%dma_start3A_128 : memref<128xi32, #tpu.memory_space<vmem>>) semaphore(%arg21 : memref<!tpu.dma_semaphore, #tpu.memory_space<semaphore_mem>>) {add = true}
      %dma_wait3A_132 = arith.constant 0 : i32
      %dma_wait3A_133 = tpu.memref_slice %arg6[%add3A_76, %dma_wait3A_132] : memref<80x128xi32, #tpu.memory_space<vmem>> -> memref<1x128xi32, #tpu.memory_space<vmem>>
      %dma_wait3A_134 = tpu.memref_squeeze %dma_wait3A_133 : memref<1x128xi32, #tpu.memory_space<vmem>> -> memref<128xi32, #tpu.memory_space<vmem>>
      %dma_wait3A_135 = arith.constant 0 : i32
      %dma_wait3A_136 = arith.constant 0 : i32
      %dma_wait3A_137 = tpu.memref_slice %arg2[%dma_wait3A_135, %dma_wait3A_136] : memref<10000x64xf32, #tpu.memory_space<hbm>> -> memref<10000x64xf32, #tpu.memory_space<hbm>>
      tpu.wait_indirect_dma semaphore(%arg17 : memref<!tpu.dma_semaphore, #tpu.memory_space<semaphore_mem>>) src(%dma_wait3A_137 : memref<10000x64xf32, #tpu.memory_space<hbm>>) dst(%arg11 : memref<128x64xf32, #tpu.memory_space<vmem>>)
      %add3A_138 = arith.constant 3 : i32
      %add3A_139 = arith.addi %mul3A_51, %add3A_138 : i32
      %dma_start3A_140 = arith.constant 0 : i32
      %dma_start3A_141 = tpu.memref_slice %arg7[%add3A_139, %dma_start3A_140] : memref<80x128xi32, #tpu.memory_space<vmem>> -> memref<1x128xi32, #tpu.memory_space<vmem>>
      %dma_start3A_142 = tpu.memref_squeeze %dma_start3A_141 : memref<1x128xi32, #tpu.memory_space<vmem>> -> memref<128xi32, #tpu.memory_space<vmem>>
      %dma_start3A_143 = arith.constant 0 : i32
      %dma_start3A_144 = arith.constant 0 : i32
      %dma_start3A_145 = tpu.memref_slice %arg13[%dma_start3A_143, %dma_start3A_144] : memref<10112x64xf32, #tpu.memory_space<vmem_shared>> -> memref<10112x64xf32, #tpu.memory_space<vmem_shared>>
      tpu.enqueue_indirect_dma source(%arg11 : memref<128x64xf32, #tpu.memory_space<vmem>>) target(%dma_start3A_145 : memref<10112x64xf32, #tpu.memory_space<vmem_shared>>) offsets(%dma_start3A_142 : memref<128xi32, #tpu.memory_space<vmem>>) semaphore(%arg22 : memref<!tpu.dma_semaphore, #tpu.memory_space<semaphore_mem>>) {add = true}
      %dma_wait3A_146 = arith.constant 0 : i32
      %dma_wait3A_147 = tpu.memref_slice %arg6[%add3A_84, %dma_wait3A_146] : memref<80x128xi32, #tpu.memory_space<vmem>> -> memref<1x128xi32, #tpu.memory_space<vmem>>
      %dma_wait3A_148 = tpu.memref_squeeze %dma_wait3A_147 : memref<1x128xi32, #tpu.memory_space<vmem>> -> memref<128xi32, #tpu.memory_space<vmem>>
      %dma_wait3A_149 = arith.constant 0 : i32
      %dma_wait3A_150 = arith.constant 0 : i32
      %dma_wait3A_151 = tpu.memref_slice %arg2[%dma_wait3A_149, %dma_wait3A_150] : memref<10000x64xf32, #tpu.memory_space<hbm>> -> memref<10000x64xf32, #tpu.memory_space<hbm>>
      tpu.wait_indirect_dma semaphore(%arg18 : memref<!tpu.dma_semaphore, #tpu.memory_space<semaphore_mem>>) src(%dma_wait3A_151 : memref<10000x64xf32, #tpu.memory_space<hbm>>) dst(%arg12 : memref<128x64xf32, #tpu.memory_space<vmem>>)
      %add3A_152 = arith.constant 4 : i32
      %add3A_153 = arith.addi %mul3A_51, %add3A_152 : i32
      %dma_start3A_154 = arith.constant 0 : i32
      %dma_start3A_155 = tpu.memref_slice %arg7[%add3A_153, %dma_start3A_154] : memref<80x128xi32, #tpu.memory_space<vmem>> -> memref<1x128xi32, #tpu.memory_space<vmem>>
      %dma_start3A_156 = tpu.memref_squeeze %dma_start3A_155 : memref<1x128xi32, #tpu.memory_space<vmem>> -> memref<128xi32, #tpu.memory_space<vmem>>
      %dma_start3A_157 = arith.constant 0 : i32
      %dma_start3A_158 = arith.constant 0 : i32
      %dma_start3A_159 = tpu.memref_slice %arg13[%dma_start3A_157, %dma_start3A_158] : memref<10112x64xf32, #tpu.memory_space<vmem_shared>> -> memref<10112x64xf32, #tpu.memory_space<vmem_shared>>
      tpu.enqueue_indirect_dma source(%arg12 : memref<128x64xf32, #tpu.memory_space<vmem>>) target(%dma_start3A_159 : memref<10112x64xf32, #tpu.memory_space<vmem_shared>>) offsets(%dma_start3A_156 : memref<128xi32, #tpu.memory_space<vmem>>) semaphore(%arg23 : memref<!tpu.dma_semaphore, #tpu.memory_space<semaphore_mem>>) {add = true}
      %dma_wait3A_160 = arith.constant 0 : i32
      %dma_wait3A_161 = tpu.memref_slice %arg7[%add3A_97, %dma_wait3A_160] : memref<80x128xi32, #tpu.memory_space<vmem>> -> memref<1x128xi32, #tpu.memory_space<vmem>>
      %dma_wait3A_162 = tpu.memref_squeeze %dma_wait3A_161 : memref<1x128xi32, #tpu.memory_space<vmem>> -> memref<128xi32, #tpu.memory_space<vmem>>
      %dma_wait3A_163 = arith.constant 0 : i32
      %dma_wait3A_164 = arith.constant 0 : i32
      %dma_wait3A_165 = tpu.memref_slice %arg13[%dma_wait3A_163, %dma_wait3A_164] : memref<10112x64xf32, #tpu.memory_space<vmem_shared>> -> memref<10112x64xf32, #tpu.memory_space<vmem_shared>>
      tpu.wait_indirect_dma semaphore(%arg19 : memref<!tpu.dma_semaphore, #tpu.memory_space<semaphore_mem>>) src(%arg8 : memref<128x64xf32, #tpu.memory_space<vmem>>) dst(%dma_wait3A_165 : memref<10112x64xf32, #tpu.memory_space<vmem_shared>>)
      %dma_wait3A_166 = arith.constant 0 : i32
      %dma_wait3A_167 = tpu.memref_slice %arg7[%add3A_111, %dma_wait3A_166] : memref<80x128xi32, #tpu.memory_space<vmem>> -> memref<1x128xi32, #tpu.memory_space<vmem>>
      %dma_wait3A_168 = tpu.memref_squeeze %dma_wait3A_167 : memref<1x128xi32, #tpu.memory_space<vmem>> -> memref<128xi32, #tpu.memory_space<vmem>>
      %dma_wait3A_169 = arith.constant 0 : i32
      %dma_wait3A_170 = arith.constant 0 : i32
      %dma_wait3A_171 = tpu.memref_slice %arg13[%dma_wait3A_169, %dma_wait3A_170] : memref<10112x64xf32, #tpu.memory_space<vmem_shared>> -> memref<10112x64xf32, #tpu.memory_space<vmem_shared>>
      tpu.wait_indirect_dma semaphore(%arg20 : memref<!tpu.dma_semaphore, #tpu.memory_space<semaphore_mem>>) src(%arg9 : memref<128x64xf32, #tpu.memory_space<vmem>>) dst(%dma_wait3A_171 : memref<10112x64xf32, #tpu.memory_space<vmem_shared>>)
      %dma_wait3A_172 = arith.constant 0 : i32
      %dma_wait3A_173 = tpu.memref_slice %arg7[%add3A_125, %dma_wait3A_172] : memref<80x128xi32, #tpu.memory_space<vmem>> -> memref<1x128xi32, #tpu.memory_space<vmem>>
      %dma_wait3A_174 = tpu.memref_squeeze %dma_wait3A_173 : memref<1x128xi32, #tpu.memory_space<vmem>> -> memref<128xi32, #tpu.memory_space<vmem>>
      %dma_wait3A_175 = arith.constant 0 : i32
      %dma_wait3A_176 = arith.constant 0 : i32
      %dma_wait3A_177 = tpu.memref_slice %arg13[%dma_wait3A_175, %dma_wait3A_176] : memref<10112x64xf32, #tpu.memory_space<vmem_shared>> -> memref<10112x64xf32, #tpu.memory_space<vmem_shared>>
      tpu.wait_indirect_dma semaphore(%arg21 : memref<!tpu.dma_semaphore, #tpu.memory_space<semaphore_mem>>) src(%arg10 : memref<128x64xf32, #tpu.memory_space<vmem>>) dst(%dma_wait3A_177 : memref<10112x64xf32, #tpu.memory_space<vmem_shared>>)
      %dma_wait3A_178 = arith.constant 0 : i32
      %dma_wait3A_179 = tpu.memref_slice %arg7[%add3A_139, %dma_wait3A_178] : memref<80x128xi32, #tpu.memory_space<vmem>> -> memref<1x128xi32, #tpu.memory_space<vmem>>
      %dma_wait3A_180 = tpu.memref_squeeze %dma_wait3A_179 : memref<1x128xi32, #tpu.memory_space<vmem>> -> memref<128xi32, #tpu.memory_space<vmem>>
      %dma_wait3A_181 = arith.constant 0 : i32
      %dma_wait3A_182 = arith.constant 0 : i32
      %dma_wait3A_183 = tpu.memref_slice %arg13[%dma_wait3A_181, %dma_wait3A_182] : memref<10112x64xf32, #tpu.memory_space<vmem_shared>> -> memref<10112x64xf32, #tpu.memory_space<vmem_shared>>
      tpu.wait_indirect_dma semaphore(%arg22 : memref<!tpu.dma_semaphore, #tpu.memory_space<semaphore_mem>>) src(%arg11 : memref<128x64xf32, #tpu.memory_space<vmem>>) dst(%dma_wait3A_183 : memref<10112x64xf32, #tpu.memory_space<vmem_shared>>)
      %dma_wait3A_184 = arith.constant 0 : i32
      %dma_wait3A_185 = tpu.memref_slice %arg7[%add3A_153, %dma_wait3A_184] : memref<80x128xi32, #tpu.memory_space<vmem>> -> memref<1x128xi32, #tpu.memory_space<vmem>>
      %dma_wait3A_186 = tpu.memref_squeeze %dma_wait3A_185 : memref<1x128xi32, #tpu.memory_space<vmem>> -> memref<128xi32, #tpu.memory_space<vmem>>
      %dma_wait3A_187 = arith.constant 0 : i32
      %dma_wait3A_188 = arith.constant 0 : i32
      %dma_wait3A_189 = tpu.memref_slice %arg13[%dma_wait3A_187, %dma_wait3A_188] : memref<10112x64xf32, #tpu.memory_space<vmem_shared>> -> memref<10112x64xf32, #tpu.memory_space<vmem_shared>>
      tpu.wait_indirect_dma semaphore(%arg23 : memref<!tpu.dma_semaphore, #tpu.memory_space<semaphore_mem>>) src(%arg12 : memref<128x64xf32, #tpu.memory_space<vmem>>) dst(%dma_wait3A_189 : memref<10112x64xf32, #tpu.memory_space<vmem_shared>>)
    }
    %while3A_43 = arith.constant 1 : i32
    scf.for %while3A_49 = %while3A_41 to %while3A_37 step %while3A_43  : i32 {
      %mul3A_50 = arith.constant 5 : i32
      %mul3A_51 = arith.muli %while3A_49, %mul3A_50 : i32
      %add3A_52 = arith.constant 0 : i32
      %add3A_53 = arith.addi %mul3A_51, %add3A_52 : i32
      %dma_start3A = arith.constant 0 : i32
      %dma_start3A_54 = tpu.memref_slice %arg6[%add3A_53, %dma_start3A] : memref<80x128xi32, #tpu.memory_space<vmem>> -> memref<1x128xi32, #tpu.memory_space<vmem>>
      %dma_start3A_55 = tpu.memref_squeeze %dma_start3A_54 : memref<1x128xi32, #tpu.memory_space<vmem>> -> memref<128xi32, #tpu.memory_space<vmem>>
      %dma_start3A_56 = arith.constant 0 : i32
      %dma_start3A_57 = arith.constant 0 : i32
      %dma_start3A_58 = tpu.memref_slice %arg2[%dma_start3A_56, %dma_start3A_57] : memref<10000x64xf32, #tpu.memory_space<hbm>> -> memref<10000x64xf32, #tpu.memory_space<hbm>>
      tpu.enqueue_indirect_dma source(%dma_start3A_58 : memref<10000x64xf32, #tpu.memory_space<hbm>>) target(%arg8 : memref<128x64xf32, #tpu.memory_space<vmem>>) offsets(%dma_start3A_55 : memref<128xi32, #tpu.memory_space<vmem>>) semaphore(%arg14 : memref<!tpu.dma_semaphore, #tpu.memory_space<semaphore_mem>>)
      %add3A_59 = arith.constant 1 : i32
      %add3A_60 = arith.addi %mul3A_51, %add3A_59 : i32
      %dma_start3A_61 = arith.constant 0 : i32
      %dma_start3A_62 = tpu.memref_slice %arg6[%add3A_60, %dma_start3A_61] : memref<80x128xi32, #tpu.memory_space<vmem>> -> memref<1x128xi32, #tpu.memory_space<vmem>>
      %dma_start3A_63 = tpu.memref_squeeze %dma_start3A_62 : memref<1x128xi32, #tpu.memory_space<vmem>> -> memref<128xi32, #tpu.memory_space<vmem>>
      %dma_start3A_64 = arith.constant 0 : i32
      %dma_start3A_65 = arith.constant 0 : i32
      %dma_start3A_66 = tpu.memref_slice %arg2[%dma_start3A_64, %dma_start3A_65] : memref<10000x64xf32, #tpu.memory_space<hbm>> -> memref<10000x64xf32, #tpu.memory_space<hbm>>
      tpu.enqueue_indirect_dma source(%dma_start3A_66 : memref<10000x64xf32, #tpu.memory_space<hbm>>) target(%arg9 : memref<128x64xf32, #tpu.memory_space<vmem>>) offsets(%dma_start3A_63 : memref<128xi32, #tpu.memory_space<vmem>>) semaphore(%arg15 : memref<!tpu.dma_semaphore, #tpu.memory_space<semaphore_mem>>)
      %add3A_67 = arith.constant 2 : i32
      %add3A_68 = arith.addi %mul3A_51, %add3A_67 : i32
      %dma_start3A_69 = arith.constant 0 : i32
      %dma_start3A_70 = tpu.memref_slice %arg6[%add3A_68, %dma_start3A_69] : memref<80x128xi32, #tpu.memory_space<vmem>> -> memref<1x128xi32, #tpu.memory_space<vmem>>
      %dma_start3A_71 = tpu.memref_squeeze %dma_start3A_70 : memref<1x128xi32, #tpu.memory_space<vmem>> -> memref<128xi32, #tpu.memory_space<vmem>>
      %dma_start3A_72 = arith.constant 0 : i32
      %dma_start3A_73 = arith.constant 0 : i32
      %dma_start3A_74 = tpu.memref_slice %arg2[%dma_start3A_72, %dma_start3A_73] : memref<10000x64xf32, #tpu.memory_space<hbm>> -> memref<10000x64xf32, #tpu.memory_space<hbm>>
      tpu.enqueue_indirect_dma source(%dma_start3A_74 : memref<10000x64xf32, #tpu.memory_space<hbm>>) target(%arg10 : memref<128x64xf32, #tpu.memory_space<vmem>>) offsets(%dma_start3A_71 : memref<128xi32, #tpu.memory_space<vmem>>) semaphore(%arg16 : memref<!tpu.dma_semaphore, #tpu.memory_space<semaphore_mem>>)
      %add3A_75 = arith.constant 3 : i32
      %add3A_76 = arith.addi %mul3A_51, %add3A_75 : i32
      %dma_start3A_77 = arith.constant 0 : i32
      %dma_start3A_78 = tpu.memref_slice %arg6[%add3A_76, %dma_start3A_77] : memref<80x128xi32, #tpu.memory_space<vmem>> -> memref<1x128xi32, #tpu.memory_space<vmem>>
      %dma_start3A_79 = tpu.memref_squeeze %dma_start3A_78 : memref<1x128xi32, #tpu.memory_space<vmem>> -> memref<128xi32, #tpu.memory_space<vmem>>
      %dma_start3A_80 = arith.constant 0 : i32
      %dma_start3A_81 = arith.constant 0 : i32
      %dma_start3A_82 = tpu.memref_slice %arg2[%dma_start3A_80, %dma_start3A_81] : memref<10000x64xf32, #tpu.memory_space<hbm>> -> memref<10000x64xf32, #tpu.memory_space<hbm>>
      tpu.enqueue_indirect_dma source(%dma_start3A_82 : memref<10000x64xf32, #tpu.memory_space<hbm>>) target(%arg11 : memref<128x64xf32, #tpu.memory_space<vmem>>) offsets(%dma_start3A_79 : memref<128xi32, #tpu.memory_space<vmem>>) semaphore(%arg17 : memref<!tpu.dma_semaphore, #tpu.memory_space<semaphore_mem>>)
      %add3A_83 = arith.constant 4 : i32
      %add3A_84 = arith.addi %mul3A_51, %add3A_83 : i32
      %dma_start3A_85 = arith.constant 0 : i32
      %dma_start3A_86 = tpu.memref_slice %arg6[%add3A_84, %dma_start3A_85] : memref<80x128xi32, #tpu.memory_space<vmem>> -> memref<1x128xi32, #tpu.memory_space<vmem>>
      %dma_start3A_87 = tpu.memref_squeeze %dma_start3A_86 : memref<1x128xi32, #tpu.memory_space<vmem>> -> memref<128xi32, #tpu.memory_space<vmem>>
      %dma_start3A_88 = arith.constant 0 : i32
      %dma_start3A_89 = arith.constant 0 : i32
      %dma_start3A_90 = tpu.memref_slice %arg2[%dma_start3A_88, %dma_start3A_89] : memref<10000x64xf32, #tpu.memory_space<hbm>> -> memref<10000x64xf32, #tpu.memory_space<hbm>>
      tpu.enqueue_indirect_dma source(%dma_start3A_90 : memref<10000x64xf32, #tpu.memory_space<hbm>>) target(%arg12 : memref<128x64xf32, #tpu.memory_space<vmem>>) offsets(%dma_start3A_87 : memref<128xi32, #tpu.memory_space<vmem>>) semaphore(%arg18 : memref<!tpu.dma_semaphore, #tpu.memory_space<semaphore_mem>>)
      %dma_wait3A = arith.constant 0 : i32
      %dma_wait3A_91 = tpu.memref_slice %arg6[%add3A_53, %dma_wait3A] : memref<80x128xi32, #tpu.memory_space<vmem>> -> memref<1x128xi32, #tpu.memory_space<vmem>>
      %dma_wait3A_92 = tpu.memref_squeeze %dma_wait3A_91 : memref<1x128xi32, #tpu.memory_space<vmem>> -> memref<128xi32, #tpu.memory_space<vmem>>
      %dma_wait3A_93 = arith.constant 0 : i32
      %dma_wait3A_94 = arith.constant 0 : i32
      %dma_wait3A_95 = tpu.memref_slice %arg2[%dma_wait3A_93, %dma_wait3A_94] : memref<10000x64xf32, #tpu.memory_space<hbm>> -> memref<10000x64xf32, #tpu.memory_space<hbm>>
      tpu.wait_indirect_dma semaphore(%arg14 : memref<!tpu.dma_semaphore, #tpu.memory_space<semaphore_mem>>) src(%dma_wait3A_95 : memref<10000x64xf32, #tpu.memory_space<hbm>>) dst(%arg8 : memref<128x64xf32, #tpu.memory_space<vmem>>)
      %add3A_96 = arith.constant 0 : i32
      %add3A_97 = arith.addi %mul3A_51, %add3A_96 : i32
      %dma_start3A_98 = arith.constant 0 : i32
      %dma_start3A_99 = tpu.memref_slice %arg7[%add3A_97, %dma_start3A_98] : memref<80x128xi32, #tpu.memory_space<vmem>> -> memref<1x128xi32, #tpu.memory_space<vmem>>
      %dma_start3A_100 = tpu.memref_squeeze %dma_start3A_99 : memref<1x128xi32, #tpu.memory_space<vmem>> -> memref<128xi32, #tpu.memory_space<vmem>>
      %dma_start3A_101 = arith.constant 0 : i32
      %dma_start3A_102 = arith.constant 0 : i32
      %dma_start3A_103 = tpu.memref_slice %arg13[%dma_start3A_101, %dma_start3A_102] : memref<10112x64xf32, #tpu.memory_space<vmem_shared>> -> memref<10112x64xf32, #tpu.memory_space<vmem_shared>>
      tpu.enqueue_indirect_dma source(%arg8 : memref<128x64xf32, #tpu.memory_space<vmem>>) target(%dma_start3A_103 : memref<10112x64xf32, #tpu.memory_space<vmem_shared>>) offsets(%dma_start3A_100 : memref<128xi32, #tpu.memory_space<vmem>>) semaphore(%arg19 : memref<!tpu.dma_semaphore, #tpu.memory_space<semaphore_mem>>) {add = true}
      %dma_wait3A_104 = arith.constant 0 : i32
      %dma_wait3A_105 = tpu.memref_slice %arg6[%add3A_60, %dma_wait3A_104] : memref<80x128xi32, #tpu.memory_space<vmem>> -> memref<1x128xi32, #tpu.memory_space<vmem>>
      %dma_wait3A_106 = tpu.memref_squeeze %dma_wait3A_105 : memref<1x128xi32, #tpu.memory_space<vmem>> -> memref<128xi32, #tpu.memory_space<vmem>>
      %dma_wait3A_107 = arith.constant 0 : i32
      %dma_wait3A_108 = arith.constant 0 : i32
      %dma_wait3A_109 = tpu.memref_slice %arg2[%dma_wait3A_107, %dma_wait3A_108] : memref<10000x64xf32, #tpu.memory_space<hbm>> -> memref<10000x64xf32, #tpu.memory_space<hbm>>
      tpu.wait_indirect_dma semaphore(%arg15 : memref<!tpu.dma_semaphore, #tpu.memory_space<semaphore_mem>>) src(%dma_wait3A_109 : memref<10000x64xf32, #tpu.memory_space<hbm>>) dst(%arg9 : memref<128x64xf32, #tpu.memory_space<vmem>>)
      %add3A_110 = arith.constant 1 : i32
      %add3A_111 = arith.addi %mul3A_51, %add3A_110 : i32
      %dma_start3A_112 = arith.constant 0 : i32
      %dma_start3A_113 = tpu.memref_slice %arg7[%add3A_111, %dma_start3A_112] : memref<80x128xi32, #tpu.memory_space<vmem>> -> memref<1x128xi32, #tpu.memory_space<vmem>>
      %dma_start3A_114 = tpu.memref_squeeze %dma_start3A_113 : memref<1x128xi32, #tpu.memory_space<vmem>> -> memref<128xi32, #tpu.memory_space<vmem>>
      %dma_start3A_115 = arith.constant 0 : i32
      %dma_start3A_116 = arith.constant 0 : i32
      %dma_start3A_117 = tpu.memref_slice %arg13[%dma_start3A_115, %dma_start3A_116] : memref<10112x64xf32, #tpu.memory_space<vmem_shared>> -> memref<10112x64xf32, #tpu.memory_space<vmem_shared>>
      tpu.enqueue_indirect_dma source(%arg9 : memref<128x64xf32, #tpu.memory_space<vmem>>) target(%dma_start3A_117 : memref<10112x64xf32, #tpu.memory_space<vmem_shared>>) offsets(%dma_start3A_114 : memref<128xi32, #tpu.memory_space<vmem>>) semaphore(%arg20 : memref<!tpu.dma_semaphore, #tpu.memory_space<semaphore_mem>>) {add = true}
      %dma_wait3A_118 = arith.constant 0 : i32
      %dma_wait3A_119 = tpu.memref_slice %arg6[%add3A_68, %dma_wait3A_118] : memref<80x128xi32, #tpu.memory_space<vmem>> -> memref<1x128xi32, #tpu.memory_space<vmem>>
      %dma_wait3A_120 = tpu.memref_squeeze %dma_wait3A_119 : memref<1x128xi32, #tpu.memory_space<vmem>> -> memref<128xi32, #tpu.memory_space<vmem>>
      %dma_wait3A_121 = arith.constant 0 : i32
      %dma_wait3A_122 = arith.constant 0 : i32
      %dma_wait3A_123 = tpu.memref_slice %arg2[%dma_wait3A_121, %dma_wait3A_122] : memref<10000x64xf32, #tpu.memory_space<hbm>> -> memref<10000x64xf32, #tpu.memory_space<hbm>>
      tpu.wait_indirect_dma semaphore(%arg16 : memref<!tpu.dma_semaphore, #tpu.memory_space<semaphore_mem>>) src(%dma_wait3A_123 : memref<10000x64xf32, #tpu.memory_space<hbm>>) dst(%arg10 : memref<128x64xf32, #tpu.memory_space<vmem>>)
      %add3A_124 = arith.constant 2 : i32
      %add3A_125 = arith.addi %mul3A_51, %add3A_124 : i32
      %dma_start3A_126 = arith.constant 0 : i32
      %dma_start3A_127 = tpu.memref_slice %arg7[%add3A_125, %dma_start3A_126] : memref<80x128xi32, #tpu.memory_space<vmem>> -> memref<1x128xi32, #tpu.memory_space<vmem>>
      %dma_start3A_128 = tpu.memref_squeeze %dma_start3A_127 : memref<1x128xi32, #tpu.memory_space<vmem>> -> memref<128xi32, #tpu.memory_space<vmem>>
      %dma_start3A_129 = arith.constant 0 : i32
      %dma_start3A_130 = arith.constant 0 : i32
      %dma_start3A_131 = tpu.memref_slice %arg13[%dma_start3A_129, %dma_start3A_130] : memref<10112x64xf32, #tpu.memory_space<vmem_shared>> -> memref<10112x64xf32, #tpu.memory_space<vmem_shared>>
      tpu.enqueue_indirect_dma source(%arg10 : memref<128x64xf32, #tpu.memory_space<vmem>>) target(%dma_start3A_131 : memref<10112x64xf32, #tpu.memory_space<vmem_shared>>) offsets(%dma_start3A_128 : memref<128xi32, #tpu.memory_space<vmem>>) semaphore(%arg21 : memref<!tpu.dma_semaphore, #tpu.memory_space<semaphore_mem>>) {add = true}
      %dma_wait3A_132 = arith.constant 0 : i32
      %dma_wait3A_133 = tpu.memref_slice %arg6[%add3A_76, %dma_wait3A_132] : memref<80x128xi32, #tpu.memory_space<vmem>> -> memref<1x128xi32, #tpu.memory_space<vmem>>
      %dma_wait3A_134 = tpu.memref_squeeze %dma_wait3A_133 : memref<1x128xi32, #tpu.memory_space<vmem>> -> memref<128xi32, #tpu.memory_space<vmem>>
      %dma_wait3A_135 = arith.constant 0 : i32
      %dma_wait3A_136 = arith.constant 0 : i32
      %dma_wait3A_137 = tpu.memref_slice %arg2[%dma_wait3A_135, %dma_wait3A_136] : memref<10000x64xf32, #tpu.memory_space<hbm>> -> memref<10000x64xf32, #tpu.memory_space<hbm>>
      tpu.wait_indirect_dma semaphore(%arg17 : memref<!tpu.dma_semaphore, #tpu.memory_space<semaphore_mem>>) src(%dma_wait3A_137 : memref<10000x64xf32, #tpu.memory_space<hbm>>) dst(%arg11 : memref<128x64xf32, #tpu.memory_space<vmem>>)
      %add3A_138 = arith.constant 3 : i32
      %add3A_139 = arith.addi %mul3A_51, %add3A_138 : i32
      %dma_start3A_140 = arith.constant 0 : i32
      %dma_start3A_141 = tpu.memref_slice %arg7[%add3A_139, %dma_start3A_140] : memref<80x128xi32, #tpu.memory_space<vmem>> -> memref<1x128xi32, #tpu.memory_space<vmem>>
      %dma_start3A_142 = tpu.memref_squeeze %dma_start3A_141 : memref<1x128xi32, #tpu.memory_space<vmem>> -> memref<128xi32, #tpu.memory_space<vmem>>
      %dma_start3A_143 = arith.constant 0 : i32
      %dma_start3A_144 = arith.constant 0 : i32
      %dma_start3A_145 = tpu.memref_slice %arg13[%dma_start3A_143, %dma_start3A_144] : memref<10112x64xf32, #tpu.memory_space<vmem_shared>> -> memref<10112x64xf32, #tpu.memory_space<vmem_shared>>
      tpu.enqueue_indirect_dma source(%arg11 : memref<128x64xf32, #tpu.memory_space<vmem>>) target(%dma_start3A_145 : memref<10112x64xf32, #tpu.memory_space<vmem_shared>>) offsets(%dma_start3A_142 : memref<128xi32, #tpu.memory_space<vmem>>) semaphore(%arg22 : memref<!tpu.dma_semaphore, #tpu.memory_space<semaphore_mem>>) {add = true}
      %dma_wait3A_146 = arith.constant 0 : i32
      %dma_wait3A_147 = tpu.memref_slice %arg6[%add3A_84, %dma_wait3A_146] : memref<80x128xi32, #tpu.memory_space<vmem>> -> memref<1x128xi32, #tpu.memory_space<vmem>>
      %dma_wait3A_148 = tpu.memref_squeeze %dma_wait3A_147 : memref<1x128xi32, #tpu.memory_space<vmem>> -> memref<128xi32, #tpu.memory_space<vmem>>
      %dma_wait3A_149 = arith.constant 0 : i32
      %dma_wait3A_150 = arith.constant 0 : i32
      %dma_wait3A_151 = tpu.memref_slice %arg2[%dma_wait3A_149, %dma_wait3A_150] : memref<10000x64xf32, #tpu.memory_space<hbm>> -> memref<10000x64xf32, #tpu.memory_space<hbm>>
      tpu.wait_indirect_dma semaphore(%arg18 : memref<!tpu.dma_semaphore, #tpu.memory_space<semaphore_mem>>) src(%dma_wait3A_151 : memref<10000x64xf32, #tpu.memory_space<hbm>>) dst(%arg12 : memref<128x64xf32, #tpu.memory_space<vmem>>)
      %add3A_152 = arith.constant 4 : i32
      %add3A_153 = arith.addi %mul3A_51, %add3A_152 : i32
      %dma_start3A_154 = arith.constant 0 : i32
      %dma_start3A_155 = tpu.memref_slice %arg7[%add3A_153, %dma_start3A_154] : memref<80x128xi32, #tpu.memory_space<vmem>> -> memref<1x128xi32, #tpu.memory_space<vmem>>
      %dma_start3A_156 = tpu.memref_squeeze %dma_start3A_155 : memref<1x128xi32, #tpu.memory_space<vmem>> -> memref<128xi32, #tpu.memory_space<vmem>>
      %dma_start3A_157 = arith.constant 0 : i32
      %dma_start3A_158 = arith.constant 0 : i32
      %dma_start3A_159 = tpu.memref_slice %arg13[%dma_start3A_157, %dma_start3A_158] : memref<10112x64xf32, #tpu.memory_space<vmem_shared>> -> memref<10112x64xf32, #tpu.memory_space<vmem_shared>>
      tpu.enqueue_indirect_dma source(%arg12 : memref<128x64xf32, #tpu.memory_space<vmem>>) target(%dma_start3A_159 : memref<10112x64xf32, #tpu.memory_space<vmem_shared>>) offsets(%dma_start3A_156 : memref<128xi32, #tpu.memory_space<vmem>>) semaphore(%arg23 : memref<!tpu.dma_semaphore, #tpu.memory_space<semaphore_mem>>) {add = true}
      %dma_wait3A_160 = arith.constant 0 : i32
      %dma_wait3A_161 = tpu.memref_slice %arg7[%add3A_97, %dma_wait3A_160] : memref<80x128xi32, #tpu.memory_space<vmem>> -> memref<1x128xi32, #tpu.memory_space<vmem>>
      %dma_wait3A_162 = tpu.memref_squeeze %dma_wait3A_161 : memref<1x128xi32, #tpu.memory_space<vmem>> -> memref<128xi32, #tpu.memory_space<vmem>>
      %dma_wait3A_163 = arith.constant 0 : i32
      %dma_wait3A_164 = arith.constant 0 : i32
      %dma_wait3A_165 = tpu.memref_slice %arg13[%dma_wait3A_163, %dma_wait3A_164] : memref<10112x64xf32, #tpu.memory_space<vmem_shared>> -> memref<10112x64xf32, #tpu.memory_space<vmem_shared>>
      tpu.wait_indirect_dma semaphore(%arg19 : memref<!tpu.dma_semaphore, #tpu.memory_space<semaphore_mem>>) src(%arg8 : memref<128x64xf32, #tpu.memory_space<vmem>>) dst(%dma_wait3A_165 : memref<10112x64xf32, #tpu.memory_space<vmem_shared>>)
      %dma_wait3A_166 = arith.constant 0 : i32
      %dma_wait3A_167 = tpu.memref_slice %arg7[%add3A_111, %dma_wait3A_166] : memref<80x128xi32, #tpu.memory_space<vmem>> -> memref<1x128xi32, #tpu.memory_space<vmem>>
      %dma_wait3A_168 = tpu.memref_squeeze %dma_wait3A_167 : memref<1x128xi32, #tpu.memory_space<vmem>> -> memref<128xi32, #tpu.memory_space<vmem>>
      %dma_wait3A_169 = arith.constant 0 : i32
      %dma_wait3A_170 = arith.constant 0 : i32
      %dma_wait3A_171 = tpu.memref_slice %arg13[%dma_wait3A_169, %dma_wait3A_170] : memref<10112x64xf32, #tpu.memory_space<vmem_shared>> -> memref<10112x64xf32, #tpu.memory_space<vmem_shared>>
      tpu.wait_indirect_dma semaphore(%arg20 : memref<!tpu.dma_semaphore, #tpu.memory_space<semaphore_mem>>) src(%arg9 : memref<128x64xf32, #tpu.memory_space<vmem>>) dst(%dma_wait3A_171 : memref<10112x64xf32, #tpu.memory_space<vmem_shared>>)
      %dma_wait3A_172 = arith.constant 0 : i32
      %dma_wait3A_173 = tpu.memref_slice %arg7[%add3A_125, %dma_wait3A_172] : memref<80x128xi32, #tpu.memory_space<vmem>> -> memref<1x128xi32, #tpu.memory_space<vmem>>
      %dma_wait3A_174 = tpu.memref_squeeze %dma_wait3A_173 : memref<1x128xi32, #tpu.memory_space<vmem>> -> memref<128xi32, #tpu.memory_space<vmem>>
      %dma_wait3A_175 = arith.constant 0 : i32
      %dma_wait3A_176 = arith.constant 0 : i32
      %dma_wait3A_177 = tpu.memref_slice %arg13[%dma_wait3A_175, %dma_wait3A_176] : memref<10112x64xf32, #tpu.memory_space<vmem_shared>> -> memref<10112x64xf32, #tpu.memory_space<vmem_shared>>
      tpu.wait_indirect_dma semaphore(%arg21 : memref<!tpu.dma_semaphore, #tpu.memory_space<semaphore_mem>>) src(%arg10 : memref<128x64xf32, #tpu.memory_space<vmem>>) dst(%dma_wait3A_177 : memref<10112x64xf32, #tpu.memory_space<vmem_shared>>)
      %dma_wait3A_178 = arith.constant 0 : i32
      %dma_wait3A_179 = tpu.memref_slice %arg7[%add3A_139, %dma_wait3A_178] : memref<80x128xi32, #tpu.memory_space<vmem>> -> memref<1x128xi32, #tpu.memory_space<vmem>>
      %dma_wait3A_180 = tpu.memref_squeeze %dma_wait3A_179 : memref<1x128xi32, #tpu.memory_space<vmem>> -> memref<128xi32, #tpu.memory_space<vmem>>
      %dma_wait3A_181 = arith.constant 0 : i32
      %dma_wait3A_182 = arith.constant 0 : i32
      %dma_wait3A_183 = tpu.memref_slice %arg13[%dma_wait3A_181, %dma_wait3A_182] : memref<10112x64xf32, #tpu.memory_space<vmem_shared>> -> memref<10112x64xf32, #tpu.memory_space<vmem_shared>>
      tpu.wait_indirect_dma semaphore(%arg22 : memref<!tpu.dma_semaphore, #tpu.memory_space<semaphore_mem>>) src(%arg11 : memref<128x64xf32, #tpu.memory_space<vmem>>) dst(%dma_wait3A_183 : memref<10112x64xf32, #tpu.memory_space<vmem_shared>>)
      %dma_wait3A_184 = arith.constant 0 : i32
      %dma_wait3A_185 = tpu.memref_slice %arg7[%add3A_153, %dma_wait3A_184] : memref<80x128xi32, #tpu.memory_space<vmem>> -> memref<1x128xi32, #tpu.memory_space<vmem>>
      %dma_wait3A_186 = tpu.memref_squeeze %dma_wait3A_185 : memref<1x128xi32, #tpu.memory_space<vmem>> -> memref<128xi32, #tpu.memory_space<vmem>>
      %dma_wait3A_187 = arith.constant 0 : i32
      %dma_wait3A_188 = arith.constant 0 : i32
      %dma_wait3A_189 = tpu.memref_slice %arg13[%dma_wait3A_187, %dma_wait3A_188] : memref<10112x64xf32, #tpu.memory_space<vmem_shared>> -> memref<10112x64xf32, #tpu.memory_space<vmem_shared>>
      tpu.wait_indirect_dma semaphore(%arg23 : memref<!tpu.dma_semaphore, #tpu.memory_space<semaphore_mem>>) src(%arg12 : memref<128x64xf32, #tpu.memory_space<vmem>>) dst(%dma_wait3A_189 : memref<10112x64xf32, #tpu.memory_space<vmem_shared>>)
    }
    %barrier3A_44 = arith.constant 0 : index
    tpu.barrier barrier_id(%barrier3A_44)
    %mul3A_45 = arith.constant 632 : i32
    %mul3A_46 = arith.muli %arg1, %mul3A_45 : i32
    %mul3A_47 = arith.constant 632 : i32
    %mul3A_48 = arith.muli %arg1, %mul3A_47 : i32
    "tpu.region"() ({
      %run_scoped3A = tpu.sem_alloc : memref<!tpu.dma_semaphore, #tpu.memory_space<semaphore_mem>>
      %dma_start3A = arith.constant 0 : i32
      %dma_start3A_49 = tpu.memref_slice %arg5[%arg0, %mul3A_48, %dma_start3A] : memref<2x10112x64xf32, #tpu.memory_space<hbm>> -> memref<1x632x64xf32, #tpu.memory_space<hbm>>
      %dma_start3A_50 = tpu.memref_squeeze %dma_start3A_49 : memref<1x632x64xf32, #tpu.memory_space<hbm>> -> memref<632x64xf32, #tpu.memory_space<hbm>>
      %dma_start3A_51 = arith.constant 0 : i32
      %dma_start3A_52 = tpu.memref_slice %arg13[%mul3A_46, %dma_start3A_51] : memref<10112x64xf32, #tpu.memory_space<vmem_shared>> -> memref<632x64xf32, #tpu.memory_space<vmem_shared>>
      tpu.enqueue_dma source(%dma_start3A_52 : memref<632x64xf32, #tpu.memory_space<vmem_shared>>) target(%dma_start3A_50 : memref<632x64xf32, #tpu.memory_space<hbm>>) target_semaphore(%run_scoped3A : memref<!tpu.dma_semaphore, #tpu.memory_space<semaphore_mem>>)
      %dma_wait3A = arith.constant 0 : i32
      %dma_wait3A_53 = tpu.memref_slice %arg5[%arg0, %mul3A_48, %dma_wait3A] : memref<2x10112x64xf32, #tpu.memory_space<hbm>> -> memref<1x632x64xf32, #tpu.memory_space<hbm>>
      %dma_wait3A_54 = tpu.memref_squeeze %dma_wait3A_53 : memref<1x632x64xf32, #tpu.memory_space<hbm>> -> memref<632x64xf32, #tpu.memory_space<hbm>>
      %dma_wait3A_55 = arith.constant 0 : i32
      %dma_wait3A_56 = tpu.memref_slice %arg13[%mul3A_46, %dma_wait3A_55] : memref<10112x64xf32, #tpu.memory_space<vmem_shared>> -> memref<632x64xf32, #tpu.memory_space<vmem_shared>>
      tpu.wait_dma2 semaphore(%run_scoped3A : memref<!tpu.dma_semaphore, #tpu.memory_space<semaphore_mem>>) src(%dma_wait3A_56 : memref<632x64xf32, #tpu.memory_space<vmem_shared>>) dst(%dma_wait3A_54 : memref<632x64xf32, #tpu.memory_space<hbm>>)
      tpu.yield
    }) : () -> ()
    return
  }
}

module attributes {stable_mosaic.version = 14 : i64} {
  func.func @_tc1_body(%arg0: i32, %arg1: memref<2000x128xf32, #tpu.memory_space<vmem>>, %arg2: memref<128x64xf32, #tpu.memory_space<vmem>>, %arg3: memref<2000x1xf32, #tpu.memory_space<vmem>>, %arg4: memref<2000x1xf32, #tpu.memory_space<vmem>>, %arg5: memref<2000x1xf32, #tpu.memory_space<vmem>>, %arg6: memref<2000x64xf32, #tpu.memory_space<vmem>>) attributes {dimension_semantics = [#tpu.dimension_semantics<arbitrary>], iteration_bounds = array<i64: 5>, scalar_prefetch = 0 : i64, scratch_operands = 0 : i64, tpu.core_type = #tpu.core_type<tc>, window_params = [{transform_indices = @transform_0, window_bounds = array<i64: 2000, 128>}, {pipeline_mode = #tpu.pipeline_mode<synchronous>, transform_indices = @transform_1, window_bounds = array<i64: 128, 64>}, {transform_indices = @transform_2, window_bounds = array<i64: 2000, 1>}, {transform_indices = @transform_3, window_bounds = array<i64: 2000, 1>}, {transform_indices = @transform_4, window_bounds = array<i64: 2000, 1>}, {transform_indices = @transform_5, window_bounds = array<i64: 2000, 64>}]} {
    %get3A = arith.constant 0 : index
    %get3A_0 = arith.constant 0 : index
    %get3A_1 = vector.load %arg3[%get3A, %get3A_0] : memref<2000x1xf32, #tpu.memory_space<vmem>>, vector<2000x1xf32>
    %get3A_2 = arith.constant 0 : index
    %get3A_3 = arith.constant 0 : index
    %get3A_4 = vector.load %arg4[%get3A_2, %get3A_3] : memref<2000x1xf32, #tpu.memory_space<vmem>>, vector<2000x1xf32>
    %add3A = arith.addf %get3A_1, %get3A_4 : vector<2000x1xf32>
    %add3A_5 = arith.constant 1.000000e+00 : f32
    %add3A_6 = vector.broadcast %add3A_5 : f32 to vector<2000x1xf32>
    %add3A_7 = arith.addf %add3A, %add3A_6 : vector<2000x1xf32>
    %rsqrt3A = math.rsqrt %add3A_7 : vector<2000x1xf32>
    %swap3A = arith.constant 0 : index
    %swap3A_8 = arith.constant 0 : index
    %swap3A_9 = vector.load %arg5[%swap3A, %swap3A_8] : memref<2000x1xf32, #tpu.memory_space<vmem>>, vector<2000x1xf32>
    tpu.vector_store %arg5[%swap3A, %swap3A_8], %rsqrt3A {strides = array<i32>} : memref<2000x1xf32, #tpu.memory_space<vmem>>, vector<2000x1xf32>,
    %get3A_10 = arith.constant 0 : index
    %get3A_11 = arith.constant 0 : index
    %get3A_12 = vector.load %arg1[%get3A_10, %get3A_11] : memref<2000x128xf32, #tpu.memory_space<vmem>>, vector<2000x128xf32>
    %get3A_13 = arith.constant 0 : index
    %get3A_14 = arith.constant 0 : index
    %get3A_15 = vector.load %arg2[%get3A_13, %get3A_14] : memref<128x64xf32, #tpu.memory_space<vmem>>, vector<128x64xf32>
    %dot_general3A = arith.constant dense<0.000000e+00> : vector<2000x64xf32>
    %dot_general3A_16 = tpu.matmul %get3A_12, %get3A_15, %dot_general3A {dimension_numbers = #tpu.dot_dimension_numbers<[1], [0], [0], [1], [0, 0, 1, 1], [], []>, transpose_lhs_hint = false} : vector<2000x128xf32>, vector<128x64xf32>, vector<2000x64xf32> -> vector<2000x64xf32>
    %mul3A = vector.broadcast %rsqrt3A : vector<2000x1xf32> to vector<2000x64xf32>
    %mul3A_17 = arith.mulf %dot_general3A_16, %mul3A : vector<2000x64xf32>
    %swap3A_18 = arith.constant 0 : index
    %swap3A_19 = arith.constant 0 : index
    %swap3A_20 = vector.load %arg6[%swap3A_18, %swap3A_19] : memref<2000x64xf32, #tpu.memory_space<vmem>>, vector<2000x64xf32>
    tpu.vector_store %arg6[%swap3A_18, %swap3A_19], %mul3A_17 {strides = array<i32>} : memref<2000x64xf32, #tpu.memory_space<vmem>>, vector<2000x64xf32>,
    return
  }
  func.func @transform_0(%arg0: i32) -> (i32, i32) {
    %c0_i32 = arith.constant 0 : i32
    %c0_i32_0 = arith.constant 0 : i32
    return %arg0, %c0_i32 : i32, i32
  }
  func.func @transform_1(%arg0: i32) -> (i32, i32) {
    %c0_i32 = arith.constant 0 : i32
    %c0_i32_0 = arith.constant 0 : i32
    %c0_i32_1 = arith.constant 0 : i32
    return %c0_i32, %c0_i32_0 : i32, i32
  }
  func.func @transform_2(%arg0: i32) -> (i32, i32) {
    %c0_i32 = arith.constant 0 : i32
    %c0_i32_0 = arith.constant 0 : i32
    return %arg0, %c0_i32 : i32, i32
  }
  func.func @transform_3(%arg0: i32) -> (i32, i32) {
    %c0_i32 = arith.constant 0 : i32
    %c0_i32_0 = arith.constant 0 : i32
    return %arg0, %c0_i32 : i32, i32
  }
  func.func @transform_4(%arg0: i32) -> (i32, i32) {
    %c0_i32 = arith.constant 0 : i32
    %c0_i32_0 = arith.constant 0 : i32
    return %arg0, %c0_i32 : i32, i32
  }
  func.func @transform_5(%arg0: i32) -> (i32, i32) {
    %c0_i32 = arith.constant 0 : i32
    %c0_i32_0 = arith.constant 0 : i32
    return %arg0, %c0_i32 : i32, i32
  }
}

module attributes {stable_mosaic.version = 14 : i64} {
  func.func @_tc2_body(%arg0: i32, %arg1: memref<2000x64xf32, #tpu.memory_space<vmem>>, %arg2: memref<2000x64xf32, #tpu.memory_space<vmem>>, %arg3: memref<2000x64xf32, #tpu.memory_space<vmem>>, %arg4: memref<2000x1xf32, #tpu.memory_space<vmem>>, %arg5: memref<1x64xf32, #tpu.memory_space<vmem>>, %arg6: memref<64x64xf32, #tpu.memory_space<vmem>>, %arg7: memref<2000x64xf32, #tpu.memory_space<vmem>>) attributes {dimension_semantics = [#tpu.dimension_semantics<arbitrary>], iteration_bounds = array<i64: 5>, scalar_prefetch = 0 : i64, scratch_operands = 0 : i64, tpu.core_type = #tpu.core_type<tc>, window_params = [{transform_indices = @transform_0, window_bounds = array<i64: 2000, 64>}, {transform_indices = @transform_1, window_bounds = array<i64: 2000, 64>}, {transform_indices = @transform_2, window_bounds = array<i64: 2000, 64>}, {transform_indices = @transform_3, window_bounds = array<i64: 2000, 1>}, {pipeline_mode = #tpu.pipeline_mode<synchronous>, transform_indices = @transform_4, window_bounds = array<i64: 1, 64>}, {pipeline_mode = #tpu.pipeline_mode<synchronous>, transform_indices = @transform_5, window_bounds = array<i64: 64, 64>}, {transform_indices = @transform_6, window_bounds = array<i64: 2000, 64>}]} {
    %get3A = arith.constant 0 : index
    %get3A_0 = arith.constant 0 : index
    %get3A_1 = vector.load %arg4[%get3A, %get3A_0] : memref<2000x1xf32, #tpu.memory_space<vmem>>, vector<2000x1xf32>
    %get3A_2 = arith.constant 0 : index
    %get3A_3 = arith.constant 0 : index
    %get3A_4 = vector.load %arg1[%get3A_2, %get3A_3] : memref<2000x64xf32, #tpu.memory_space<vmem>>, vector<2000x64xf32>
    %get3A_5 = arith.constant 0 : index
    %get3A_6 = arith.constant 0 : index
    %get3A_7 = vector.load %arg2[%get3A_5, %get3A_6] : memref<2000x64xf32, #tpu.memory_space<vmem>>, vector<2000x64xf32>
    %add3A = arith.addf %get3A_4, %get3A_7 : vector<2000x64xf32>
    %get3A_8 = arith.constant 0 : index
    %get3A_9 = arith.constant 0 : index
    %get3A_10 = vector.load %arg3[%get3A_8, %get3A_9] : memref<2000x64xf32, #tpu.memory_space<vmem>>, vector<2000x64xf32>
    %add3A_11 = arith.addf %add3A, %get3A_10 : vector<2000x64xf32>
    %mul3A = vector.broadcast %get3A_1 : vector<2000x1xf32> to vector<2000x64xf32>
    %mul3A_12 = arith.mulf %mul3A, %add3A_11 : vector<2000x64xf32>
    %get3A_13 = arith.constant 0 : index
    %get3A_14 = arith.constant 0 : index
    %get3A_15 = vector.load %arg5[%get3A_13, %get3A_14] : memref<1x64xf32, #tpu.memory_space<vmem>>, vector<1x64xf32>
    %add3A_16 = vector.broadcast %get3A_15 : vector<1x64xf32> to vector<2000x64xf32>
    %add3A_17 = arith.addf %mul3A_12, %add3A_16 : vector<2000x64xf32>
    %max3A = arith.constant 0.000000e+00 : f32
    %max3A_18 = vector.broadcast %max3A : f32 to vector<2000x64xf32>
    %max3A_19 = arith.maximumf %add3A_17, %max3A_18 : vector<2000x64xf32>
    %get3A_20 = arith.constant 0 : index
    %get3A_21 = arith.constant 0 : index
    %get3A_22 = vector.load %arg6[%get3A_20, %get3A_21] : memref<64x64xf32, #tpu.memory_space<vmem>>, vector<64x64xf32>
    %dot_general3A = arith.constant dense<0.000000e+00> : vector<2000x64xf32>
    %dot_general3A_23 = tpu.matmul %max3A_19, %get3A_22, %dot_general3A {dimension_numbers = #tpu.dot_dimension_numbers<[1], [0], [0], [1], [0, 0, 1, 1], [], []>, transpose_lhs_hint = false} : vector<2000x64xf32>, vector<64x64xf32>, vector<2000x64xf32> -> vector<2000x64xf32>
    %mul3A_24 = vector.broadcast %get3A_1 : vector<2000x1xf32> to vector<2000x64xf32>
    %mul3A_25 = arith.mulf %dot_general3A_23, %mul3A_24 : vector<2000x64xf32>
    %swap3A = arith.constant 0 : index
    %swap3A_26 = arith.constant 0 : index
    %swap3A_27 = vector.load %arg7[%swap3A, %swap3A_26] : memref<2000x64xf32, #tpu.memory_space<vmem>>, vector<2000x64xf32>
    tpu.vector_store %arg7[%swap3A, %swap3A_26], %mul3A_25 {strides = array<i32>} : memref<2000x64xf32, #tpu.memory_space<vmem>>, vector<2000x64xf32>,
    return
  }
  func.func @transform_0(%arg0: i32) -> (i32, i32) {
    %c0_i32 = arith.constant 0 : i32
    %c0_i32_0 = arith.constant 0 : i32
    return %arg0, %c0_i32 : i32, i32
  }
  func.func @transform_1(%arg0: i32) -> (i32, i32) {
    %c0_i32 = arith.constant 0 : i32
    %c0_i32_0 = arith.constant 0 : i32
    return %arg0, %c0_i32 : i32, i32
  }
  func.func @transform_2(%arg0: i32) -> (i32, i32) {
    %c0_i32 = arith.constant 0 : i32
    %c0_i32_0 = arith.constant 0 : i32
    return %arg0, %c0_i32 : i32, i32
  }
  func.func @transform_3(%arg0: i32) -> (i32, i32) {
    %c0_i32 = arith.constant 0 : i32
    %c0_i32_0 = arith.constant 0 : i32
    return %arg0, %c0_i32 : i32, i32
  }
  func.func @transform_4(%arg0: i32) -> (i32, i32) {
    %c0_i32 = arith.constant 0 : i32
    %c0_i32_0 = arith.constant 0 : i32
    %c0_i32_1 = arith.constant 0 : i32
    return %c0_i32, %c0_i32_0 : i32, i32
  }
  func.func @transform_5(%arg0: i32) -> (i32, i32) {
    %c0_i32 = arith.constant 0 : i32
    %c0_i32_0 = arith.constant 0 : i32
    %c0_i32_1 = arith.constant 0 : i32
    return %c0_i32, %c0_i32_0 : i32, i32
  }
  func.func @transform_6(%arg0: i32) -> (i32, i32) {
    %c0_i32 = arith.constant 0 : i32
    %c0_i32_0 = arith.constant 0 : i32
    return %arg0, %c0_i32 : i32, i32
  }
}

module attributes {stable_mosaic.version = 14 : i64} {
  func.func @_tc3_body(%arg0: i32, %arg1: memref<2000x64xf32, #tpu.memory_space<vmem>>, %arg2: memref<2000x64xf32, #tpu.memory_space<vmem>>, %arg3: memref<2000x64xf32, #tpu.memory_space<vmem>>, %arg4: memref<2000x1xf32, #tpu.memory_space<vmem>>, %arg5: memref<1x64xf32, #tpu.memory_space<vmem>>, %arg6: memref<1x1x2000xf32, #tpu.memory_space<vmem>>, %arg7: memref<64x20xf32, #tpu.memory_space<vmem>>, %arg8: memref<1x20xf32, #tpu.memory_space<vmem>>, %arg9: memref<64x20xf32, #tpu.memory_space<vmem>>, %arg10: memref<64x65xf32, #tpu.memory_space<vmem>>) attributes {dimension_semantics = [#tpu.dimension_semantics<arbitrary>], iteration_bounds = array<i64: 5>, scalar_prefetch = 0 : i64, scratch_operands = 1 : i64, tpu.core_type = #tpu.core_type<tc>, window_params = [{transform_indices = @transform_0, window_bounds = array<i64: 2000, 64>}, {transform_indices = @transform_1, window_bounds = array<i64: 2000, 64>}, {transform_indices = @transform_2, window_bounds = array<i64: 2000, 64>}, {transform_indices = @transform_3, window_bounds = array<i64: 2000, 1>}, {pipeline_mode = #tpu.pipeline_mode<synchronous>, transform_indices = @transform_4, window_bounds = array<i64: 1, 64>}, {transform_indices = @transform_5, window_bounds = array<i64: 1, 1, 2000>}, {pipeline_mode = #tpu.pipeline_mode<synchronous>, transform_indices = @transform_6, window_bounds = array<i64: 64, 20>}, {pipeline_mode = #tpu.pipeline_mode<synchronous>, transform_indices = @transform_7, window_bounds = array<i64: 1, 20>}, {pipeline_mode = #tpu.pipeline_mode<synchronous>, transform_indices = @transform_8, window_bounds = array<i64: 64, 20>}]} {
    %eq3A = arith.constant 0 : i32
    %eq3A_0 = arith.cmpi eq, %arg0, %eq3A : i32
    %convert_element_type3A = arith.extui %eq3A_0 : i1 to i32
    %cond3A = arith.constant 0 : i32
    %cond3A_1 = arith.cmpi ne, %convert_element_type3A, %cond3A : i32
    scf.if %cond3A_1 {
      %broadcast_in_dim3A_46 = arith.constant 0.000000e+00 : f32
      %broadcast_in_dim3A_47 = vector.broadcast %broadcast_in_dim3A_46 : f32 to vector<64x65xf32>
      %swap3A_48 = arith.constant 0 : index
      %swap3A_49 = arith.constant 0 : index
      %swap3A_50 = vector.load %arg10[%swap3A_48, %swap3A_49] : memref<64x65xf32, #tpu.memory_space<vmem>>, vector<64x65xf32>
      tpu.vector_store %arg10[%swap3A_48, %swap3A_49], %broadcast_in_dim3A_47 {strides = array<i32>} : memref<64x65xf32, #tpu.memory_space<vmem>>, vector<64x65xf32>,
    } else {
    }
    %get3A = arith.constant 0 : index
    %get3A_2 = arith.constant 0 : index
    %get3A_3 = vector.load %arg4[%get3A, %get3A_2] : memref<2000x1xf32, #tpu.memory_space<vmem>>, vector<2000x1xf32>
    %get3A_4 = arith.constant 0 : index
    %get3A_5 = arith.constant 0 : index
    %get3A_6 = vector.load %arg1[%get3A_4, %get3A_5] : memref<2000x64xf32, #tpu.memory_space<vmem>>, vector<2000x64xf32>
    %get3A_7 = arith.constant 0 : index
    %get3A_8 = arith.constant 0 : index
    %get3A_9 = vector.load %arg2[%get3A_7, %get3A_8] : memref<2000x64xf32, #tpu.memory_space<vmem>>, vector<2000x64xf32>
    %add3A = arith.addf %get3A_6, %get3A_9 : vector<2000x64xf32>
    %get3A_10 = arith.constant 0 : index
    %get3A_11 = arith.constant 0 : index
    %get3A_12 = vector.load %arg3[%get3A_10, %get3A_11] : memref<2000x64xf32, #tpu.memory_space<vmem>>, vector<2000x64xf32>
    %add3A_13 = arith.addf %add3A, %get3A_12 : vector<2000x64xf32>
    %mul3A = vector.broadcast %get3A_3 : vector<2000x1xf32> to vector<2000x64xf32>
    %mul3A_14 = arith.mulf %mul3A, %add3A_13 : vector<2000x64xf32>
    %get3A_15 = arith.constant 0 : index
    %get3A_16 = arith.constant 0 : index
    %get3A_17 = vector.load %arg5[%get3A_15, %get3A_16] : memref<1x64xf32, #tpu.memory_space<vmem>>, vector<1x64xf32>
    %add3A_18 = vector.broadcast %get3A_17 : vector<1x64xf32> to vector<2000x64xf32>
    %add3A_19 = arith.addf %mul3A_14, %add3A_18 : vector<2000x64xf32>
    %max3A = arith.constant 0.000000e+00 : f32
    %max3A_20 = vector.broadcast %max3A : f32 to vector<2000x64xf32>
    %max3A_21 = arith.maximumf %add3A_19, %max3A_20 : vector<2000x64xf32>
    %broadcast_in_dim3A = arith.constant 1.000000e+00 : f32
    %broadcast_in_dim3A_22 = vector.broadcast %broadcast_in_dim3A : f32 to vector<2000x1xf32>
    %concatenate3A = tpu.concatenate %max3A_21, %broadcast_in_dim3A_22 in 1 : vector<2000x64xf32>, vector<2000x1xf32> -> vector<2000x65xf32>
    %iota3A = tpu.iota {dimensions = array<i32: 0>} : vector<64x1xi32>
    %convert_element_type3A_23 = arith.sitofp %iota3A : vector<64x1xi32> to vector<64x1xf32>
    %get3A_24 = arith.constant 0 : index
    %get3A_25 = arith.constant 0 : index
    %get3A_26 = arith.constant 0 : index
    %get3A_27 = vector.load %arg6[%get3A_24, %get3A_25, %get3A_26] : memref<1x1x2000xf32, #tpu.memory_space<vmem>>, vector<1x1x2000xf32>
    %get3A_28 = vector.shape_cast %get3A_27 : vector<1x1x2000xf32> to vector<1x2000xf32>
    %eq3A_29 = vector.broadcast %convert_element_type3A_23 : vector<64x1xf32> to vector<64x2000xf32>
    %eq3A_30 = vector.broadcast %get3A_28 : vector<1x2000xf32> to vector<64x2000xf32>
    %eq3A_31 = arith.cmpf oeq, %eq3A_29, %eq3A_30 : vector<64x2000xf32>
    %convert_element_type3A_32 = arith.extui %eq3A_31 : vector<64x2000xi1> to vector<64x2000xi32>
    %convert_element_type3A_33 = arith.sitofp %convert_element_type3A_32 : vector<64x2000xi32> to vector<64x2000xf32>
    %get3A_34 = arith.constant 0 : index
    %get3A_35 = arith.constant 0 : index
    %get3A_36 = vector.load %arg10[%get3A_34, %get3A_35] : memref<64x65xf32, #tpu.memory_space<vmem>>, vector<64x65xf32>
    %dot_general3A = arith.constant dense<0.000000e+00> : vector<64x65xf32>
    %dot_general3A_37 = tpu.matmul %convert_element_type3A_33, %concatenate3A, %dot_general3A {dimension_numbers = #tpu.dot_dimension_numbers<[1], [0], [0], [1], [0, 0, 1, 1], [], []>, transpose_lhs_hint = false} : vector<64x2000xf32>, vector<2000x65xf32>, vector<64x65xf32> -> vector<64x65xf32>
    %add3A_38 = arith.addf %get3A_36, %dot_general3A_37 : vector<64x65xf32>
    %swap3A = arith.constant 0 : index
    %swap3A_39 = arith.constant 0 : index
    %swap3A_40 = vector.load %arg10[%swap3A, %swap3A_39] : memref<64x65xf32, #tpu.memory_space<vmem>>, vector<64x65xf32>
    tpu.vector_store %arg10[%swap3A, %swap3A_39], %add3A_38 {strides = array<i32>} : memref<64x65xf32, #tpu.memory_space<vmem>>, vector<64x65xf32>,
    %eq3A_41 = arith.constant 4 : i32
    %eq3A_42 = arith.cmpi eq, %arg0, %eq3A_41 : i32
    %convert_element_type3A_43 = arith.extui %eq3A_42 : i1 to i32
    %cond3A_44 = arith.constant 0 : i32
    %cond3A_45 = arith.cmpi ne, %convert_element_type3A_43, %cond3A_44 : i32
    scf.if %cond3A_45 {
      %get3A_46 = arith.constant 0 : index
      %get3A_47 = arith.constant 0 : index
      %get3A_48 = vector.load %arg10[%get3A_46, %get3A_47] : memref<64x65xf32, #tpu.memory_space<vmem>>, vector<64x64xf32>
      %get3A_49 = arith.constant 0 : index
      %get3A_50 = arith.constant 64 : index
      %get3A_51 = vector.load %arg10[%get3A_49, %get3A_50] : memref<64x65xf32, #tpu.memory_space<vmem>>, vector<64x1xf32>
      %max3A_52 = arith.constant 1.000000e+00 : f32
      %max3A_53 = vector.broadcast %max3A_52 : f32 to vector<64x1xf32>
      %max3A_54 = arith.maximumf %get3A_51, %max3A_53 : vector<64x1xf32>
      %div3A = vector.broadcast %max3A_54 : vector<64x1xf32> to vector<64x64xf32>
      %div3A_55 = arith.divf %get3A_48, %div3A : vector<64x64xf32>
      %get3A_56 = arith.constant 0 : index
      %get3A_57 = arith.constant 0 : index
      %get3A_58 = vector.load %arg7[%get3A_56, %get3A_57] : memref<64x20xf32, #tpu.memory_space<vmem>>, vector<64x20xf32>
      %dot_general3A_59 = arith.constant dense<0.000000e+00> : vector<64x20xf32>
      %dot_general3A_60 = tpu.matmul %div3A_55, %get3A_58, %dot_general3A_59 {dimension_numbers = #tpu.dot_dimension_numbers<[1], [0], [0], [1], [0, 0, 1, 1], [], []>, transpose_lhs_hint = false} : vector<64x64xf32>, vector<64x20xf32>, vector<64x20xf32> -> vector<64x20xf32>
      %get3A_61 = arith.constant 0 : index
      %get3A_62 = arith.constant 0 : index
      %get3A_63 = vector.load %arg8[%get3A_61, %get3A_62] : memref<1x20xf32, #tpu.memory_space<vmem>>, vector<1x20xf32>
      %add3A_64 = vector.broadcast %get3A_63 : vector<1x20xf32> to vector<64x20xf32>
      %add3A_65 = arith.addf %dot_general3A_60, %add3A_64 : vector<64x20xf32>
      %reduce_max3A = arith.constant dense<0xFF800000> : vector<64xf32>
      %reduce_max3A_66 = vector.multi_reduction <maximumf>, %add3A_65, %reduce_max3A [1] : vector<64x20xf32> to vector<64xf32>
      %broadcast_in_dim3A_67 = vector.shape_cast %reduce_max3A_66 : vector<64xf32> to vector<64x1xf32>
      %sub3A = vector.broadcast %broadcast_in_dim3A_67 : vector<64x1xf32> to vector<64x20xf32>
      %sub3A_68 = arith.subf %add3A_65, %sub3A : vector<64x20xf32>
      %exp3A = math.exp %sub3A_68 : vector<64x20xf32>
      %reduce_sum3A = arith.constant dense<0.000000e+00> : vector<64xf32>
      %reduce_sum3A_69 = vector.multi_reduction <add>, %exp3A, %reduce_sum3A [1] : vector<64x20xf32> to vector<64xf32>
      %broadcast_in_dim3A_70 = vector.shape_cast %reduce_sum3A_69 : vector<64xf32> to vector<64x1xf32>
      %log3A = math.log %broadcast_in_dim3A_70 : vector<64x1xf32>
      %add3A_71 = arith.addf %log3A, %broadcast_in_dim3A_67 : vector<64x1xf32>
      %sub3A_72 = vector.broadcast %add3A_71 : vector<64x1xf32> to vector<64x20xf32>
      %sub3A_73 = arith.subf %add3A_65, %sub3A_72 : vector<64x20xf32>
      %swap3A_74 = arith.constant 0 : index
      %swap3A_75 = arith.constant 0 : index
      %swap3A_76 = vector.load %arg9[%swap3A_74, %swap3A_75] : memref<64x20xf32, #tpu.memory_space<vmem>>, vector<64x20xf32>
      tpu.vector_store %arg9[%swap3A_74, %swap3A_75], %sub3A_73 {strides = array<i32>} : memref<64x20xf32, #tpu.memory_space<vmem>>, vector<64x20xf32>,
    } else {
    }
    return
  }
  func.func @transform_0(%arg0: i32) -> (i32, i32) {
    %c0_i32 = arith.constant 0 : i32
    %c0_i32_0 = arith.constant 0 : i32
    return %arg0, %c0_i32 : i32, i32
  }
  func.func @transform_1(%arg0: i32) -> (i32, i32) {
    %c0_i32 = arith.constant 0 : i32
    %c0_i32_0 = arith.constant 0 : i32
    return %arg0, %c0_i32 : i32, i32
  }
  func.func @transform_2(%arg0: i32) -> (i32, i32) {
    %c0_i32 = arith.constant 0 : i32
    %c0_i32_0 = arith.constant 0 : i32
    return %arg0, %c0_i32 : i32, i32
  }
  func.func @transform_3(%arg0: i32) -> (i32, i32) {
    %c0_i32 = arith.constant 0 : i32
    %c0_i32_0 = arith.constant 0 : i32
    return %arg0, %c0_i32 : i32, i32
  }
  func.func @transform_4(%arg0: i32) -> (i32, i32) {
    %c0_i32 = arith.constant 0 : i32
    %c0_i32_0 = arith.constant 0 : i32
    %c0_i32_1 = arith.constant 0 : i32
    return %c0_i32, %c0_i32_0 : i32, i32
  }
  func.func @transform_5(%arg0: i32) -> (i32, i32, i32) {
    %c0_i32 = arith.constant 0 : i32
    %c0_i32_0 = arith.constant 0 : i32
    %c0_i32_1 = arith.constant 0 : i32
    return %arg0, %c0_i32, %c0_i32_0 : i32, i32, i32
  }
  func.func @transform_6(%arg0: i32) -> (i32, i32) {
    %c0_i32 = arith.constant 0 : i32
    %c0_i32_0 = arith.constant 0 : i32
    %c0_i32_1 = arith.constant 0 : i32
    return %c0_i32, %c0_i32_0 : i32, i32
  }
  func.func @transform_7(%arg0: i32) -> (i32, i32) {
    %c0_i32 = arith.constant 0 : i32
    %c0_i32_0 = arith.constant 0 : i32
    %c0_i32_1 = arith.constant 0 : i32
    return %c0_i32, %c0_i32_0 : i32, i32
  }
  func.func @transform_8(%arg0: i32) -> (i32, i32) {
    %c0_i32 = arith.constant 0 : i32
    %c0_i32_0 = arith.constant 0 : i32
    %c0_i32_1 = arith.constant 0 : i32
    return %c0_i32, %c0_i32_0 : i32, i32
  }
}

</mosaic_0001>

<sc_bundles>
// kernel: kernel.11.cloned.1.call-start
scs
__scs_entry_jumppad:
0x0: {  	(pc) =	sbr.rel $0x88, $3  }
0x1: {  	(tag) =	ssettag $0x0;
	lr =	simm.s32 $0x1  }
0x2: {  	[smem:$0x3F98] =	sst lr;
	_ =	strace $0xD0000000  }
0x3: {  	_ = 	snop  }
0x4: {  	_ = 	snop  }
0x5: {  	_ = 	snop  }
0x6: {  	_ = 	snop  }
0x7: {  	_ = 	snop  }
__scs_overlays_trampoline_lowered:
0x8: {  	[smem:$0x3FA7] =	sst s0  }
0x9: {  	[smem:$0x3FA8] =	sst s1  }
0xa: {  	[smem:$0x3FA9] =	sst s2  }
0xb: {  	[smem:$0x3FAA] =	sst s3  }
0xc: {  	[smem:$0x3FAB] =	sst s4  }
0xd: {  	[smem:$0x3FAC] =	sst s5  }
0xe: {  	[smem:$0x3FAD] =	sst s6  }
0xf: {  	[smem:$0x3FAE] =	sst s7  }
0x10: {  	[smem:$0x3FAF] =	sst s8  }
0x11: {  	[smem:$0x3FB0] =	sst s9;
	s0 =	simm.s32 @!p0 $0x0  }
0x12: {  	s1 =	sld [smem:$0x3F96];
	s0 =	simm.s32 @p0 $0x1  }
0x13: {  	[smem:$0x3FB1] =	sst s0;
	s0 =	simm.s32 @!p1 $0x0  }
0x14: {  	s2 =	sld [smem:$0x3F95];
	s0 =	simm.s32 @p1 $0x1  }
0x15: {  	[smem:$0x3FB2] =	sst s0;
	s0 =	simm.s32 @!p2 $0x0  }
0x16: {  	s3 =	sld [smem:$0x3FDB];
	s0 =	simm.s32 @p2 $0x1  }
0x17: {  	s4 =	simm.s32 $0x1BF5;
	[smem:$0x3FB4] =	sst s0  }
0x18: {  	s0 =	sld [smem:$0x3F97];
	_ =	swait.ge [sflag:s4], $0x0  }
0x19: {  	s7 =	sld [smem:$0x3F98]  }
0x1a: {  	s8 =	sadd.s32 $0xFFFFE003, lr  }
0x1b: {  	s9 =	sadd.s32 $0xFFFFFEF7, lr;
	s5 =	simm.s32 $0xFFFFFFFF;
	p2 =	slt.u32 s8, $0xFFFFF086  }
0x1c: {  	p1 =	slt.u32 s9, $0xF7A;
	s5 =	simm.s32 @!p2 $0x0  }
0x1d: {  	s5 =	simm.s32 @p1 $0x1;
	p0 =	seq.s32 s7, s2  }
0x1e: {  	s7 =	smul.u32 @!p0 $0xF7A, s2;
	p2 =	seq.s32 @!p0 s5, $0x0  }
0x1f: {  	s9 =	smul.u32 $0xF7A, s1;
	s8 =	simm.s32 @!p0 $0x1BF5;
	p2 =	por !p2, p0  }
0x20: {  	[sflag:s8] =	ssyncset.s32 @!p0 $0xFFFFF086;
	s6 =	sadd.s32 @!p0 s3, s7;
	s7 =	simm.s32 @!p0 $0x108  }
0x21: {  	s3 =	sadd.s32 s3, s9;
	s6 =	sadd.s32 @!p0 $0x88, s6;
	s7 =	simm.s32 @p2 $0x1082  }
0x22: {  	[simem:s7], [sflag:s8] =	dma.local @!p0 [hbm:s6], $0xF7A  }
0x23: {  	s9 =	sor.u32 $0xD0000000, s2;
	s6 =	simm.s32 $0x108;
	_ =	swait.ge @!p0 [sflag:s8], $0x0  }
0x24: {  	s3 =	sadd.s32 $0x88, s3;
	s6 =	simm.s32 @!p1 $0x1082;
	[sflag:s4] =	ssyncset.s32 $0xFFFFF086  }
0x25: {  	[simem:s6], [sflag:s4] =	dma.local [hbm:s3], $0xF7A  }
0x26: {  	[smem:$0x3F98] =	sst s1;
	(tag) =	ssettag s2;
	_ =	strace s9  }
0x27: {  	s1 =	sld [smem:$0x3FA8]  }
0x28: {  	s2 =	sld [smem:$0x3FA9]  }
0x29: {  	s4 =	sld [smem:$0x3FAB]  }
0x2a: {  	p0 =	seq.s32 s5, $0x0;
	s5 =	sld [smem:$0x3FAC]  }
0x2b: {  	s6 =	sld [smem:$0x3FAD]  }
0x2c: {  	s7 =	sld [smem:$0x3FAE]  }
0x2d: {  	s3 =	simm.s32 $0x108;
	s8 =	sld [smem:$0x3FAF]  }
0x2e: {  	s3 =	simm.s32 @!p0 $0x1082;
	s9 =	sld [smem:$0x3FB0]  }
0x2f: {  	lr =	sadd.s32 s0, s3;
	s0 =	sld [smem:$0x3FA7]  }
0x30: {  	s3 =	sld [smem:$0x3FAA]  }
0x31: {  	[smem:$0x3FB3] =	sst s10  }
0x32: {  	s10 =	sld [smem:$0x3FB1];
	_ =	sdelay $0x3  }
0x33: {  	p0 =	seq.s32 s10, $0x1;
	s10 =	sld [smem:$0x3FB3];
	_ =	sdelay $0x3  }
0x34: {  	[smem:$0x3FB3] =	sst s10  }
0x35: {  	s10 =	sld [smem:$0x3FB2];
	_ =	sdelay $0x3  }
0x36: {  	p1 =	seq.s32 s10, $0x1;
	s10 =	sld [smem:$0x3FB3];
	_ =	sdelay $0x3  }
0x37: {  	[smem:$0x3FB3] =	sst s10  }
0x38: {  	s10 =	sld [smem:$0x3FB4]  }
0x39: {  	_ = 	snop;
	(pc) =	sbr.ind lr, $3  }
0x3a: {  	_ = 	snop  }
0x3b: {  	_ = 	snop  }
0x3c: {  	p2 =	seq.s32 s10, $0x1;
	s10 =	sld [smem:$0x3FB3]  }
0x3d: {  	_ =	shalt  }
0x3e: {  	_ =	shalt  }
0x3f: {  	_ =	shalt  }
0x40: {  	_ =	shalt  }
0x41: {  	_ =	shalt  }
0x42: {  	_ =	shalt  }
0x43: {  	_ =	shalt  }
0x44: {  	_ =	shalt  }
0x45: {  	_ =	shalt  }
0x46: {  	_ =	shalt  }
0x47: {  	_ =	shalt  }
0x48: {  	_ =	shalt  }
0x49: {  	_ =	shalt  }
0x4a: {  	_ =	shalt  }
0x4b: {  	_ =	shalt  }
0x4c: {  	_ =	shalt  }
0x4d: {  	_ =	shalt  }
0x4e: {  	_ =	shalt  }
0x4f: {  	_ =	shalt  }
0x50: {  	_ =	shalt  }
0x51: {  	_ =	shalt  }
0x52: {  	_ =	shalt  }
0x53: {  	_ =	shalt  }
0x54: {  	_ =	shalt  }
0x55: {  	_ =	shalt  }
0x56: {  	_ =	shalt  }
0x57: {  	_ =	shalt  }
0x58: {  	_ =	shalt  }
0x59: {  	_ =	shalt  }
0x5a: {  	_ =	shalt  }
0x5b: {  	_ =	shalt  }
0x5c: {  	_ =	shalt  }
0x5d: {  	_ =	shalt  }
0x5e: {  	_ =	shalt  }
0x5f: {  	_ =	shalt  }
0x60: {  	_ =	shalt  }
0x61: {  	_ =	shalt  }
0x62: {  	_ =	shalt  }
0x63: {  	_ =	shalt  }
0x64: {  	_ =	shalt  }
0x65: {  	_ =	shalt  }
0x66: {  	_ =	shalt  }
0x67: {  	_ =	shalt  }
0x68: {  	_ =	shalt  }
0x69: {  	_ =	shalt  }
0x6a: {  	_ =	shalt  }
0x6b: {  	_ =	shalt  }
0x6c: {  	_ =	shalt  }
0x6d: {  	_ =	shalt  }
0x6e: {  	_ =	shalt  }
0x6f: {  	_ =	shalt  }
0x70: {  	_ =	shalt  }
0x71: {  	_ =	shalt  }
0x72: {  	_ =	shalt  }
0x73: {  	_ =	shalt  }
0x74: {  	_ =	shalt  }
0x75: {  	_ =	shalt  }
0x76: {  	_ =	shalt  }
0x77: {  	_ =	shalt  }
0x78: {  	_ =	shalt  }
0x79: {  	_ =	shalt  }
0x7a: {  	_ =	shalt  }
0x7b: {  	_ =	shalt  }
0x7c: {  	_ =	shalt  }
0x7d: {  	_ =	shalt  }
0x7e: {  	_ =	shalt  }
0x7f: {  	_ =	shalt  }
0x80: {  	_ =	shalt  }
0x81: {  	_ =	shalt  }
0x82: {  	_ =	shalt  }
0x83: {  	_ =	shalt  }
0x84: {  	_ =	shalt  }
0x85: {  	_ =	shalt  }
0x86: {  	_ =	shalt  }
0x87: {  	_ =	shalt  }
.Lfunc_end0:
.L_simem_size_0:
called_computation.1_lowered:
.L_overlay_start_0:
0x88: {  	s2 =	sld [smem:$0x3FD9]  }
0x89: {  	s3 =	sld [smem:$0x3FFE];
	_ =	sdelay $0x1  }
0x8a: {  	s1 =	srdreg.scid  }
0x8b: {  	s0 =	sand.u32 $0x1, s1  }
0x8c: {  	s16 =	sshll.u32 s0, $0xA;
	s2 =	sadd.s32 s3, s2  }
0x8d: {  	s2 =	sadd.s32 s2, s16  }
0x8e: {  	[smem:$0x3FBF] =	sst s2  }
0x8f: {  	_ = 	snop  }
0x90: {  	(tm) =	ssettm $0x1  }
0x91: {  	s17 =	sld [smem:$0x3FFB];
	_ =	sdelay $0x3  }
0x92: {  	_ =	strace s17  }
0x93: {  	s2 =	sld [smem:$0x3FFC];
	_ =	sdelay $0x3  }
0x94: {  	_ =	strace s2  }
0x95: {  	s2 =	sld [smem:$0x3FFD];
	_ =	sdelay $0x3  }
0x96: {  	_ =	strace s2  }
0x97: {  	_ =	strace $0x8FFFFFFF  }
0x98: {  	s18 =	sld [smem:$0x3FDB];
	_ =	sdelay $0x1  }
0x99: {  	s19 =	simm.s32 $_scs_section_size  }
0x9a: {  	s4 =	simm.s32 $_size__tile_overlayer_lowered;
	s5 =	simm.s32 $_tile_overlayer_lowered  }
0x9b: {  	s22 =	simm.s32 $0x1BFF;
	s21 =	sshll.u32 s5, $0x1;
	s2 =	sadd.s32 s19, s18  }
0x9c: {  	s6 =	simm.s32 $0x0;
	s20 =	sshll.u32 s4, $0x1;
	s4 =	sadd.s32 s21, s2  }
0x9d: {  	[timem:s6], [sflag:s22] =	dma.local [hbm:s4], s20  }
0x9e: {  	_ =	swait.ge [sflag:s22], s20  }
0x9f: {  	s3 =	ssub.s32 $0x0, s20;
	[sflag:s22] =	ssyncset.done $0x0  }
0xa0: {  	[sflag:s22] =	ssyncadd.s32 s3;
	_ =	sdelay $0x1  }
0xa1: {  	s23 =	simm.s32 $0x1B8B  }
0xa2: {  	_ =	swait.ge [sflag:s23], $0x1  }
0xa3: {  	[sflag:s23] =	ssyncset.done $0x0  }
0xa4: {  	s25 =	simm.s32 $0x1B8E;
	s24 =	sld [smem:$0x3FFE];
	[sflag:s23] =	ssyncadd.s32 $0xFFFFFFFF  }
0xa5: {  	s26 =	simm.s32 $execute0_lowered;
	[smem:$0x3FD2] =	sst s25  }
0xa6: {  	s4 =	sshll.u32 s26, $0x1;
	_ =	strace $0x80000049;
	[dreg:$0x1] =	wrdreg $0xFFFFFFFF  }
0xa7: {  	s28 =	simm.s32 $_size_execute0_lowered;
	s2 =	sadd.s32 s2, s4;
	[dreg:$0x0] =	wrdreg $0x0  }
0xa8: {  	s4 =	sshll.u32 s28, $0x1;
	[dreg:$0x2] =	wrdreg s2  }
0xa9: {  	[dreg:$0x3] =	wrdreg s4  }
0xaa: {  	[dreg:$0x4] =	wrdreg $0xC0  }
0xab: {  	_ =	task [dreg:s6], $0x5FFFF  }
0xac: {  	[dreg:$0x1] =	wrdreg $0xFFFFFFFF  }
0xad: {  	[dreg:$0x0] =	wrdreg $0x60  }
0xae: {  	[dreg:$0x2] =	wrdreg s24  }
0xaf: {  	[dreg:$0x3] =	wrdreg $0xF0000  }
0xb0: {  	[dreg:$0x4] =	wrdreg $0x9  }
0xb1: {  	_ =	task.clear_ibuf [dreg:s6], $0x5FFFF;
	_ =	strace $0x90000049  }
0xb2: {  	s29 =	simm.s32 $0x9;
	_ =	strace $0x8000004B  }
0xb3: {  	_ =	swait.ge [sflag:s29], $0x1  }
0xb4: {  	[sflag:s29] =	ssyncadd.s32 $0xFFFFFFFF  }
0xb5: {  	_ =	strace $0x9000004B  }
0xb6: {  	_ =	sfence  }
0xb7: {  	s30 =	sld [smem:$0x0];
	_ =	sdelay $0x2  }
0xb8: {  	s31 =	sshll.u32 s1, $0xD;
	s1 =	sshrl.u32 s1, $0x2  }
0xb9: {  	s3 =	sand.u32 $0x4000, s31;
	s1 =	sadd.s32 s1, s30  }
0xba: {  	s0 =	sor.u32 s3, s0;
	s1 =	sshll.u32 s1, $0x11  }
0xbb: {  	s0 =	sor.u32 s1, s0  }
0xbc: {  	s0 =	sadd.s32 $0x8F2B, s0  }
0xbd: {  	[sflag:s0] =	ssyncadd.remote.s32 $0x1  }
0xbe: {  	_ =	sfence.sel $0xFFFF  }
0xbf: {  	[dreg:$0x0] =	wrdreg $0xFFFFFFFF;
	(pc) =	sbr.abs _section_cstart, $3  }
0xc0: {  	[dreg:$0x1] =	wrdreg $0xFFFFFFFF  }
0xc1: {  	_ =	task.clear_ibuf [dreg:s6], $0x2FFFF;
	_ =	strace $0x9FFFFFFF  }
0xc2: {  	(tm) =	ssettm $0x7FFFFFFF  }
0xc3: {  	_ =	shalt  }
tec
execute0_lowered:
.L_overlay_start_1:
0x0: {  	(tag) =	ssettag $0x1  }
0x1: {  	s0 =	srdreg.scid;
	s3 =	rddreg [dreg:$0x0]  }
0x2: {  	s8 =	stileid.u32;
	s2 =	rddreg [dreg:$0x1];
	s4 =	simm.s32 $0x0  }
0x3: {  	s16 =	simm.s32 $0x5000;
	s17 =	simm.s32 $0xB;
	s18 =	simm.s32 $0x80  }
0x4: {  	s28 =	simm.s32 $0x5;
	s29 =	simm.s32 $0x6;
	s30 =	simm.s32 $0x7  }
0x5: {  	s31 =	simm.s32 $0x8;
	s0 =	sand.u32 $0x1, s0;
	s6 =	smul.u32 $0x9E00, s8  }
0x6: {  	[smem:$0x7FF] =	sst s4;
	s4 =	sadd.s32 $0x3DA00, s3;
	s12 =	sadd.s32 $0xC700, s3  }
0x7: {  	s13 =	sadd.s32 $0x16500, s3;
	s1 =	sshll.u32 s0, $0x4;
	s7 =	smul.u32 $0x9E000, s0  }
0x8: {  	s0 =	ssub.s32 $0x2, s0;
	s1 =	sor.u32 s8, s1;
	s8 =	smul.u32 $0x27800, s8  }
0x9: {  	_ =	strace $0x8000004A;
	s20 =	sshrl.u32 s0, $0x1;
	s5 =	smul.u32 $0x500, s1  }
0xa: {  	s19 =	sadd.s32 s6, s7;
	s0 =	ssub.s32 s0, s20;
	p0 =	seq.s32 s1, $0x1F  }
0xb: {  	s20 =	simm.s32 $0x9000;
	s1 =	simm.s32 $0x9;
	s8 =	sshrl.u32 s8, $0x2  }
0xc: {  	s15 =	smax.u32 s0, $0x1;
	s0 =	simm.s32 $0xA;
	s21 =	sadd.s32 s8, s2  }
0xd: {  	s9 =	sadd.s32 s5, s3;
	s5 =	sshrl.u32 s19, $0x3;
	s22 =	sadd.s32 $0x2000, s21  }
0xe: {  	s19 =	simm.s32 $0x7000;
	s23 =	sadd.s32 $0x4000, s21;
	[dreg:$0x3] =	wrdreg s22  }
0xf: {  	s14 =	sadd.s32 s5, s3;
	s24 =	sadd.s32 $0x6000, s21;
	[dreg:$0x4] =	wrdreg s23  }
0x10: {  	s5 =	sadd.s32 s6, s2;
	s25 =	sadd.s32 $0x8000, s21;
	[dreg:$0x5] =	wrdreg s24  }
0x11: {  	s26 =	sadd.s32 $0x2C00, s9;
	s11 =	sadd.s32 $0xCA00, s9;
	[dreg:$0x6] =	wrdreg s25  }
0x12: {  	s21 =	simm.s32 $0xB000;
	s3 =	simm.s32 $0x0;
	[dreg:$0x7] =	wrdreg s26  }
0x13: {  	s14 =	sadd.s32 $0x51400, s14;
	s22 =	simm.s32 $0xD000;
	s23 =	simm.s32 $0x1  }
0x14: {  	v0 =	vimm.f32 $0.0e+00;
	s24 =	simm.s32 $0x2;
	s25 =	simm.s32 $0x3;
	s26 =	simm.s32 $0x4  }
.LBB2_1:
0x15: {  	s7 =	simm.s32 $0x0  }
0x16: {  	s6 =	sand.u32 $0x7F00, s7  }
0x17: {  	s7 =	sand.u32 $0x30, s7;
	s8 =	sshrl.u32 s6, $0x2  }
0x18: {  	s6 =	simm.s32 $0x40;
	s8 =	sor.u32 s7, s8;
	s7 =	simm.s32 $0x0  }
.LBB2_2:
0x19: {  	p1 =	sne.s32 s6, $0x7FC0  }
0x1a: {  	[tilespmem:s8+$0x5000] =	vst v0;
	s7 =	sadd.s32 $0x10, s7;
	s8 =	smov.u32 s6;
	s6 =	sadd.s32 $0x40, s6  }
.Ltmp0:
0x1b: {  	(pc) =	sbr.rel @p1 .LBB2_2-.Ltmp0, $4  }
0x1c: {  	_ = 	snop  }
0x1d: {  	s8 =	sand.u32 $0x7F00, s8  }
0x1e: {  	s9 =	sand.u32 $0x30, s7;
	s8 =	sshrl.u32 s8, $0x2  }
0x1f: {  	s8 =	sor.u32 s9, s8  }
0x20: {  	[tilespmem:s8+$0x5000] =	vst v0  }
0x21: {  	[spmem:s5] =	stream.linear.scatter [tilespmem:s16], [sflag:$0xB], $0x2000, $0x38;
	[tilespmem:$0x18E00] =	vst v63  }
0x22: {  	_ =	swait.ge [sflag:s17], $0x2000  }
0x23: {  	[sflag:s17] =	ssyncset.done $0x0  }
0x24: {  	s6 =	rddreg [dreg:$0x3];
	[sflag:s17] =	ssyncadd.s32 $0xFFFFE000  }
0x25: {  	[spmem:s6] =	stream.linear.scatter [tilespmem:s16], [sflag:$0xB], $0x2000, $0x38;
	[tilespmem:$0x18E00] =	vst v63  }
0x26: {  	_ =	swait.ge [sflag:s17], $0x2000  }
0x27: {  	[sflag:s17] =	ssyncset.done $0x0  }
0x28: {  	s8 =	rddreg [dreg:$0x4];
	[sflag:s17] =	ssyncadd.s32 $0xFFFFE000  }
0x29: {  	[spmem:s8] =	stream.linear.scatter [tilespmem:s16], [sflag:$0xB], $0x2000, $0x38;
	[tilespmem:$0x18E00] =	vst v63  }
0x2a: {  	_ =	swait.ge [sflag:s17], $0x2000  }
0x2b: {  	[sflag:s17] =	ssyncset.done $0x0  }
0x2c: {  	s9 =	rddreg [dreg:$0x5];
	[sflag:s17] =	ssyncadd.s32 $0xFFFFE000  }
0x2d: {  	[spmem:s9] =	stream.linear.scatter [tilespmem:s16], [sflag:$0xB], $0x2000, $0x38;
	[tilespmem:$0x18E00] =	vst v63  }
0x2e: {  	_ =	swait.ge [sflag:s17], $0x2000  }
0x2f: {  	[sflag:s17] =	ssyncset.done $0x0  }
0x30: {  	s10 =	rddreg [dreg:$0x6];
	[sflag:s17] =	ssyncadd.s32 $0xFFFFE000  }
0x31: {  	[spmem:s10] =	stream.linear.scatter [tilespmem:s16], [sflag:$0xB], $0x1E00, $0x38;
	[tilespmem:$0x18E00] =	vst v63  }
0x32: {  	_ =	swait.ge [sflag:s17], $0x1E00  }
0x33: {  	[sflag:s17] =	ssyncset.done $0x0  }
0x34: {  	[sflag:s17] =	ssyncadd.s32 $0xFFFFE200  }
0x35: {  	s7 =	simm.s32 @p0 $0xB;
	s6 =	simm.s32 @p0 $0x0;
	[bflag:$0x0] =	sbarrier.arrive $0xFFFF  }
0x36: {  	[tilespmem:s6], [sflag:$0xB] =	stream.linear.gather @p0 [hbm4b:s12+s6], $0xA00, $0x38;
	[tilespmem:$0x18E00] =	vst v63  }
0x37: {  	_ =	swait.ge @p0 [sflag:s7], $0xA00  }
0x38: {  	[sflag:s7] =	ssyncset.done @p0 $0x0  }
0x39: {  	s8 =	simm.s32 @p0 $0x2800;
	[sflag:s7] =	ssyncadd.s32 @p0 $0xFFFFF600  }
0x3a: {  	[tilespmem:s8], [sflag:$0xB] =	stream.linear.gather @p0 [hbm4b:s13+s6], $0xA00, $0x38;
	[tilespmem:$0x18E00] =	vst v63  }
0x3b: {  	_ =	swait.ge @p0 [sflag:s7], $0xA00  }
0x3c: {  	[sflag:s7] =	ssyncset.done @p0 $0x0  }
0x3d: {  	s6 =	simm.s32 @!p0 $0x0;
	[sflag:s7] =	ssyncadd.s32 @p0 $0xFFFFF600;
	s7 =	rddreg [dreg:$0x7]  }
0x3e: {  	[tilespmem:s6], [sflag:$0xB] =	stream.linear.gather @!p0 [hbm4b:s7+s6], $0x2800, $0x38;
	[tilespmem:$0x18E00] =	vst v63  }
0x3f: {  	s7 =	simm.s32 @!p0 $0xB  }
0x40: {  	_ =	swait.ge @!p0 [sflag:s7], $0x2800  }
0x41: {  	[sflag:s7] =	ssyncset.done @!p0 $0x0  }
0x42: {  	s8 =	simm.s32 @!p0 $0x2800;
	[sflag:s7] =	ssyncadd.s32 @!p0 $0xFFFFD800  }
0x43: {  	[tilespmem:s8], [sflag:$0xB] =	stream.linear.gather @!p0 [hbm4b:s11+s6], $0x2800, $0x38;
	[tilespmem:$0x18E00] =	vst v63  }
0x44: {  	s6 =	simm.s32 @!p0 $0x10  }
0x45: {  	s6 =	simm.s32 @p0 $0x4  }
0x46: {  	s6 =	smul.u32 $0xA00, s6;
	_ =	sdelay $0x1  }
0x47: {  	p2 =	sne.s32 s6, $0xA00  }
.Ltmp1:
0x48: {  	_ = 	snop;
	(pc) =	sbr.rel @!p2 .LBB2_8-.Ltmp1, $4  }
0x49: {  	_ = 	snop  }
0x4a: {  	_ =	swait.ge @!p0 [sflag:s7], $0x2800  }
0x4b: {  	p1 =	por $0x0, $0x0;
	[sflag:s7] =	ssyncset.done @!p0 $0x0  }
0x4c: {  	s8 =	simm.s32 $0x0;
	[sflag:s7] =	ssyncadd.s32 @!p0 $0xFFFFD800;
	s7 =	simm.s32 $0xA00  }
0x4d: {  	s8 =	simm.s32 $0x0  }
0x4e: {  	[tilespmem:s16], [sflag:$0x1] =	stream.indirect.gather [hbm4b:s4+s18], $0x40, s8, s18, $0xb8;
	[tilespmem:$0x18E00] =	vst v63  }
0x4f: {  	s10 =	simm.s32 $0x80  }
0x50: {  	[tilespmem:s19], [sflag:$0x2] =	stream.indirect.gather [hbm4b:s4+s18], $0x40, s10, s18, $0xb8;
	[tilespmem:$0x18E00] =	vst v63  }
0x51: {  	s9 =	simm.s32 $0x100  }
0x52: {  	[tilespmem:s20], [sflag:$0x3] =	stream.indirect.gather [hbm4b:s4+s18], $0x40, s9, s18, $0xb8;
	[tilespmem:$0x18E00] =	vst v63  }
0x53: {  	s10 =	simm.s32 $0x180  }
0x54: {  	[tilespmem:s21], [sflag:$0x4] =	stream.indirect.gather [hbm4b:s4+s18], $0x40, s10, s18, $0xb8;
	[tilespmem:$0x18E00] =	vst v63  }
0x55: {  	s9 =	simm.s32 $0x200  }
0x56: {  	[tilespmem:s22], [sflag:$0x5] =	stream.indirect.gather [hbm4b:s4+s18], $0x40, s9, s18, $0xb8;
	[tilespmem:$0x18E00] =	vst v63  }
0x57: {  	_ =	swait.ge [sflag:s23], $0x2000  }
0x58: {  	[sflag:s23] =	ssyncset.done $0x0  }
0x59: {  	s10 =	simm.s32 $0x2800;
	[sflag:s23] =	ssyncadd.s32 $0xFFFFE000  }
0x5a: {  	[spmem:s2] =	stream.indirect.scatter.add.f32 [tilespmem:s16], [sflag:$0x6], $0x40, s10, s18, $0xb8;
	[tilespmem:$0x18E00] =	vst v63  }
0x5b: {  	_ =	swait.ge [sflag:s24], $0x2000  }
0x5c: {  	[sflag:s24] =	ssyncset.done $0x0  }
0x5d: {  	s9 =	simm.s32 $0x2880;
	[sflag:s24] =	ssyncadd.s32 $0xFFFFE000  }
0x5e: {  	[spmem:s2] =	stream.indirect.scatter.add.f32 [tilespmem:s19], [sflag:$0x7], $0x40, s9, s18, $0xb8;
	[tilespmem:$0x18E00] =	vst v63  }
0x5f: {  	_ =	swait.ge [sflag:s25], $0x2000  }
0x60: {  	[sflag:s25] =	ssyncset.done $0x0  }
0x61: {  	s10 =	simm.s32 $0x2900;
	[sflag:s25] =	ssyncadd.s32 $0xFFFFE000  }
0x62: {  	[spmem:s2] =	stream.indirect.scatter.add.f32 [tilespmem:s20], [sflag:$0x8], $0x40, s10, s18, $0xb8;
	[tilespmem:$0x18E00] =	vst v63  }
0x63: {  	_ =	swait.ge [sflag:s26], $0x2000  }
0x64: {  	[sflag:s26] =	ssyncset.done $0x0  }
0x65: {  	s9 =	simm.s32 $0x2980;
	[sflag:s26] =	ssyncadd.s32 $0xFFFFE000  }
0x66: {  	[spmem:s2] =	stream.indirect.scatter.add.f32 [tilespmem:s21], [sflag:$0x9], $0x40, s9, s18, $0xb8;
	[tilespmem:$0x18E00] =	vst v63  }
0x67: {  	_ =	swait.ge [sflag:s28], $0x2000  }
0x68: {  	[sflag:s28] =	ssyncset.done $0x0  }
0x69: {  	s10 =	simm.s32 $0x2A00;
	[sflag:s28] =	ssyncadd.s32 $0xFFFFE000  }
0x6a: {  	[spmem:s2] =	stream.indirect.scatter.add.f32 [tilespmem:s22], [sflag:$0xA], $0x40, s10, s18, $0xb8;
	[tilespmem:$0x18E00] =	vst v63  }
0x6b: {  	_ =	swait.ge [sflag:s29], $0x2000  }
0x6c: {  	[sflag:s29] =	ssyncset.done $0x0  }
0x6d: {  	[sflag:s29] =	ssyncadd.s32 $0xFFFFE000  }
0x6e: {  	_ =	swait.ge [sflag:s30], $0x2000  }
0x6f: {  	[sflag:s30] =	ssyncset.done $0x0  }
0x70: {  	[sflag:s30] =	ssyncadd.s32 $0xFFFFE000  }
0x71: {  	_ =	swait.ge [sflag:s31], $0x2000  }
0x72: {  	[sflag:s31] =	ssyncset.done $0x0  }
0x73: {  	p2 =	sne.s32 s6, $0x1400;
	[sflag:s31] =	ssyncadd.s32 $0xFFFFE000  }
.Ltmp2:
0x74: {  	_ =	swait.ge [sflag:s1], $0x2000;
	(pc) =	sbr.rel @!p2 .LBB2_5-.Ltmp2, $4  }
0x75: {  	[sflag:s1] =	ssyncset.done $0x0  }
0x76: {  	[sflag:s1] =	ssyncadd.s32 $0xFFFFE000  }
0x77: {  	_ =	swait.ge [sflag:s0], $0x2000  }
0x78: {  	p1 =	por $0x1, $0x1;
	s8 =	simm.s32 $0x1400;
	[sflag:s0] =	ssyncset.done $0x0  }
.LBB2_6:
0x79: {  	s9 =	sshra.s32 s7, $0x2  }
0x7a: {  	[sflag:s0] =	ssyncadd.s32 $0xFFFFE000;
	s7 =	smov.u32 s8;
	s8 =	sadd.s32 $0xA00, s8  }
0x7b: {  	[tilespmem:s16], [sflag:$0x1] =	stream.indirect.gather [hbm4b:s4+s18], $0x40, s9, s18, $0xb8;
	[tilespmem:$0x18E00] =	vst v63  }
0x7c: {  	p2 =	sne.s32 s6, s8;
	s10 =	sadd.s32 $0x80, s9  }
0x7d: {  	[tilespmem:s19], [sflag:$0x2] =	stream.indirect.gather [hbm4b:s4+s18], $0x40, s10, s18, $0xb8;
	[tilespmem:$0x18E00] =	vst v63  }
0x7e: {  	s10 =	sadd.s32 $0x100, s9  }
0x7f: {  	[tilespmem:s20], [sflag:$0x3] =	stream.indirect.gather [hbm4b:s4+s18], $0x40, s10, s18, $0xb8;
	[tilespmem:$0x18E00] =	vst v63  }
0x80: {  	s10 =	sadd.s32 $0x180, s9  }
0x81: {  	[tilespmem:s21], [sflag:$0x4] =	stream.indirect.gather [hbm4b:s4+s18], $0x40, s10, s18, $0xb8;
	[tilespmem:$0x18E00] =	vst v63  }
0x82: {  	s10 =	sadd.s32 $0x200, s9  }
0x83: {  	[tilespmem:s22], [sflag:$0x5] =	stream.indirect.gather [hbm4b:s4+s18], $0x40, s10, s18, $0xb8;
	[tilespmem:$0x18E00] =	vst v63  }
0x84: {  	_ =	swait.ge [sflag:s23], $0x2000  }
0x85: {  	[sflag:s23] =	ssyncset.done $0x0  }
0x86: {  	s10 =	sadd.s32 $0x2800, s9;
	[sflag:s23] =	ssyncadd.s32 $0xFFFFE000  }
0x87: {  	[spmem:s2] =	stream.indirect.scatter.add.f32 [tilespmem:s16], [sflag:$0x6], $0x40, s10, s18, $0xb8;
	[tilespmem:$0x18E00] =	vst v63  }
0x88: {  	_ =	swait.ge [sflag:s24], $0x2000  }
0x89: {  	[sflag:s24] =	ssyncset.done $0x0  }
0x8a: {  	s10 =	sadd.s32 $0x2880, s9;
	[sflag:s24] =	ssyncadd.s32 $0xFFFFE000  }
0x8b: {  	[spmem:s2] =	stream.indirect.scatter.add.f32 [tilespmem:s19], [sflag:$0x7], $0x40, s10, s18, $0xb8;
	[tilespmem:$0x18E00] =	vst v63  }
0x8c: {  	_ =	swait.ge [sflag:s25], $0x2000  }
0x8d: {  	[sflag:s25] =	ssyncset.done $0x0  }
0x8e: {  	s10 =	sadd.s32 $0x2900, s9;
	[sflag:s25] =	ssyncadd.s32 $0xFFFFE000  }
0x8f: {  	[spmem:s2] =	stream.indirect.scatter.add.f32 [tilespmem:s20], [sflag:$0x8], $0x40, s10, s18, $0xb8;
	[tilespmem:$0x18E00] =	vst v63  }
0x90: {  	_ =	swait.ge [sflag:s26], $0x2000  }
0x91: {  	[sflag:s26] =	ssyncset.done $0x0  }
0x92: {  	s10 =	sadd.s32 $0x2980, s9;
	[sflag:s26] =	ssyncadd.s32 $0xFFFFE000  }
0x93: {  	[spmem:s2] =	stream.indirect.scatter.add.f32 [tilespmem:s21], [sflag:$0x9], $0x40, s10, s18, $0xb8;
	[tilespmem:$0x18E00] =	vst v63  }
0x94: {  	_ =	swait.ge [sflag:s28], $0x2000  }
0x95: {  	[sflag:s28] =	ssyncset.done $0x0  }
0x96: {  	s9 =	sadd.s32 $0x2A00, s9;
	[sflag:s28] =	ssyncadd.s32 $0xFFFFE000  }
0x97: {  	[spmem:s2] =	stream.indirect.scatter.add.f32 [tilespmem:s22], [sflag:$0xA], $0x40, s9, s18, $0xb8;
	[tilespmem:$0x18E00] =	vst v63  }
0x98: {  	_ =	swait.ge [sflag:s29], $0x2000  }
0x99: {  	[sflag:s29] =	ssyncset.done $0x0  }
0x9a: {  	[sflag:s29] =	ssyncadd.s32 $0xFFFFE000  }
0x9b: {  	_ =	swait.ge [sflag:s30], $0x2000  }
0x9c: {  	[sflag:s30] =	ssyncset.done $0x0  }
0x9d: {  	[sflag:s30] =	ssyncadd.s32 $0xFFFFE000  }
0x9e: {  	_ =	swait.ge [sflag:s31], $0x2000  }
0x9f: {  	[sflag:s31] =	ssyncset.done $0x0  }
0xa0: {  	[sflag:s31] =	ssyncadd.s32 $0xFFFFE000  }
.Ltmp3:
0xa1: {  	_ =	swait.ge [sflag:s1], $0x2000;
	(pc) =	sbr.rel @p2 .LBB2_6-.Ltmp3, $4  }
0xa2: {  	[sflag:s1] =	ssyncset.done $0x0  }
0xa3: {  	[sflag:s1] =	ssyncadd.s32 $0xFFFFE000  }
0xa4: {  	_ =	swait.ge [sflag:s0], $0x2000  }
0xa5: {  	[sflag:s0] =	ssyncset.done $0x0  }
0xa6: {  	s8 =	smov.u32 s7  }
.LBB2_8:
0xa7: {  	s6 =	sshra.s32 s8, $0x2;
	[sflag:s0] =	ssyncadd.s32 @p1 $0xFFFFE000  }
0xa8: {  	[tilespmem:s16], [sflag:$0x1] =	stream.indirect.gather [hbm4b:s4+s18], $0x40, s6, s18, $0xb8;
	[tilespmem:$0x18E00] =	vst v63  }
0xa9: {  	s7 =	sadd.s32 $0x80, s6  }
0xaa: {  	[tilespmem:s19], [sflag:$0x2] =	stream.indirect.gather [hbm4b:s4+s18], $0x40, s7, s18, $0xb8;
	[tilespmem:$0x18E00] =	vst v63  }
0xab: {  	s8 =	sadd.s32 $0x100, s6  }
0xac: {  	[tilespmem:s20], [sflag:$0x3] =	stream.indirect.gather [hbm4b:s4+s18], $0x40, s8, s18, $0xb8;
	[tilespmem:$0x18E00] =	vst v63  }
0xad: {  	s9 =	sadd.s32 $0x180, s6  }
0xae: {  	[tilespmem:s21], [sflag:$0x4] =	stream.indirect.gather [hbm4b:s4+s18], $0x40, s9, s18, $0xb8;
	[tilespmem:$0x18E00] =	vst v63  }
0xaf: {  	s10 =	sadd.s32 $0x200, s6  }
0xb0: {  	[tilespmem:s22], [sflag:$0x5] =	stream.indirect.gather [hbm4b:s4+s18], $0x40, s10, s18, $0xb8;
	[tilespmem:$0x18E00] =	vst v63  }
0xb1: {  	_ =	swait.ge [sflag:s23], $0x2000  }
0xb2: {  	[sflag:s23] =	ssyncset.done $0x0  }
0xb3: {  	s8 =	sadd.s32 $0x2800, s6;
	[sflag:s23] =	ssyncadd.s32 $0xFFFFE000  }
0xb4: {  	[spmem:s2] =	stream.indirect.scatter.add.f32 [tilespmem:s16], [sflag:$0x6], $0x40, s8, s18, $0xb8;
	[tilespmem:$0x18E00] =	vst v63  }
0xb5: {  	_ =	swait.ge [sflag:s24], $0x2000  }
0xb6: {  	[sflag:s24] =	ssyncset.done $0x0  }
0xb7: {  	s9 =	sadd.s32 $0x2880, s6;
	[sflag:s24] =	ssyncadd.s32 $0xFFFFE000  }
0xb8: {  	[spmem:s2] =	stream.indirect.scatter.add.f32 [tilespmem:s19], [sflag:$0x7], $0x40, s9, s18, $0xb8;
	[tilespmem:$0x18E00] =	vst v63  }
0xb9: {  	_ =	swait.ge [sflag:s25], $0x2000  }
0xba: {  	[sflag:s25] =	ssyncset.done $0x0  }
0xbb: {  	s10 =	sadd.s32 $0x2900, s6;
	[sflag:s25] =	ssyncadd.s32 $0xFFFFE000  }
0xbc: {  	[spmem:s2] =	stream.indirect.scatter.add.f32 [tilespmem:s20], [sflag:$0x8], $0x40, s10, s18, $0xb8;
	[tilespmem:$0x18E00] =	vst v63  }
0xbd: {  	_ =	swait.ge [sflag:s26], $0x2000  }
0xbe: {  	[sflag:s26] =	ssyncset.done $0x0  }
0xbf: {  	s8 =	sadd.s32 $0x2980, s6;
	[sflag:s26] =	ssyncadd.s32 $0xFFFFE000  }
0xc0: {  	[spmem:s2] =	stream.indirect.scatter.add.f32 [tilespmem:s21], [sflag:$0x9], $0x40, s8, s18, $0xb8;
	[tilespmem:$0x18E00] =	vst v63  }
0xc1: {  	_ =	swait.ge [sflag:s28], $0x2000  }
0xc2: {  	[sflag:s28] =	ssyncset.done $0x0  }
0xc3: {  	s6 =	sadd.s32 $0x2A00, s6;
	[sflag:s28] =	ssyncadd.s32 $0xFFFFE000  }
0xc4: {  	[spmem:s2] =	stream.indirect.scatter.add.f32 [tilespmem:s22], [sflag:$0xA], $0x40, s6, s18, $0xb8;
	[tilespmem:$0x18E00] =	vst v63  }
0xc5: {  	_ =	swait.ge [sflag:s29], $0x2000  }
0xc6: {  	[sflag:s29] =	ssyncset.done $0x0  }
0xc7: {  	[sflag:s29] =	ssyncadd.s32 $0xFFFFE000  }
0xc8: {  	_ =	swait.ge [sflag:s30], $0x2000  }
0xc9: {  	[sflag:s30] =	ssyncset.done $0x0  }
0xca: {  	[sflag:s30] =	ssyncadd.s32 $0xFFFFE000  }
0xcb: {  	_ =	swait.ge [sflag:s31], $0x2000  }
0xcc: {  	[sflag:s31] =	ssyncset.done $0x0  }
0xcd: {  	[sflag:s31] =	ssyncadd.s32 $0xFFFFE000  }
0xce: {  	_ =	swait.ge [sflag:s1], $0x2000  }
0xcf: {  	[sflag:s1] =	ssyncset.done $0x0  }
0xd0: {  	[sflag:s1] =	ssyncadd.s32 $0xFFFFE000  }
0xd1: {  	_ =	swait.ge [sflag:s0], $0x2000  }
0xd2: {  	s3 =	sadd.s32 $0x1, s3;
	s9 =	stileid.u32;
	[sflag:s0] =	ssyncset.done $0x0  }
0xd3: {  	p1 =	sne.s32 s3, s15;
	s6 =	sshll.u32 s9, $0x6;
	[sflag:s0] =	ssyncadd.s32 $0xFFFFE000  }
0xd4: {  	s10 =	sshrl.u32 s5, $0x3;
	s6 =	sor.u32 $0x1C0B, s6;
	[bflag:$0x0] =	sbarrier.arrive $0xFFFF  }
0xd5: {  	[hbm:s14], [sflag:s6] =	dma.local [spmem:s10], $0x13C0  }
.Ltmp4:
0xd6: {  	_ = 	snop;
	(pc) =	sbr.rel @p1 .LBB2_1-.Ltmp4, $4  }
.Ltmp5:
0xd7: {  	_ = 	snop;
	(pc) =	sbr.rel @!p1 .LBB2_9-.Ltmp5, $4  }
0xd8: {  	_ =	swait.ge [sflag:s17], $0x13C0  }
0xd9: {  	[sflag:s17] =	ssyncset.done $0x0  }
0xda: {  	[sflag:s17] =	ssyncadd.s32 $0xFFFFEC40  }
0xdb: {  	_ = 	snop  }
.LBB2_5:
.Ltmp6:
0xdc: {  	(pc) =	sbr.rel .LBB2_8-.Ltmp6, $2  }
0xdd: {  	_ =	sdelay $0x2  }
0xde: {  	s8 =	simm.s32 $0xA00  }
.LBB2_9:
0xdf: {  	_ =	sfence.sel $0x180000  }
0xe0: {  	[bflag:$0x0] =	sbarrier.arrive $0xFFFF  }
0xe1: {  	_ =	strace $0x9000004A  }
0xe2: {  	s0 =	stileid.u32;
	[bflag:$0x2] =	sbarrier.arrive $0xFFFF  }
0xe3: {  	p0 =	sne.s32 s0, $0x0;
	s0 =	rddreg [dreg:$0x2]  }
0xe4: {  	s0 =	sadd.s32 @!p0 $0x100000, s0  }
0xe5: {  	[sflag:s0] =	ssyncadd.tile.s32 @!p0 $0x1;
	_ =	shalt  }
.Lfunc_end2:
_tile_overlayer_lowered:
.L_overlay_start_2:
0xe6: {  	(tag) =	ssettag $0x2  }
0xe7: {  	s0 =	rddreg [dreg:$0x0];
	s2 =	stileid.u32  }
0xe8: {  	s1 =	rddreg [dreg:$0x1];
	p0 =	sne.s32 s2, $0x0  }
0xe9: {  	s3 =	rddreg [dreg:$0x2];
	[bflag:$0x3] =	sbarrier.arrive $0xFFFF;
	s2 =	simm.s32 @!p0 $0x1C0B  }
0xea: {  	[timem:s3], [sflag:s2] =	dma.local @!p0 [hbm:s0], s1  }
0xeb: {  	s0 =	simm.s32 @!p0 $0xB  }
0xec: {  	_ =	swait.ge @!p0 [sflag:s0], s1  }
0xed: {  	s1 =	ssub.s32 @!p0 $0x0, s1;
	[sflag:s0] =	ssyncset.done @!p0 $0x0  }
0xee: {  	[sflag:s0] =	ssyncadd.s32 @!p0 s1  }
0xef: {  	[bflag:$0x3] =	sbarrier.arrive $0xFFFF  }
0xf0: {  	_ =	shalt  }

// kernel: kernel.14.cloned.1.call-start
scs
__scs_entry_jumppad:
0x0: {  	(pc) =	sbr.rel $0x88, $3  }
0x1: {  	(tag) =	ssettag $0x0;
	lr =	simm.s32 $0x1  }
0x2: {  	[smem:$0x3F98] =	sst lr;
	_ =	strace $0xD0000000  }
0x3: {  	_ = 	snop  }
0x4: {  	_ = 	snop  }
0x5: {  	_ = 	snop  }
0x6: {  	_ = 	snop  }
0x7: {  	_ = 	snop  }
__scs_overlays_trampoline_lowered:
0x8: {  	[smem:$0x3FA7] =	sst s0  }
0x9: {  	[smem:$0x3FA8] =	sst s1  }
0xa: {  	[smem:$0x3FA9] =	sst s2  }
0xb: {  	[smem:$0x3FAA] =	sst s3  }
0xc: {  	[smem:$0x3FAB] =	sst s4  }
0xd: {  	[smem:$0x3FAC] =	sst s5  }
0xe: {  	[smem:$0x3FAD] =	sst s6  }
0xf: {  	[smem:$0x3FAE] =	sst s7  }
0x10: {  	[smem:$0x3FAF] =	sst s8  }
0x11: {  	[smem:$0x3FB0] =	sst s9;
	s0 =	simm.s32 @!p0 $0x0  }
0x12: {  	s1 =	sld [smem:$0x3F96];
	s0 =	simm.s32 @p0 $0x1  }
0x13: {  	[smem:$0x3FB1] =	sst s0;
	s0 =	simm.s32 @!p1 $0x0  }
0x14: {  	s2 =	sld [smem:$0x3F95];
	s0 =	simm.s32 @p1 $0x1  }
0x15: {  	[smem:$0x3FB2] =	sst s0;
	s0 =	simm.s32 @!p2 $0x0  }
0x16: {  	s3 =	sld [smem:$0x3FDB];
	s0 =	simm.s32 @p2 $0x1  }
0x17: {  	s4 =	simm.s32 $0x1BF5;
	[smem:$0x3FB4] =	sst s0  }
0x18: {  	s0 =	sld [smem:$0x3F97];
	_ =	swait.ge [sflag:s4], $0x0  }
0x19: {  	s7 =	sld [smem:$0x3F98]  }
0x1a: {  	s8 =	sadd.s32 $0xFFFFE003, lr  }
0x1b: {  	s9 =	sadd.s32 $0xFFFFFEF7, lr;
	s5 =	simm.s32 $0xFFFFFFFF;
	p2 =	slt.u32 s8, $0xFFFFF086  }
0x1c: {  	p1 =	slt.u32 s9, $0xF7A;
	s5 =	simm.s32 @!p2 $0x0  }
0x1d: {  	s5 =	simm.s32 @p1 $0x1;
	p0 =	seq.s32 s7, s2  }
0x1e: {  	s7 =	smul.u32 @!p0 $0xF7A, s2;
	p2 =	seq.s32 @!p0 s5, $0x0  }
0x1f: {  	s9 =	smul.u32 $0xF7A, s1;
	s8 =	simm.s32 @!p0 $0x1BF5;
	p2 =	por !p2, p0  }
0x20: {  	[sflag:s8] =	ssyncset.s32 @!p0 $0xFFFFF086;
	s6 =	sadd.s32 @!p0 s3, s7;
	s7 =	simm.s32 @!p0 $0x108  }
0x21: {  	s3 =	sadd.s32 s3, s9;
	s6 =	sadd.s32 @!p0 $0x88, s6;
	s7 =	simm.s32 @p2 $0x1082  }
0x22: {  	[simem:s7], [sflag:s8] =	dma.local @!p0 [hbm:s6], $0xF7A  }
0x23: {  	s9 =	sor.u32 $0xD0000000, s2;
	s6 =	simm.s32 $0x108;
	_ =	swait.ge @!p0 [sflag:s8], $0x0  }
0x24: {  	s3 =	sadd.s32 $0x88, s3;
	s6 =	simm.s32 @!p1 $0x1082;
	[sflag:s4] =	ssyncset.s32 $0xFFFFF086  }
0x25: {  	[simem:s6], [sflag:s4] =	dma.local [hbm:s3], $0xF7A  }
0x26: {  	[smem:$0x3F98] =	sst s1;
	(tag) =	ssettag s2;
	_ =	strace s9  }
0x27: {  	s1 =	sld [smem:$0x3FA8]  }
0x28: {  	s2 =	sld [smem:$0x3FA9]  }
0x29: {  	s4 =	sld [smem:$0x3FAB]  }
0x2a: {  	p0 =	seq.s32 s5, $0x0;
	s5 =	sld [smem:$0x3FAC]  }
0x2b: {  	s6 =	sld [smem:$0x3FAD]  }
0x2c: {  	s7 =	sld [smem:$0x3FAE]  }
0x2d: {  	s3 =	simm.s32 $0x108;
	s8 =	sld [smem:$0x3FAF]  }
0x2e: {  	s3 =	simm.s32 @!p0 $0x1082;
	s9 =	sld [smem:$0x3FB0]  }
0x2f: {  	lr =	sadd.s32 s0, s3;
	s0 =	sld [smem:$0x3FA7]  }
0x30: {  	s3 =	sld [smem:$0x3FAA]  }
0x31: {  	[smem:$0x3FB3] =	sst s10  }
0x32: {  	s10 =	sld [smem:$0x3FB1];
	_ =	sdelay $0x3  }
0x33: {  	p0 =	seq.s32 s10, $0x1;
	s10 =	sld [smem:$0x3FB3];
	_ =	sdelay $0x3  }
0x34: {  	[smem:$0x3FB3] =	sst s10  }
0x35: {  	s10 =	sld [smem:$0x3FB2];
	_ =	sdelay $0x3  }
0x36: {  	p1 =	seq.s32 s10, $0x1;
	s10 =	sld [smem:$0x3FB3];
	_ =	sdelay $0x3  }
0x37: {  	[smem:$0x3FB3] =	sst s10  }
0x38: {  	s10 =	sld [smem:$0x3FB4]  }
0x39: {  	_ = 	snop;
	(pc) =	sbr.ind lr, $3  }
0x3a: {  	_ = 	snop  }
0x3b: {  	_ = 	snop  }
0x3c: {  	p2 =	seq.s32 s10, $0x1;
	s10 =	sld [smem:$0x3FB3]  }
0x3d: {  	_ =	shalt  }
0x3e: {  	_ =	shalt  }
0x3f: {  	_ =	shalt  }
0x40: {  	_ =	shalt  }
0x41: {  	_ =	shalt  }
0x42: {  	_ =	shalt  }
0x43: {  	_ =	shalt  }
0x44: {  	_ =	shalt  }
0x45: {  	_ =	shalt  }
0x46: {  	_ =	shalt  }
0x47: {  	_ =	shalt  }
0x48: {  	_ =	shalt  }
0x49: {  	_ =	shalt  }
0x4a: {  	_ =	shalt  }
0x4b: {  	_ =	shalt  }
0x4c: {  	_ =	shalt  }
0x4d: {  	_ =	shalt  }
0x4e: {  	_ =	shalt  }
0x4f: {  	_ =	shalt  }
0x50: {  	_ =	shalt  }
0x51: {  	_ =	shalt  }
0x52: {  	_ =	shalt  }
0x53: {  	_ =	shalt  }
0x54: {  	_ =	shalt  }
0x55: {  	_ =	shalt  }
0x56: {  	_ =	shalt  }
0x57: {  	_ =	shalt  }
0x58: {  	_ =	shalt  }
0x59: {  	_ =	shalt  }
0x5a: {  	_ =	shalt  }
0x5b: {  	_ =	shalt  }
0x5c: {  	_ =	shalt  }
0x5d: {  	_ =	shalt  }
0x5e: {  	_ =	shalt  }
0x5f: {  	_ =	shalt  }
0x60: {  	_ =	shalt  }
0x61: {  	_ =	shalt  }
0x62: {  	_ =	shalt  }
0x63: {  	_ =	shalt  }
0x64: {  	_ =	shalt  }
0x65: {  	_ =	shalt  }
0x66: {  	_ =	shalt  }
0x67: {  	_ =	shalt  }
0x68: {  	_ =	shalt  }
0x69: {  	_ =	shalt  }
0x6a: {  	_ =	shalt  }
0x6b: {  	_ =	shalt  }
0x6c: {  	_ =	shalt  }
0x6d: {  	_ =	shalt  }
0x6e: {  	_ =	shalt  }
0x6f: {  	_ =	shalt  }
0x70: {  	_ =	shalt  }
0x71: {  	_ =	shalt  }
0x72: {  	_ =	shalt  }
0x73: {  	_ =	shalt  }
0x74: {  	_ =	shalt  }
0x75: {  	_ =	shalt  }
0x76: {  	_ =	shalt  }
0x77: {  	_ =	shalt  }
0x78: {  	_ =	shalt  }
0x79: {  	_ =	shalt  }
0x7a: {  	_ =	shalt  }
0x7b: {  	_ =	shalt  }
0x7c: {  	_ =	shalt  }
0x7d: {  	_ =	shalt  }
0x7e: {  	_ =	shalt  }
0x7f: {  	_ =	shalt  }
0x80: {  	_ =	shalt  }
0x81: {  	_ =	shalt  }
0x82: {  	_ =	shalt  }
0x83: {  	_ =	shalt  }
0x84: {  	_ =	shalt  }
0x85: {  	_ =	shalt  }
0x86: {  	_ =	shalt  }
0x87: {  	_ =	shalt  }
.Lfunc_end0:
.L_simem_size_0:
called_computation.2_lowered:
.L_overlay_start_0:
0x88: {  	s2 =	sld [smem:$0x3FD9]  }
0x89: {  	s3 =	sld [smem:$0x3FFE];
	_ =	sdelay $0x1  }
0x8a: {  	s1 =	srdreg.scid  }
0x8b: {  	s0 =	sand.u32 $0x1, s1  }
0x8c: {  	s16 =	sshll.u32 s0, $0xA;
	s2 =	sadd.s32 s3, s2  }
0x8d: {  	s2 =	sadd.s32 s2, s16  }
0x8e: {  	[smem:$0x3FBF] =	sst s2  }
0x8f: {  	_ = 	snop  }
0x90: {  	(tm) =	ssettm $0x1  }
0x91: {  	s17 =	sld [smem:$0x3FFB];
	_ =	sdelay $0x3  }
0x92: {  	_ =	strace s17  }
0x93: {  	s2 =	sld [smem:$0x3FFC];
	_ =	sdelay $0x3  }
0x94: {  	_ =	strace s2  }
0x95: {  	s2 =	sld [smem:$0x3FFD];
	_ =	sdelay $0x3  }
0x96: {  	_ =	strace s2  }
0x97: {  	_ =	strace $0x8FFFFFFF  }
0x98: {  	s18 =	sld [smem:$0x3FDB];
	_ =	sdelay $0x1  }
0x99: {  	s19 =	simm.s32 $_scs_section_size  }
0x9a: {  	s4 =	simm.s32 $_size__tile_overlayer_lowered;
	s5 =	simm.s32 $_tile_overlayer_lowered  }
0x9b: {  	s22 =	simm.s32 $0x1BFF;
	s21 =	sshll.u32 s5, $0x1;
	s2 =	sadd.s32 s19, s18  }
0x9c: {  	s6 =	simm.s32 $0x0;
	s20 =	sshll.u32 s4, $0x1;
	s4 =	sadd.s32 s21, s2  }
0x9d: {  	[timem:s6], [sflag:s22] =	dma.local [hbm:s4], s20  }
0x9e: {  	_ =	swait.ge [sflag:s22], s20  }
0x9f: {  	s3 =	ssub.s32 $0x0, s20;
	[sflag:s22] =	ssyncset.done $0x0  }
0xa0: {  	[sflag:s22] =	ssyncadd.s32 s3;
	_ =	sdelay $0x1  }
0xa1: {  	s23 =	simm.s32 $0x1B8B  }
0xa2: {  	_ =	swait.ge [sflag:s23], $0x1  }
0xa3: {  	[sflag:s23] =	ssyncset.done $0x0  }
0xa4: {  	s25 =	simm.s32 $0x1B8E;
	s24 =	sld [smem:$0x3FFE];
	[sflag:s23] =	ssyncadd.s32 $0xFFFFFFFF  }
0xa5: {  	s26 =	simm.s32 $execute0_lowered;
	[smem:$0x3FD2] =	sst s25  }
0xa6: {  	s4 =	sshll.u32 s26, $0x1;
	_ =	strace $0x8000004C;
	[dreg:$0x1] =	wrdreg $0xFFFFFFFF  }
0xa7: {  	s28 =	simm.s32 $_size_execute0_lowered;
	s2 =	sadd.s32 s2, s4;
	[dreg:$0x0] =	wrdreg $0x0  }
0xa8: {  	s4 =	sshll.u32 s28, $0x1;
	[dreg:$0x2] =	wrdreg s2  }
0xa9: {  	[dreg:$0x3] =	wrdreg s4  }
0xaa: {  	[dreg:$0x4] =	wrdreg $0xC0  }
0xab: {  	_ =	task [dreg:s6], $0x5FFFF  }
0xac: {  	[dreg:$0x1] =	wrdreg $0xFFFFFFFF  }
0xad: {  	[dreg:$0x0] =	wrdreg $0x60  }
0xae: {  	[dreg:$0x2] =	wrdreg s24  }
0xaf: {  	[dreg:$0x3] =	wrdreg $0xF0000  }
0xb0: {  	[dreg:$0x4] =	wrdreg $0x9  }
0xb1: {  	_ =	task.clear_ibuf [dreg:s6], $0x5FFFF;
	_ =	strace $0x9000004C  }
0xb2: {  	s29 =	simm.s32 $0x9;
	_ =	strace $0x8000004E  }
0xb3: {  	_ =	swait.ge [sflag:s29], $0x1  }
0xb4: {  	[sflag:s29] =	ssyncadd.s32 $0xFFFFFFFF  }
0xb5: {  	_ =	strace $0x9000004E  }
0xb6: {  	_ =	sfence  }
0xb7: {  	s30 =	sld [smem:$0x0];
	_ =	sdelay $0x2  }
0xb8: {  	s31 =	sshll.u32 s1, $0xD;
	s1 =	sshrl.u32 s1, $0x2  }
0xb9: {  	s3 =	sand.u32 $0x4000, s31;
	s1 =	sadd.s32 s1, s30  }
0xba: {  	s0 =	sor.u32 s3, s0;
	s1 =	sshll.u32 s1, $0x11  }
0xbb: {  	s0 =	sor.u32 s1, s0  }
0xbc: {  	s0 =	sadd.s32 $0x8F2B, s0  }
0xbd: {  	[sflag:s0] =	ssyncadd.remote.s32 $0x1  }
0xbe: {  	_ =	sfence.sel $0xFFFF  }
0xbf: {  	[dreg:$0x0] =	wrdreg $0xFFFFFFFF;
	(pc) =	sbr.abs _section_cstart, $3  }
0xc0: {  	[dreg:$0x1] =	wrdreg $0xFFFFFFFF  }
0xc1: {  	_ =	task.clear_ibuf [dreg:s6], $0x2FFFF;
	_ =	strace $0x9FFFFFFF  }
0xc2: {  	(tm) =	ssettm $0x7FFFFFFF  }
0xc3: {  	_ =	shalt  }
tec
execute0_lowered:
.L_overlay_start_1:
0x0: {  	(tag) =	ssettag $0x1  }
0x1: {  	s0 =	srdreg.scid;
	s3 =	rddreg [dreg:$0x0]  }
0x2: {  	s8 =	stileid.u32;
	s2 =	rddreg [dreg:$0x1];
	s4 =	simm.s32 $0x0  }
0x3: {  	s16 =	simm.s32 $0x5000;
	s17 =	simm.s32 $0xB;
	s18 =	simm.s32 $0x80  }
0x4: {  	s28 =	simm.s32 $0x5;
	s29 =	simm.s32 $0x6;
	s30 =	simm.s32 $0x7  }
0x5: {  	s31 =	simm.s32 $0x8;
	s0 =	sand.u32 $0x1, s0;
	s6 =	smul.u32 $0x9E00, s8  }
0x6: {  	[smem:$0x7FF] =	sst s4;
	s4 =	sadd.s32 $0x3DA00, s3;
	s12 =	sadd.s32 $0xC700, s3  }
0x7: {  	s13 =	sadd.s32 $0x16500, s3;
	s1 =	sshll.u32 s0, $0x4;
	s7 =	smul.u32 $0x9E000, s0  }
0x8: {  	s0 =	ssub.s32 $0x2, s0;
	s1 =	sor.u32 s8, s1;
	s8 =	smul.u32 $0x27800, s8  }
0x9: {  	_ =	strace $0x8000004D;
	s20 =	sshrl.u32 s0, $0x1;
	s5 =	smul.u32 $0x500, s1  }
0xa: {  	s19 =	sadd.s32 s6, s7;
	s0 =	ssub.s32 s0, s20;
	p0 =	seq.s32 s1, $0x1F  }
0xb: {  	s20 =	simm.s32 $0x9000;
	s1 =	simm.s32 $0x9;
	s8 =	sshrl.u32 s8, $0x2  }
0xc: {  	s15 =	smax.u32 s0, $0x1;
	s0 =	simm.s32 $0xA;
	s21 =	sadd.s32 s8, s2  }
0xd: {  	s9 =	sadd.s32 s5, s3;
	s5 =	sshrl.u32 s19, $0x3;
	s22 =	sadd.s32 $0x2000, s21  }
0xe: {  	s19 =	simm.s32 $0x7000;
	s23 =	sadd.s32 $0x4000, s21;
	[dreg:$0x3] =	wrdreg s22  }
0xf: {  	s14 =	sadd.s32 s5, s3;
	s24 =	sadd.s32 $0x6000, s21;
	[dreg:$0x4] =	wrdreg s23  }
0x10: {  	s5 =	sadd.s32 s6, s2;
	s25 =	sadd.s32 $0x8000, s21;
	[dreg:$0x5] =	wrdreg s24  }
0x11: {  	s26 =	sadd.s32 $0x2C00, s9;
	s11 =	sadd.s32 $0xCA00, s9;
	[dreg:$0x6] =	wrdreg s25  }
0x12: {  	s21 =	simm.s32 $0xB000;
	s3 =	simm.s32 $0x0;
	[dreg:$0x7] =	wrdreg s26  }
0x13: {  	s14 =	sadd.s32 $0x51400, s14;
	s22 =	simm.s32 $0xD000;
	s23 =	simm.s32 $0x1  }
0x14: {  	v0 =	vimm.f32 $0.0e+00;
	s24 =	simm.s32 $0x2;
	s25 =	simm.s32 $0x3;
	s26 =	simm.s32 $0x4  }
.LBB2_1:
0x15: {  	s7 =	simm.s32 $0x0  }
0x16: {  	s6 =	sand.u32 $0x7F00, s7  }
0x17: {  	s7 =	sand.u32 $0x30, s7;
	s8 =	sshrl.u32 s6, $0x2  }
0x18: {  	s6 =	simm.s32 $0x40;
	s8 =	sor.u32 s7, s8;
	s7 =	simm.s32 $0x0  }
.LBB2_2:
0x19: {  	p1 =	sne.s32 s6, $0x7FC0  }
0x1a: {  	[tilespmem:s8+$0x5000] =	vst v0;
	s7 =	sadd.s32 $0x10, s7;
	s8 =	smov.u32 s6;
	s6 =	sadd.s32 $0x40, s6  }
.Ltmp0:
0x1b: {  	(pc) =	sbr.rel @p1 .LBB2_2-.Ltmp0, $4  }
0x1c: {  	_ = 	snop  }
0x1d: {  	s8 =	sand.u32 $0x7F00, s8  }
0x1e: {  	s9 =	sand.u32 $0x30, s7;
	s8 =	sshrl.u32 s8, $0x2  }
0x1f: {  	s8 =	sor.u32 s9, s8  }
0x20: {  	[tilespmem:s8+$0x5000] =	vst v0  }
0x21: {  	[spmem:s5] =	stream.linear.scatter [tilespmem:s16], [sflag:$0xB], $0x2000, $0x38;
	[tilespmem:$0x18E00] =	vst v63  }
0x22: {  	_ =	swait.ge [sflag:s17], $0x2000  }
0x23: {  	[sflag:s17] =	ssyncset.done $0x0  }
0x24: {  	s6 =	rddreg [dreg:$0x3];
	[sflag:s17] =	ssyncadd.s32 $0xFFFFE000  }
0x25: {  	[spmem:s6] =	stream.linear.scatter [tilespmem:s16], [sflag:$0xB], $0x2000, $0x38;
	[tilespmem:$0x18E00] =	vst v63  }
0x26: {  	_ =	swait.ge [sflag:s17], $0x2000  }
0x27: {  	[sflag:s17] =	ssyncset.done $0x0  }
0x28: {  	s8 =	rddreg [dreg:$0x4];
	[sflag:s17] =	ssyncadd.s32 $0xFFFFE000  }
0x29: {  	[spmem:s8] =	stream.linear.scatter [tilespmem:s16], [sflag:$0xB], $0x2000, $0x38;
	[tilespmem:$0x18E00] =	vst v63  }
0x2a: {  	_ =	swait.ge [sflag:s17], $0x2000  }
0x2b: {  	[sflag:s17] =	ssyncset.done $0x0  }
0x2c: {  	s9 =	rddreg [dreg:$0x5];
	[sflag:s17] =	ssyncadd.s32 $0xFFFFE000  }
0x2d: {  	[spmem:s9] =	stream.linear.scatter [tilespmem:s16], [sflag:$0xB], $0x2000, $0x38;
	[tilespmem:$0x18E00] =	vst v63  }
0x2e: {  	_ =	swait.ge [sflag:s17], $0x2000  }
0x2f: {  	[sflag:s17] =	ssyncset.done $0x0  }
0x30: {  	s10 =	rddreg [dreg:$0x6];
	[sflag:s17] =	ssyncadd.s32 $0xFFFFE000  }
0x31: {  	[spmem:s10] =	stream.linear.scatter [tilespmem:s16], [sflag:$0xB], $0x1E00, $0x38;
	[tilespmem:$0x18E00] =	vst v63  }
0x32: {  	_ =	swait.ge [sflag:s17], $0x1E00  }
0x33: {  	[sflag:s17] =	ssyncset.done $0x0  }
0x34: {  	[sflag:s17] =	ssyncadd.s32 $0xFFFFE200  }
0x35: {  	s7 =	simm.s32 @p0 $0xB;
	s6 =	simm.s32 @p0 $0x0;
	[bflag:$0x0] =	sbarrier.arrive $0xFFFF  }
0x36: {  	[tilespmem:s6], [sflag:$0xB] =	stream.linear.gather @p0 [hbm4b:s12+s6], $0xA00, $0x38;
	[tilespmem:$0x18E00] =	vst v63  }
0x37: {  	_ =	swait.ge @p0 [sflag:s7], $0xA00  }
0x38: {  	[sflag:s7] =	ssyncset.done @p0 $0x0  }
0x39: {  	s8 =	simm.s32 @p0 $0x2800;
	[sflag:s7] =	ssyncadd.s32 @p0 $0xFFFFF600  }
0x3a: {  	[tilespmem:s8], [sflag:$0xB] =	stream.linear.gather @p0 [hbm4b:s13+s6], $0xA00, $0x38;
	[tilespmem:$0x18E00] =	vst v63  }
0x3b: {  	_ =	swait.ge @p0 [sflag:s7], $0xA00  }
0x3c: {  	[sflag:s7] =	ssyncset.done @p0 $0x0  }
0x3d: {  	s6 =	simm.s32 @!p0 $0x0;
	[sflag:s7] =	ssyncadd.s32 @p0 $0xFFFFF600;
	s7 =	rddreg [dreg:$0x7]  }
0x3e: {  	[tilespmem:s6], [sflag:$0xB] =	stream.linear.gather @!p0 [hbm4b:s7+s6], $0x2800, $0x38;
	[tilespmem:$0x18E00] =	vst v63  }
0x3f: {  	s7 =	simm.s32 @!p0 $0xB  }
0x40: {  	_ =	swait.ge @!p0 [sflag:s7], $0x2800  }
0x41: {  	[sflag:s7] =	ssyncset.done @!p0 $0x0  }
0x42: {  	s8 =	simm.s32 @!p0 $0x2800;
	[sflag:s7] =	ssyncadd.s32 @!p0 $0xFFFFD800  }
0x43: {  	[tilespmem:s8], [sflag:$0xB] =	stream.linear.gather @!p0 [hbm4b:s11+s6], $0x2800, $0x38;
	[tilespmem:$0x18E00] =	vst v63  }
0x44: {  	s6 =	simm.s32 @!p0 $0x10  }
0x45: {  	s6 =	simm.s32 @p0 $0x4  }
0x46: {  	s6 =	smul.u32 $0xA00, s6;
	_ =	sdelay $0x1  }
0x47: {  	p2 =	sne.s32 s6, $0xA00  }
.Ltmp1:
0x48: {  	_ = 	snop;
	(pc) =	sbr.rel @!p2 .LBB2_8-.Ltmp1, $4  }
0x49: {  	_ = 	snop  }
0x4a: {  	_ =	swait.ge @!p0 [sflag:s7], $0x2800  }
0x4b: {  	p1 =	por $0x0, $0x0;
	[sflag:s7] =	ssyncset.done @!p0 $0x0  }
0x4c: {  	s8 =	simm.s32 $0x0;
	[sflag:s7] =	ssyncadd.s32 @!p0 $0xFFFFD800;
	s7 =	simm.s32 $0xA00  }
0x4d: {  	s8 =	simm.s32 $0x0  }
0x4e: {  	[tilespmem:s16], [sflag:$0x1] =	stream.indirect.gather [hbm4b:s4+s18], $0x40, s8, s18, $0xb8;
	[tilespmem:$0x18E00] =	vst v63  }
0x4f: {  	s10 =	simm.s32 $0x80  }
0x50: {  	[tilespmem:s19], [sflag:$0x2] =	stream.indirect.gather [hbm4b:s4+s18], $0x40, s10, s18, $0xb8;
	[tilespmem:$0x18E00] =	vst v63  }
0x51: {  	s9 =	simm.s32 $0x100  }
0x52: {  	[tilespmem:s20], [sflag:$0x3] =	stream.indirect.gather [hbm4b:s4+s18], $0x40, s9, s18, $0xb8;
	[tilespmem:$0x18E00] =	vst v63  }
0x53: {  	s10 =	simm.s32 $0x180  }
0x54: {  	[tilespmem:s21], [sflag:$0x4] =	stream.indirect.gather [hbm4b:s4+s18], $0x40, s10, s18, $0xb8;
	[tilespmem:$0x18E00] =	vst v63  }
0x55: {  	s9 =	simm.s32 $0x200  }
0x56: {  	[tilespmem:s22], [sflag:$0x5] =	stream.indirect.gather [hbm4b:s4+s18], $0x40, s9, s18, $0xb8;
	[tilespmem:$0x18E00] =	vst v63  }
0x57: {  	_ =	swait.ge [sflag:s23], $0x2000  }
0x58: {  	[sflag:s23] =	ssyncset.done $0x0  }
0x59: {  	s10 =	simm.s32 $0x2800;
	[sflag:s23] =	ssyncadd.s32 $0xFFFFE000  }
0x5a: {  	[spmem:s2] =	stream.indirect.scatter.add.f32 [tilespmem:s16], [sflag:$0x6], $0x40, s10, s18, $0xb8;
	[tilespmem:$0x18E00] =	vst v63  }
0x5b: {  	_ =	swait.ge [sflag:s24], $0x2000  }
0x5c: {  	[sflag:s24] =	ssyncset.done $0x0  }
0x5d: {  	s9 =	simm.s32 $0x2880;
	[sflag:s24] =	ssyncadd.s32 $0xFFFFE000  }
0x5e: {  	[spmem:s2] =	stream.indirect.scatter.add.f32 [tilespmem:s19], [sflag:$0x7], $0x40, s9, s18, $0xb8;
	[tilespmem:$0x18E00] =	vst v63  }
0x5f: {  	_ =	swait.ge [sflag:s25], $0x2000  }
0x60: {  	[sflag:s25] =	ssyncset.done $0x0  }
0x61: {  	s10 =	simm.s32 $0x2900;
	[sflag:s25] =	ssyncadd.s32 $0xFFFFE000  }
0x62: {  	[spmem:s2] =	stream.indirect.scatter.add.f32 [tilespmem:s20], [sflag:$0x8], $0x40, s10, s18, $0xb8;
	[tilespmem:$0x18E00] =	vst v63  }
0x63: {  	_ =	swait.ge [sflag:s26], $0x2000  }
0x64: {  	[sflag:s26] =	ssyncset.done $0x0  }
0x65: {  	s9 =	simm.s32 $0x2980;
	[sflag:s26] =	ssyncadd.s32 $0xFFFFE000  }
0x66: {  	[spmem:s2] =	stream.indirect.scatter.add.f32 [tilespmem:s21], [sflag:$0x9], $0x40, s9, s18, $0xb8;
	[tilespmem:$0x18E00] =	vst v63  }
0x67: {  	_ =	swait.ge [sflag:s28], $0x2000  }
0x68: {  	[sflag:s28] =	ssyncset.done $0x0  }
0x69: {  	s10 =	simm.s32 $0x2A00;
	[sflag:s28] =	ssyncadd.s32 $0xFFFFE000  }
0x6a: {  	[spmem:s2] =	stream.indirect.scatter.add.f32 [tilespmem:s22], [sflag:$0xA], $0x40, s10, s18, $0xb8;
	[tilespmem:$0x18E00] =	vst v63  }
0x6b: {  	_ =	swait.ge [sflag:s29], $0x2000  }
0x6c: {  	[sflag:s29] =	ssyncset.done $0x0  }
0x6d: {  	[sflag:s29] =	ssyncadd.s32 $0xFFFFE000  }
0x6e: {  	_ =	swait.ge [sflag:s30], $0x2000  }
0x6f: {  	[sflag:s30] =	ssyncset.done $0x0  }
0x70: {  	[sflag:s30] =	ssyncadd.s32 $0xFFFFE000  }
0x71: {  	_ =	swait.ge [sflag:s31], $0x2000  }
0x72: {  	[sflag:s31] =	ssyncset.done $0x0  }
0x73: {  	p2 =	sne.s32 s6, $0x1400;
	[sflag:s31] =	ssyncadd.s32 $0xFFFFE000  }
.Ltmp2:
0x74: {  	_ =	swait.ge [sflag:s1], $0x2000;
	(pc) =	sbr.rel @!p2 .LBB2_5-.Ltmp2, $4  }
0x75: {  	[sflag:s1] =	ssyncset.done $0x0  }
0x76: {  	[sflag:s1] =	ssyncadd.s32 $0xFFFFE000  }
0x77: {  	_ =	swait.ge [sflag:s0], $0x2000  }
0x78: {  	p1 =	por $0x1, $0x1;
	s8 =	simm.s32 $0x1400;
	[sflag:s0] =	ssyncset.done $0x0  }
.LBB2_6:
0x79: {  	s9 =	sshra.s32 s7, $0x2  }
0x7a: {  	[sflag:s0] =	ssyncadd.s32 $0xFFFFE000;
	s7 =	smov.u32 s8;
	s8 =	sadd.s32 $0xA00, s8  }
0x7b: {  	[tilespmem:s16], [sflag:$0x1] =	stream.indirect.gather [hbm4b:s4+s18], $0x40, s9, s18, $0xb8;
	[tilespmem:$0x18E00] =	vst v63  }
0x7c: {  	p2 =	sne.s32 s6, s8;
	s10 =	sadd.s32 $0x80, s9  }
0x7d: {  	[tilespmem:s19], [sflag:$0x2] =	stream.indirect.gather [hbm4b:s4+s18], $0x40, s10, s18, $0xb8;
	[tilespmem:$0x18E00] =	vst v63  }
0x7e: {  	s10 =	sadd.s32 $0x100, s9  }
0x7f: {  	[tilespmem:s20], [sflag:$0x3] =	stream.indirect.gather [hbm4b:s4+s18], $0x40, s10, s18, $0xb8;
	[tilespmem:$0x18E00] =	vst v63  }
0x80: {  	s10 =	sadd.s32 $0x180, s9  }
0x81: {  	[tilespmem:s21], [sflag:$0x4] =	stream.indirect.gather [hbm4b:s4+s18], $0x40, s10, s18, $0xb8;
	[tilespmem:$0x18E00] =	vst v63  }
0x82: {  	s10 =	sadd.s32 $0x200, s9  }
0x83: {  	[tilespmem:s22], [sflag:$0x5] =	stream.indirect.gather [hbm4b:s4+s18], $0x40, s10, s18, $0xb8;
	[tilespmem:$0x18E00] =	vst v63  }
0x84: {  	_ =	swait.ge [sflag:s23], $0x2000  }
0x85: {  	[sflag:s23] =	ssyncset.done $0x0  }
0x86: {  	s10 =	sadd.s32 $0x2800, s9;
	[sflag:s23] =	ssyncadd.s32 $0xFFFFE000  }
0x87: {  	[spmem:s2] =	stream.indirect.scatter.add.f32 [tilespmem:s16], [sflag:$0x6], $0x40, s10, s18, $0xb8;
	[tilespmem:$0x18E00] =	vst v63  }
0x88: {  	_ =	swait.ge [sflag:s24], $0x2000  }
0x89: {  	[sflag:s24] =	ssyncset.done $0x0  }
0x8a: {  	s10 =	sadd.s32 $0x2880, s9;
	[sflag:s24] =	ssyncadd.s32 $0xFFFFE000  }
0x8b: {  	[spmem:s2] =	stream.indirect.scatter.add.f32 [tilespmem:s19], [sflag:$0x7], $0x40, s10, s18, $0xb8;
	[tilespmem:$0x18E00] =	vst v63  }
0x8c: {  	_ =	swait.ge [sflag:s25], $0x2000  }
0x8d: {  	[sflag:s25] =	ssyncset.done $0x0  }
0x8e: {  	s10 =	sadd.s32 $0x2900, s9;
	[sflag:s25] =	ssyncadd.s32 $0xFFFFE000  }
0x8f: {  	[spmem:s2] =	stream.indirect.scatter.add.f32 [tilespmem:s20], [sflag:$0x8], $0x40, s10, s18, $0xb8;
	[tilespmem:$0x18E00] =	vst v63  }
0x90: {  	_ =	swait.ge [sflag:s26], $0x2000  }
0x91: {  	[sflag:s26] =	ssyncset.done $0x0  }
0x92: {  	s10 =	sadd.s32 $0x2980, s9;
	[sflag:s26] =	ssyncadd.s32 $0xFFFFE000  }
0x93: {  	[spmem:s2] =	stream.indirect.scatter.add.f32 [tilespmem:s21], [sflag:$0x9], $0x40, s10, s18, $0xb8;
	[tilespmem:$0x18E00] =	vst v63  }
0x94: {  	_ =	swait.ge [sflag:s28], $0x2000  }
0x95: {  	[sflag:s28] =	ssyncset.done $0x0  }
0x96: {  	s9 =	sadd.s32 $0x2A00, s9;
	[sflag:s28] =	ssyncadd.s32 $0xFFFFE000  }
0x97: {  	[spmem:s2] =	stream.indirect.scatter.add.f32 [tilespmem:s22], [sflag:$0xA], $0x40, s9, s18, $0xb8;
	[tilespmem:$0x18E00] =	vst v63  }
0x98: {  	_ =	swait.ge [sflag:s29], $0x2000  }
0x99: {  	[sflag:s29] =	ssyncset.done $0x0  }
0x9a: {  	[sflag:s29] =	ssyncadd.s32 $0xFFFFE000  }
0x9b: {  	_ =	swait.ge [sflag:s30], $0x2000  }
0x9c: {  	[sflag:s30] =	ssyncset.done $0x0  }
0x9d: {  	[sflag:s30] =	ssyncadd.s32 $0xFFFFE000  }
0x9e: {  	_ =	swait.ge [sflag:s31], $0x2000  }
0x9f: {  	[sflag:s31] =	ssyncset.done $0x0  }
0xa0: {  	[sflag:s31] =	ssyncadd.s32 $0xFFFFE000  }
.Ltmp3:
0xa1: {  	_ =	swait.ge [sflag:s1], $0x2000;
	(pc) =	sbr.rel @p2 .LBB2_6-.Ltmp3, $4  }
0xa2: {  	[sflag:s1] =	ssyncset.done $0x0  }
0xa3: {  	[sflag:s1] =	ssyncadd.s32 $0xFFFFE000  }
0xa4: {  	_ =	swait.ge [sflag:s0], $0x2000  }
0xa5: {  	[sflag:s0] =	ssyncset.done $0x0  }
0xa6: {  	s8 =	smov.u32 s7  }
.LBB2_8:
0xa7: {  	s6 =	sshra.s32 s8, $0x2;
	[sflag:s0] =	ssyncadd.s32 @p1 $0xFFFFE000  }
0xa8: {  	[tilespmem:s16], [sflag:$0x1] =	stream.indirect.gather [hbm4b:s4+s18], $0x40, s6, s18, $0xb8;
	[tilespmem:$0x18E00] =	vst v63  }
0xa9: {  	s7 =	sadd.s32 $0x80, s6  }
0xaa: {  	[tilespmem:s19], [sflag:$0x2] =	stream.indirect.gather [hbm4b:s4+s18], $0x40, s7, s18, $0xb8;
	[tilespmem:$0x18E00] =	vst v63  }
0xab: {  	s8 =	sadd.s32 $0x100, s6  }
0xac: {  	[tilespmem:s20], [sflag:$0x3] =	stream.indirect.gather [hbm4b:s4+s18], $0x40, s8, s18, $0xb8;
	[tilespmem:$0x18E00] =	vst v63  }
0xad: {  	s9 =	sadd.s32 $0x180, s6  }
0xae: {  	[tilespmem:s21], [sflag:$0x4] =	stream.indirect.gather [hbm4b:s4+s18], $0x40, s9, s18, $0xb8;
	[tilespmem:$0x18E00] =	vst v63  }
0xaf: {  	s10 =	sadd.s32 $0x200, s6  }
0xb0: {  	[tilespmem:s22], [sflag:$0x5] =	stream.indirect.gather [hbm4b:s4+s18], $0x40, s10, s18, $0xb8;
	[tilespmem:$0x18E00] =	vst v63  }
0xb1: {  	_ =	swait.ge [sflag:s23], $0x2000  }
0xb2: {  	[sflag:s23] =	ssyncset.done $0x0  }
0xb3: {  	s8 =	sadd.s32 $0x2800, s6;
	[sflag:s23] =	ssyncadd.s32 $0xFFFFE000  }
0xb4: {  	[spmem:s2] =	stream.indirect.scatter.add.f32 [tilespmem:s16], [sflag:$0x6], $0x40, s8, s18, $0xb8;
	[tilespmem:$0x18E00] =	vst v63  }
0xb5: {  	_ =	swait.ge [sflag:s24], $0x2000  }
0xb6: {  	[sflag:s24] =	ssyncset.done $0x0  }
0xb7: {  	s9 =	sadd.s32 $0x2880, s6;
	[sflag:s24] =	ssyncadd.s32 $0xFFFFE000  }
0xb8: {  	[spmem:s2] =	stream.indirect.scatter.add.f32 [tilespmem:s19], [sflag:$0x7], $0x40, s9, s18, $0xb8;
	[tilespmem:$0x18E00] =	vst v63  }
0xb9: {  	_ =	swait.ge [sflag:s25], $0x2000  }
0xba: {  	[sflag:s25] =	ssyncset.done $0x0  }
0xbb: {  	s10 =	sadd.s32 $0x2900, s6;
	[sflag:s25] =	ssyncadd.s32 $0xFFFFE000  }
0xbc: {  	[spmem:s2] =	stream.indirect.scatter.add.f32 [tilespmem:s20], [sflag:$0x8], $0x40, s10, s18, $0xb8;
	[tilespmem:$0x18E00] =	vst v63  }
0xbd: {  	_ =	swait.ge [sflag:s26], $0x2000  }
0xbe: {  	[sflag:s26] =	ssyncset.done $0x0  }
0xbf: {  	s8 =	sadd.s32 $0x2980, s6;
	[sflag:s26] =	ssyncadd.s32 $0xFFFFE000  }
0xc0: {  	[spmem:s2] =	stream.indirect.scatter.add.f32 [tilespmem:s21], [sflag:$0x9], $0x40, s8, s18, $0xb8;
	[tilespmem:$0x18E00] =	vst v63  }
0xc1: {  	_ =	swait.ge [sflag:s28], $0x2000  }
0xc2: {  	[sflag:s28] =	ssyncset.done $0x0  }
0xc3: {  	s6 =	sadd.s32 $0x2A00, s6;
	[sflag:s28] =	ssyncadd.s32 $0xFFFFE000  }
0xc4: {  	[spmem:s2] =	stream.indirect.scatter.add.f32 [tilespmem:s22], [sflag:$0xA], $0x40, s6, s18, $0xb8;
	[tilespmem:$0x18E00] =	vst v63  }
0xc5: {  	_ =	swait.ge [sflag:s29], $0x2000  }
0xc6: {  	[sflag:s29] =	ssyncset.done $0x0  }
0xc7: {  	[sflag:s29] =	ssyncadd.s32 $0xFFFFE000  }
0xc8: {  	_ =	swait.ge [sflag:s30], $0x2000  }
0xc9: {  	[sflag:s30] =	ssyncset.done $0x0  }
0xca: {  	[sflag:s30] =	ssyncadd.s32 $0xFFFFE000  }
0xcb: {  	_ =	swait.ge [sflag:s31], $0x2000  }
0xcc: {  	[sflag:s31] =	ssyncset.done $0x0  }
0xcd: {  	[sflag:s31] =	ssyncadd.s32 $0xFFFFE000  }
0xce: {  	_ =	swait.ge [sflag:s1], $0x2000  }
0xcf: {  	[sflag:s1] =	ssyncset.done $0x0  }
0xd0: {  	[sflag:s1] =	ssyncadd.s32 $0xFFFFE000  }
0xd1: {  	_ =	swait.ge [sflag:s0], $0x2000  }
0xd2: {  	s3 =	sadd.s32 $0x1, s3;
	s9 =	stileid.u32;
	[sflag:s0] =	ssyncset.done $0x0  }
0xd3: {  	p1 =	sne.s32 s3, s15;
	s6 =	sshll.u32 s9, $0x6;
	[sflag:s0] =	ssyncadd.s32 $0xFFFFE000  }
0xd4: {  	s10 =	sshrl.u32 s5, $0x3;
	s6 =	sor.u32 $0x1C0B, s6;
	[bflag:$0x0] =	sbarrier.arrive $0xFFFF  }
0xd5: {  	[hbm:s14], [sflag:s6] =	dma.local [spmem:s10], $0x13C0  }
.Ltmp4:
0xd6: {  	_ = 	snop;
	(pc) =	sbr.rel @p1 .LBB2_1-.Ltmp4, $4  }
.Ltmp5:
0xd7: {  	_ = 	snop;
	(pc) =	sbr.rel @!p1 .LBB2_9-.Ltmp5, $4  }
0xd8: {  	_ =	swait.ge [sflag:s17], $0x13C0  }
0xd9: {  	[sflag:s17] =	ssyncset.done $0x0  }
0xda: {  	[sflag:s17] =	ssyncadd.s32 $0xFFFFEC40  }
0xdb: {  	_ = 	snop  }
.LBB2_5:
.Ltmp6:
0xdc: {  	(pc) =	sbr.rel .LBB2_8-.Ltmp6, $2  }
0xdd: {  	_ =	sdelay $0x2  }
0xde: {  	s8 =	simm.s32 $0xA00  }
.LBB2_9:
0xdf: {  	_ =	sfence.sel $0x180000  }
0xe0: {  	[bflag:$0x0] =	sbarrier.arrive $0xFFFF  }
0xe1: {  	_ =	strace $0x9000004D  }
0xe2: {  	s0 =	stileid.u32;
	[bflag:$0x2] =	sbarrier.arrive $0xFFFF  }
0xe3: {  	p0 =	sne.s32 s0, $0x0;
	s0 =	rddreg [dreg:$0x2]  }
0xe4: {  	s0 =	sadd.s32 @!p0 $0x100000, s0  }
0xe5: {  	[sflag:s0] =	ssyncadd.tile.s32 @!p0 $0x1;
	_ =	shalt  }
.Lfunc_end2:
_tile_overlayer_lowered:
.L_overlay_start_2:
0xe6: {  	(tag) =	ssettag $0x2  }
0xe7: {  	s0 =	rddreg [dreg:$0x0];
	s2 =	stileid.u32  }
0xe8: {  	s1 =	rddreg [dreg:$0x1];
	p0 =	sne.s32 s2, $0x0  }
0xe9: {  	s3 =	rddreg [dreg:$0x2];
	[bflag:$0x3] =	sbarrier.arrive $0xFFFF;
	s2 =	simm.s32 @!p0 $0x1C0B  }
0xea: {  	[timem:s3], [sflag:s2] =	dma.local @!p0 [hbm:s0], s1  }
0xeb: {  	s0 =	simm.s32 @!p0 $0xB  }
0xec: {  	_ =	swait.ge @!p0 [sflag:s0], s1  }
0xed: {  	s1 =	ssub.s32 @!p0 $0x0, s1;
	[sflag:s0] =	ssyncset.done @!p0 $0x0  }
0xee: {  	[sflag:s0] =	ssyncadd.s32 @!p0 s1  }
0xef: {  	[bflag:$0x3] =	sbarrier.arrive $0xFFFF  }
0xf0: {  	_ =	shalt  }

// kernel: kernel.8.cloned.1.call-start
scs
__scs_entry_jumppad:
0x0: {  	(pc) =	sbr.rel $0x88, $3  }
0x1: {  	(tag) =	ssettag $0x0;
	lr =	simm.s32 $0x1  }
0x2: {  	[smem:$0x3F98] =	sst lr;
	_ =	strace $0xD0000000  }
0x3: {  	_ = 	snop  }
0x4: {  	_ = 	snop  }
0x5: {  	_ = 	snop  }
0x6: {  	_ = 	snop  }
0x7: {  	_ = 	snop  }
__scs_overlays_trampoline_lowered:
0x8: {  	[smem:$0x3FA7] =	sst s0  }
0x9: {  	[smem:$0x3FA8] =	sst s1  }
0xa: {  	[smem:$0x3FA9] =	sst s2  }
0xb: {  	[smem:$0x3FAA] =	sst s3  }
0xc: {  	[smem:$0x3FAB] =	sst s4  }
0xd: {  	[smem:$0x3FAC] =	sst s5  }
0xe: {  	[smem:$0x3FAD] =	sst s6  }
0xf: {  	[smem:$0x3FAE] =	sst s7  }
0x10: {  	[smem:$0x3FAF] =	sst s8  }
0x11: {  	[smem:$0x3FB0] =	sst s9;
	s0 =	simm.s32 @!p0 $0x0  }
0x12: {  	s1 =	sld [smem:$0x3F96];
	s0 =	simm.s32 @p0 $0x1  }
0x13: {  	[smem:$0x3FB1] =	sst s0;
	s0 =	simm.s32 @!p1 $0x0  }
0x14: {  	s2 =	sld [smem:$0x3F95];
	s0 =	simm.s32 @p1 $0x1  }
0x15: {  	[smem:$0x3FB2] =	sst s0;
	s0 =	simm.s32 @!p2 $0x0  }
0x16: {  	s3 =	sld [smem:$0x3FDB];
	s0 =	simm.s32 @p2 $0x1  }
0x17: {  	s4 =	simm.s32 $0x1BF5;
	[smem:$0x3FB4] =	sst s0  }
0x18: {  	s0 =	sld [smem:$0x3F97];
	_ =	swait.ge [sflag:s4], $0x0  }
0x19: {  	s7 =	sld [smem:$0x3F98]  }
0x1a: {  	s8 =	sadd.s32 $0xFFFFE003, lr  }
0x1b: {  	s9 =	sadd.s32 $0xFFFFFEF7, lr;
	s5 =	simm.s32 $0xFFFFFFFF;
	p2 =	slt.u32 s8, $0xFFFFF086  }
0x1c: {  	p1 =	slt.u32 s9, $0xF7A;
	s5 =	simm.s32 @!p2 $0x0  }
0x1d: {  	s5 =	simm.s32 @p1 $0x1;
	p0 =	seq.s32 s7, s2  }
0x1e: {  	s7 =	smul.u32 @!p0 $0xF7A, s2;
	p2 =	seq.s32 @!p0 s5, $0x0  }
0x1f: {  	s9 =	smul.u32 $0xF7A, s1;
	s8 =	simm.s32 @!p0 $0x1BF5;
	p2 =	por !p2, p0  }
0x20: {  	[sflag:s8] =	ssyncset.s32 @!p0 $0xFFFFF086;
	s6 =	sadd.s32 @!p0 s3, s7;
	s7 =	simm.s32 @!p0 $0x108  }
0x21: {  	s3 =	sadd.s32 s3, s9;
	s6 =	sadd.s32 @!p0 $0x88, s6;
	s7 =	simm.s32 @p2 $0x1082  }
0x22: {  	[simem:s7], [sflag:s8] =	dma.local @!p0 [hbm:s6], $0xF7A  }
0x23: {  	s9 =	sor.u32 $0xD0000000, s2;
	s6 =	simm.s32 $0x108;
	_ =	swait.ge @!p0 [sflag:s8], $0x0  }
0x24: {  	s3 =	sadd.s32 $0x88, s3;
	s6 =	simm.s32 @!p1 $0x1082;
	[sflag:s4] =	ssyncset.s32 $0xFFFFF086  }
0x25: {  	[simem:s6], [sflag:s4] =	dma.local [hbm:s3], $0xF7A  }
0x26: {  	[smem:$0x3F98] =	sst s1;
	(tag) =	ssettag s2;
	_ =	strace s9  }
0x27: {  	s1 =	sld [smem:$0x3FA8]  }
0x28: {  	s2 =	sld [smem:$0x3FA9]  }
0x29: {  	s4 =	sld [smem:$0x3FAB]  }
0x2a: {  	p0 =	seq.s32 s5, $0x0;
	s5 =	sld [smem:$0x3FAC]  }
0x2b: {  	s6 =	sld [smem:$0x3FAD]  }
0x2c: {  	s7 =	sld [smem:$0x3FAE]  }
0x2d: {  	s3 =	simm.s32 $0x108;
	s8 =	sld [smem:$0x3FAF]  }
0x2e: {  	s3 =	simm.s32 @!p0 $0x1082;
	s9 =	sld [smem:$0x3FB0]  }
0x2f: {  	lr =	sadd.s32 s0, s3;
	s0 =	sld [smem:$0x3FA7]  }
0x30: {  	s3 =	sld [smem:$0x3FAA]  }
0x31: {  	[smem:$0x3FB3] =	sst s10  }
0x32: {  	s10 =	sld [smem:$0x3FB1];
	_ =	sdelay $0x3  }
0x33: {  	p0 =	seq.s32 s10, $0x1;
	s10 =	sld [smem:$0x3FB3];
	_ =	sdelay $0x3  }
0x34: {  	[smem:$0x3FB3] =	sst s10  }
0x35: {  	s10 =	sld [smem:$0x3FB2];
	_ =	sdelay $0x3  }
0x36: {  	p1 =	seq.s32 s10, $0x1;
	s10 =	sld [smem:$0x3FB3];
	_ =	sdelay $0x3  }
0x37: {  	[smem:$0x3FB3] =	sst s10  }
0x38: {  	s10 =	sld [smem:$0x3FB4]  }
0x39: {  	_ = 	snop;
	(pc) =	sbr.ind lr, $3  }
0x3a: {  	_ = 	snop  }
0x3b: {  	_ = 	snop  }
0x3c: {  	p2 =	seq.s32 s10, $0x1;
	s10 =	sld [smem:$0x3FB3]  }
0x3d: {  	_ =	shalt  }
0x3e: {  	_ =	shalt  }
0x3f: {  	_ =	shalt  }
0x40: {  	_ =	shalt  }
0x41: {  	_ =	shalt  }
0x42: {  	_ =	shalt  }
0x43: {  	_ =	shalt  }
0x44: {  	_ =	shalt  }
0x45: {  	_ =	shalt  }
0x46: {  	_ =	shalt  }
0x47: {  	_ =	shalt  }
0x48: {  	_ =	shalt  }
0x49: {  	_ =	shalt  }
0x4a: {  	_ =	shalt  }
0x4b: {  	_ =	shalt  }
0x4c: {  	_ =	shalt  }
0x4d: {  	_ =	shalt  }
0x4e: {  	_ =	shalt  }
0x4f: {  	_ =	shalt  }
0x50: {  	_ =	shalt  }
0x51: {  	_ =	shalt  }
0x52: {  	_ =	shalt  }
0x53: {  	_ =	shalt  }
0x54: {  	_ =	shalt  }
0x55: {  	_ =	shalt  }
0x56: {  	_ =	shalt  }
0x57: {  	_ =	shalt  }
0x58: {  	_ =	shalt  }
0x59: {  	_ =	shalt  }
0x5a: {  	_ =	shalt  }
0x5b: {  	_ =	shalt  }
0x5c: {  	_ =	shalt  }
0x5d: {  	_ =	shalt  }
0x5e: {  	_ =	shalt  }
0x5f: {  	_ =	shalt  }
0x60: {  	_ =	shalt  }
0x61: {  	_ =	shalt  }
0x62: {  	_ =	shalt  }
0x63: {  	_ =	shalt  }
0x64: {  	_ =	shalt  }
0x65: {  	_ =	shalt  }
0x66: {  	_ =	shalt  }
0x67: {  	_ =	shalt  }
0x68: {  	_ =	shalt  }
0x69: {  	_ =	shalt  }
0x6a: {  	_ =	shalt  }
0x6b: {  	_ =	shalt  }
0x6c: {  	_ =	shalt  }
0x6d: {  	_ =	shalt  }
0x6e: {  	_ =	shalt  }
0x6f: {  	_ =	shalt  }
0x70: {  	_ =	shalt  }
0x71: {  	_ =	shalt  }
0x72: {  	_ =	shalt  }
0x73: {  	_ =	shalt  }
0x74: {  	_ =	shalt  }
0x75: {  	_ =	shalt  }
0x76: {  	_ =	shalt  }
0x77: {  	_ =	shalt  }
0x78: {  	_ =	shalt  }
0x79: {  	_ =	shalt  }
0x7a: {  	_ =	shalt  }
0x7b: {  	_ =	shalt  }
0x7c: {  	_ =	shalt  }
0x7d: {  	_ =	shalt  }
0x7e: {  	_ =	shalt  }
0x7f: {  	_ =	shalt  }
0x80: {  	_ =	shalt  }
0x81: {  	_ =	shalt  }
0x82: {  	_ =	shalt  }
0x83: {  	_ =	shalt  }
0x84: {  	_ =	shalt  }
0x85: {  	_ =	shalt  }
0x86: {  	_ =	shalt  }
0x87: {  	_ =	shalt  }
.Lfunc_end0:
.L_simem_size_0:
called_computation_lowered:
.L_overlay_start_0:
0x88: {  	s2 =	sld [smem:$0x3FD9]  }
0x89: {  	s3 =	sld [smem:$0x3FFE];
	_ =	sdelay $0x1  }
0x8a: {  	s1 =	srdreg.scid  }
0x8b: {  	s0 =	sand.u32 $0x1, s1  }
0x8c: {  	s17 =	sshll.u32 s0, $0xA;
	s2 =	sadd.s32 s3, s2  }
0x8d: {  	s2 =	sadd.s32 s2, s17  }
0x8e: {  	[smem:$0x3FBF] =	sst s2  }
0x8f: {  	_ = 	snop  }
0x90: {  	s2 =	sld [smem:$0x3FD0];
	(tm) =	ssettm $0x1  }
0x91: {  	s18 =	sld [smem:$0x3FFB];
	_ =	sdelay $0x3  }
0x92: {  	_ =	strace s18  }
0x93: {  	s3 =	sld [smem:$0x3FFC];
	_ =	sdelay $0x3  }
0x94: {  	_ =	strace s3  }
0x95: {  	s3 =	sld [smem:$0x3FFD];
	_ =	sdelay $0x3  }
0x96: {  	_ =	strace s3  }
0x97: {  	_ =	strace $0x8FFFFFFF  }
0x98: {  	s19 =	sld [smem:$0x3FDB];
	_ =	sdelay $0x1  }
0x99: {  	s4 =	simm.s32 $_scs_section_size  }
0x9a: {  	s5 =	simm.s32 $_size__tile_overlayer_lowered;
	s6 =	simm.s32 $_tile_overlayer_lowered  }
0x9b: {  	s22 =	simm.s32 $0x1BFF;
	s21 =	sshll.u32 s6, $0x1;
	s3 =	sadd.s32 s4, s19  }
0x9c: {  	s7 =	simm.s32 $0x0;
	s20 =	sshll.u32 s5, $0x1;
	s5 =	sadd.s32 s21, s3  }
0x9d: {  	[timem:s7], [sflag:s22] =	dma.local [hbm:s5], s20  }
0x9e: {  	_ =	swait.ge [sflag:s22], s20  }
0x9f: {  	s4 =	ssub.s32 $0x0, s20;
	[sflag:s22] =	ssyncset.done $0x0  }
0xa0: {  	[sflag:s22] =	ssyncadd.s32 s4;
	_ =	sdelay $0x1  }
0xa1: {  	s23 =	simm.s32 $0x1B8B  }
0xa2: {  	_ =	swait.ge [sflag:s23], $0x1  }
0xa3: {  	[sflag:s23] =	ssyncset.done $0x0  }
0xa4: {  	s25 =	simm.s32 $0x1B8E;
	s24 =	sld [smem:$0x3FFE];
	[sflag:s23] =	ssyncadd.s32 $0xFFFFFFFF  }
0xa5: {  	s26 =	simm.s32 $execute0_lowered;
	[smem:$0x3FD2] =	sst s25  }
0xa6: {  	s5 =	sshll.u32 s26, $0x1;
	_ =	strace $0x80000046;
	[dreg:$0x1] =	wrdreg $0xFFFFFFFF  }
0xa7: {  	s28 =	simm.s32 $_size_execute0_lowered;
	s3 =	sadd.s32 s3, s5;
	[dreg:$0x0] =	wrdreg $0x0  }
0xa8: {  	s5 =	sshll.u32 s28, $0x1;
	[dreg:$0x2] =	wrdreg s3  }
0xa9: {  	[dreg:$0x3] =	wrdreg s5  }
0xaa: {  	[dreg:$0x4] =	wrdreg $0xC0  }
0xab: {  	_ =	task [dreg:s7], $0x5FFFF  }
0xac: {  	[dreg:$0x1] =	wrdreg $0xFFFFFFFF  }
0xad: {  	[dreg:$0x0] =	wrdreg $0x60  }
0xae: {  	[dreg:$0x2] =	wrdreg s24  }
0xaf: {  	[dreg:$0x3] =	wrdreg s2  }
0xb0: {  	[dreg:$0x4] =	wrdreg $0x52800  }
0xb1: {  	[dreg:$0x5] =	wrdreg $0x9  }
0xb2: {  	_ =	task.clear_ibuf [dreg:s7], $0x6FFFF;
	_ =	strace $0x90000046  }
0xb3: {  	s29 =	simm.s32 $0x9;
	_ =	strace $0x80000048  }
0xb4: {  	_ =	swait.ge [sflag:s29], $0x1  }
0xb5: {  	[sflag:s29] =	ssyncadd.s32 $0xFFFFFFFF  }
0xb6: {  	_ =	strace $0x90000048  }
0xb7: {  	_ =	sfence  }
0xb8: {  	s30 =	sld [smem:$0x0];
	_ =	sdelay $0x2  }
0xb9: {  	s31 =	sshll.u32 s1, $0xD;
	s1 =	sshrl.u32 s1, $0x2  }
0xba: {  	s3 =	sand.u32 $0x4000, s31;
	s1 =	sadd.s32 s1, s30  }
0xbb: {  	s0 =	sor.u32 s3, s0;
	s1 =	sshll.u32 s1, $0x11  }
0xbc: {  	s0 =	sor.u32 s1, s0  }
0xbd: {  	s0 =	sadd.s32 $0x8F2B, s0  }
0xbe: {  	[sflag:s0] =	ssyncadd.remote.s32 $0x1  }
0xbf: {  	_ =	sfence.sel $0xFFFF  }
0xc0: {  	[dreg:$0x0] =	wrdreg $0xFFFFFFFF;
	(pc) =	sbr.abs _section_cstart, $3  }
0xc1: {  	[dreg:$0x1] =	wrdreg $0xFFFFFFFF  }
0xc2: {  	_ =	task.clear_ibuf [dreg:s7], $0x2FFFF;
	_ =	strace $0x9FFFFFFF  }
0xc3: {  	(tm) =	ssettm $0x7FFFFFFF  }
tec
execute0_lowered:
.L_overlay_start_1:
0x0: {  	(tag) =	ssettag $0x1  }
0x1: {  	s7 =	rddreg [dreg:$0x0]  }
0x2: {  	s2 =	rddreg [dreg:$0x1];
	s0 =	srdreg.scid  }
0x3: {  	s3 =	rddreg [dreg:$0x2];
	s1 =	stileid.u32  }
0x4: {  	s4 =	simm.s32 $0x0;
	s15 =	simm.s32 $0x2A80;
	s16 =	simm.s32 $0x80  }
0x5: {  	s17 =	simm.s32 $0x2880;
	s18 =	simm.s32 $0x3280;
	s19 =	simm.s32 $0x2900  }
0x6: {  	s20 =	simm.s32 $0x3A80;
	s21 =	simm.s32 $0x2980;
	s22 =	simm.s32 $0x4280  }
0x7: {  	s23 =	simm.s32 $0x2A00;
	s24 =	simm.s32 $0x4A80;
	s25 =	simm.s32 $0x0  }
0x8: {  	s5 =	sand.u32 $0x1, s0;
	s0 =	rddreg [dreg:$0x3];
	s8 =	smul.u32 $0x280, s1  }
0x9: {  	[smem:$0x7FF] =	sst s4;
	s31 =	sshll.u32 s1, $0x6;
	s6 =	sshll.u32 s5, $0x4  }
0xa: {  	s29 =	smul.u32 $0x2800, s5;
	_ =	strace $0x80000047;
	s10 =	ssub.s32 $0x2, s5  }
0xb: {  	s5 =	sadd.s32 $0x16800, s7;
	s11 =	sor.u32 s1, s6;
	s12 =	sshrl.u32 s10, $0x1  }
0xc: {  	s30 =	sshrl.u32 s8, $0x3;
	s14 =	sadd.s32 s8, s3;
	s9 =	smul.u32 $0x500, s11  }
0xd: {  	s6 =	sadd.s32 s8, s29;
	s10 =	ssub.s32 s10, s12;
	s8 =	sadd.s32 s5, s30  }
0xe: {  	p0 =	seq.s32 s11, $0x1F;
	s11 =	simm.s32 $0x2800;
	s12 =	simm.s32 $0x1  }
0xf: {  	s14 =	sshrl.u32 s14, $0x3;
	s6 =	sshrl.u32 s6, $0x3;
	s10 =	smax.u32 s10, $0x1  }
0x10: {  	s9 =	sadd.s32 s9, s7;
	s13 =	sadd.s32 s6, s7;
	s7 =	sadd.s32 $0x16500, s7  }
0x11: {  	v0 =	vimm.f32 $1.000000000e+00;
	s6 =	sadd.s32 $0xCA00, s9;
	s9 =	sadd.s32 $0x16E00, s13;
	s13 =	sor.u32 $0x1C01, s31  }
.LBB2_1:
0x12: {  	s26 =	simm.s32 @p0 $0x0  }
0x13: {  	[tilespmem:s26], [sflag:$0x1] =	stream.linear.gather @p0 [hbm4b:s7+s26], $0xA00, $0x38;
	[tilespmem:$0x5500] =	vst v63  }
0x14: {  	s26 =	simm.s32 @p0 $0x1  }
0x15: {  	_ =	swait.ge @p0 [sflag:s26], $0xA00  }
0x16: {  	[sflag:s26] =	ssyncset.done @p0 $0x0  }
0x17: {  	[sflag:s26] =	ssyncadd.s32 @p0 $0xFFFFF600;
	s26 =	simm.s32 @!p0 $0x0  }
0x18: {  	[tilespmem:s26], [sflag:$0x1] =	stream.linear.gather @!p0 [hbm4b:s6+s26], $0x2800, $0x38;
	[tilespmem:$0x5500] =	vst v63  }
0x19: {  	s26 =	simm.s32 @!p0 $0x1  }
0x1a: {  	_ =	swait.ge @!p0 [sflag:s26], $0x2800  }
0x1b: {  	[sflag:s26] =	ssyncset.done @!p0 $0x0  }
0x1c: {  	[sflag:s26] =	ssyncadd.s32 @!p0 $0xFFFFD800  }
0x1d: {  	[tilespmem:s11], [sflag:$0x1] =	stream.linear.gather [hbm4b:s2+s4], $0x280, $0x38;
	[tilespmem:$0x5500] =	vst v63  }
0x1e: {  	_ =	swait.ge [sflag:s12], $0x280  }
0x1f: {  	[sflag:s12] =	ssyncset.done $0x0  }
0x20: {  	s26 =	simm.s32 @!p0 $0x280;
	[sflag:s12] =	ssyncadd.s32 $0xFFFFFD80  }
0x21: {  	[spmem:s14], [sflag:s13] =	dma.local [hbm:s8], $0x50  }
0x22: {  	s26 =	simm.s32 @p0 $0xA0;
	_ =	swait.ge [sflag:s12], $0x50  }
0x23: {  	s26 =	sshll.u32 s26, $0x6;
	[sflag:s12] =	ssyncset.done $0x0  }
0x24: {  	p1 =	sne.s32 s26, $0x40;
	[sflag:s12] =	ssyncadd.s32 $0xFFFFFFB0  }
0x25: {  	[tilespmem:s15], [sflag:$0x1] =	stream.linear.gather [hbm4b:s5+s4], $0x2800, $0x38;
	[tilespmem:$0x5500] =	vst v63  }
.Ltmp0:
0x26: {  	_ = 	snop;
	(pc) =	sbr.rel @!p1 .LBB2_3-.Ltmp0, $4  }
0x27: {  	s28 =	sand.u32 $0xFFFFFE00, s4;
	_ =	swait.ge [sflag:s12], $0x2800  }
0x28: {  	s29 =	sand.u32 $0x70, s4;
	s28 =	sshra.s32 s28, $0x2;
	[sflag:s12] =	ssyncset.done $0x0  }
0x29: {  	s29 =	sor.u32 s29, s28;
	[sflag:s12] =	ssyncadd.s32 $0xFFFFD800  }
0x2a: {  	s28 =	simm.s32 $0x40;
	v1 =	vld [tilespmem:s29+$0x0];
	s29 =	simm.s32 $0x0  }
.LBB2_2:
0x2b: {  	_ =	sdelay $0x1  }
0x2c: {  	s30 =	sand.u32 $0xFFFFFE00, s28;
	s28 =	sadd.s32 $0x40, s28  }
0x2d: {  	p1 =	sne.s32 s26, s28  }
.Ltmp1:
0x2e: {  	_ = 	snop;
	(pc) =	sbr.rel @p1 .LBB2_2-.Ltmp1, $4  }
0x2f: {  	s29 =	sadd.s32 $0x10, s29  }
0x30: {  	s31 =	sand.u32 $0x70, s29;
	s30 =	sshra.s32 s30, $0x2  }
0x31: {  	s30 =	sor.u32 s31, s30;
	[tilespmem:v1+s15+$0x0] =	vst.idx.add.f32.msk $0xffff, v0  }
0x32: {  	v1 =	vld [tilespmem:s30+$0x0]  }
.LBB2_3:
0x33: {  	_ =	sdelay $0x7  }
0x34: {  	[tilespmem:v1+s15+$0x0] =	vst.idx.add.f32.msk $0xffff, v0  }
0x35: {  	[bflag:$0x0] =	sbarrier.arrive $0xFFFF  }
0x36: {  	[spmem:s3] =	stream.indirect.scatter.add.f32 [tilespmem:s15], [sflag:$0x1], $0x10, s11, s16, $0xb8;
	[tilespmem:$0x5500] =	vst v63  }
0x37: {  	_ =	swait.ge [sflag:s12], $0x800  }
0x38: {  	[sflag:s12] =	ssyncset.done $0x0  }
0x39: {  	[sflag:s12] =	ssyncadd.s32 $0xFFFFF800  }
0x3a: {  	[spmem:s3] =	stream.indirect.scatter.add.f32 [tilespmem:s18], [sflag:$0x1], $0x10, s17, s16, $0xb8;
	[tilespmem:$0x5500] =	vst v63  }
0x3b: {  	_ =	swait.ge [sflag:s12], $0x800  }
0x3c: {  	[sflag:s12] =	ssyncset.done $0x0  }
0x3d: {  	[sflag:s12] =	ssyncadd.s32 $0xFFFFF800  }
0x3e: {  	[spmem:s3] =	stream.indirect.scatter.add.f32 [tilespmem:s20], [sflag:$0x1], $0x10, s19, s16, $0xb8;
	[tilespmem:$0x5500] =	vst v63  }
0x3f: {  	_ =	swait.ge [sflag:s12], $0x800  }
0x40: {  	[sflag:s12] =	ssyncset.done $0x0  }
0x41: {  	[sflag:s12] =	ssyncadd.s32 $0xFFFFF800  }
0x42: {  	[spmem:s3] =	stream.indirect.scatter.add.f32 [tilespmem:s22], [sflag:$0x1], $0x10, s21, s16, $0xb8;
	[tilespmem:$0x5500] =	vst v63  }
0x43: {  	_ =	swait.ge [sflag:s12], $0x800  }
0x44: {  	[sflag:s12] =	ssyncset.done $0x0  }
0x45: {  	[sflag:s12] =	ssyncadd.s32 $0xFFFFF800  }
0x46: {  	[spmem:s3] =	stream.indirect.scatter.add.f32 [tilespmem:s24], [sflag:$0x1], $0x10, s23, s16, $0xb8;
	[tilespmem:$0x5500] =	vst v63  }
0x47: {  	_ =	swait.ge [sflag:s12], $0x800  }
0x48: {  	s25 =	sadd.s32 $0x1, s25;
	[sflag:s12] =	ssyncset.done $0x0  }
0x49: {  	p1 =	sne.s32 s25, s10;
	[sflag:s12] =	ssyncadd.s32 $0xFFFFF800  }
.Ltmp2:
0x4a: {  	[bflag:$0x0] =	sbarrier.arrive $0xFFFF;
	(pc) =	sbr.rel @p1 .LBB2_1-.Ltmp2, $4  }
0x4b: {  	[hbm:s9], [sflag:s13] =	dma.local [spmem:s14], $0x50  }
0x4c: {  	_ =	swait.ge [sflag:s12], $0x50  }
0x4d: {  	[sflag:s12] =	ssyncset.done $0x0  }
0x4e: {  	[sflag:s12] =	ssyncadd.s32 $0xFFFFFFB0  }
0x4f: {  	_ =	sfence.sel $0x180000  }
0x50: {  	[bflag:$0x0] =	sbarrier.arrive $0xFFFF  }
0x51: {  	p0 =	sne.s32 s1, $0x0;
	_ =	strace $0x90000047  }
0x52: {  	s0 =	sadd.s32 @!p0 $0x100000, s0;
	[bflag:$0x2] =	sbarrier.arrive $0xFFFF  }
0x53: {  	[sflag:s0] =	ssyncadd.tile.s32 @!p0 $0x1;
	_ =	shalt  }
.Lfunc_end2:
_tile_overlayer_lowered:
.L_overlay_start_2:
0x54: {  	(tag) =	ssettag $0x2  }
0x55: {  	s0 =	rddreg [dreg:$0x0];
	s2 =	stileid.u32  }
0x56: {  	s1 =	rddreg [dreg:$0x1];
	p0 =	sne.s32 s2, $0x0  }
0x57: {  	s3 =	rddreg [dreg:$0x2];
	[bflag:$0x3] =	sbarrier.arrive $0xFFFF;
	s2 =	simm.s32 @!p0 $0x1C01  }
0x58: {  	[timem:s3], [sflag:s2] =	dma.local @!p0 [hbm:s0], s1  }
0x59: {  	s0 =	simm.s32 @!p0 $0x1  }
0x5a: {  	_ =	swait.ge @!p0 [sflag:s0], s1  }
0x5b: {  	s1 =	ssub.s32 @!p0 $0x0, s1;
	[sflag:s0] =	ssyncset.done @!p0 $0x0  }
0x5c: {  	[sflag:s0] =	ssyncadd.s32 @!p0 s1  }
0x5d: {  	[bflag:$0x3] =	sbarrier.arrive $0xFFFF  }
0x5e: {  	_ =	shalt  }

</sc_bundles>
